<compile_context>
chip_gen: v7x
topology: tpu7x:2x2x1
jax: 0.10.2.dev20260603
libtpu: 0.0.44.dev20260713+nightly
codegen_flags: <defaults>
</compile_context>

<pallas_src>
import functools

import jax
import jax.numpy as jnp
from jax import lax
from jax.experimental import pallas as pl
from jax.experimental.pallas import tpu as pltpu
from jax.experimental.pallas import tpu_sc as plsc

N_NODES = 10000
N_EDGES = 160000
NS = 16
CHUNK = 80
EPT = N_EDGES // NS
NCH = EPT // CHUNK
F32 = jnp.float32


def _fill_zeros_2d(buf, rows, cols):
  z16 = jnp.zeros((16,), F32)

  @pl.loop(0, rows)
  def _(r):
    @pl.loop(0, cols // 16)
    def _(k):
      buf[r, pl.ds(k * 16, 16)] = z16


def _fill_1d(buf, n, value):
  v16 = jnp.full((16,), value, F32)

  @pl.loop(0, n // 16)
  def _(k):
    buf[pl.ds(k * 16, 16)] = v16


def _make_sc_scatter(d_half, with_deg):
  mesh = plsc.VectorSubcoreMesh(core_axis_name="c", subcore_axis_name="s")
  out_type = [
      jax.ShapeDtypeStruct((N_NODES, d_half), F32),
      jax.ShapeDtypeStruct((N_NODES, d_half), F32),
  ]
  scratch = [
      pltpu.VMEM((NCH, CHUNK), jnp.int32),
      pltpu.VMEM((NCH, CHUNK), jnp.int32),
      pltpu.VMEM((CHUNK, d_half), F32),
      pltpu.VMEM((8, d_half), F32),
      pltpu.VMEM_SHARED((N_NODES, d_half), F32),
      pltpu.SemaphoreType.DMA,
  ]
  if with_deg:
    out_type.append(jax.ShapeDtypeStruct((N_NODES,), F32))
    scratch += [
        pltpu.VMEM((CHUNK,), F32),
        pltpu.VMEM((2000,), F32),
        pltpu.VMEM_SHARED((N_NODES,), F32),
    ]

  def body(tab0, tab1, src_hbm, dst_hbm, out0, out1, *rest):
    if with_deg:
      deg_out = rest[0]
      src_v, dst_v, rows_v, zbuf, acc, sem, ones_v, dz_v, dacc = rest[1:]
    else:
      src_v, dst_v, rows_v, zbuf, acc, sem = rest

    c = lax.axis_index("c")
    s = lax.axis_index("s")

    start = jnp.where(s < 2, s * 632, 1264 + (s - 2) * 624)
    ngroups = jnp.where(s < 2, 79, 78)

    _fill_zeros_2d(zbuf, 8, d_half)

    @pl.loop(0, ngroups)
    def _(i):
      pltpu.sync_copy(zbuf, acc.at[pl.ds(start + i * 8, 8)])

    if with_deg:
      @pl.when(jnp.logical_and(c == 0, s == 0))
      def _():
        _fill_1d(dz_v, 2000, 0.0)

        @pl.loop(0, N_NODES // 2000)
        def _(i):
          pltpu.sync_copy(dz_v, dacc.at[pl.ds(i * 2000, 2000)])

      @pl.when(c == 0)
      def _():
        _fill_1d(ones_v, CHUNK, 1.0)

    pltpu.sync_copy(src_hbm.at[s], src_v)
    pltpu.sync_copy(dst_hbm.at[s], dst_v)

    plsc.subcore_barrier()

    def edge_loop(tab):
      @pl.loop(0, NCH)
      def _(j):
        pltpu.async_copy(tab.at[src_v.at[j]], rows_v, sem).wait()
        pltpu.sync_copy(rows_v, acc.at[dst_v.at[j]], add=True)

    @pl.when(c == 0)
    def _():
      edge_loop(tab0)

    @pl.when(c == 1)
    def _():
      edge_loop(tab1)

    if with_deg:
      @pl.when(c == 0)
      def _():
        @pl.loop(0, NCH)
        def _(j):
          pltpu.sync_copy(ones_v, dacc.at[dst_v.at[j]], add=True)

    plsc.subcore_barrier()

    def writeout(out):
      @pl.when(s < 2)
      def _():
        pltpu.sync_copy(acc.at[pl.ds(start, 632)], out.at[pl.ds(start, 632)])

      @pl.when(s >= 2)
      def _():
        pltpu.sync_copy(acc.at[pl.ds(start, 624)], out.at[pl.ds(start, 624)])

    @pl.when(c == 0)
    def _():
      writeout(out0)

    @pl.when(c == 1)
    def _():
      writeout(out1)

    if with_deg:
      @pl.when(jnp.logical_and(c == 0, s == 0))
      def _():
        pltpu.sync_copy(dacc, deg_out)

  return pl.kernel(body, out_type=tuple(out_type), mesh=mesh,
                   scratch_types=tuple(scratch),
                   compiler_params=pltpu.CompilerParams(
                       use_tc_tiling_on_sc=False))


_sc_sage = _make_sc_scatter(128, with_deg=True)
_sc_cheb1 = _make_sc_scatter(32, with_deg=False)
_sc_cheb2 = _make_sc_scatter(16, with_deg=False)

_RB = 1000
_GRID = N_NODES // _RB
_HI = lax.Precision.HIGHEST


def _tc1_body(x_ref, w0_ref, w1_ref, y0_ref, y1_ref):
  x = x_ref[...]
  y0_ref[...] = jnp.dot(x, w0_ref[...], precision=_HI)
  y1_ref[...] = jnp.dot(x, w1_ref[...], precision=_HI)


def _tc2_body(a0_ref, a1_ref, y0_ref, y1_ref, deg_ref, b_ref, wc_ref,
              u0_ref, u2_ref, un0_ref, un1_ref, norm_ref):
  a = jnp.concatenate([a0_ref[...] + y0_ref[...],
                       a1_ref[...] + y1_ref[...]], axis=1)
  degb = deg_ref[...]
  h = a / (degb + 1.0) + b_ref[...]
  h = jnp.where(h > 0, h, 0.01 * h)
  p = jnp.dot(h, wc_ref[...], precision=_HI)
  norm = lax.rsqrt(jnp.maximum(degb, 1.0))
  u0_ref[...] = p[:, 0:32]
  u2_ref[...] = p[:, 64:96]
  un0_ref[...] = p[:, 32:64] * norm
  un1_ref[...] = p[:, 64:96] * norm
  norm_ref[...] = norm


def _tc3_body(s2a_ref, norm_ref, v0_ref, v1_ref):
  norm = norm_ref[...]
  v = -s2a_ref[...] * (norm * norm)
  v0_ref[...] = v[:, 0:16]
  v1_ref[...] = v[:, 16:32]


def _tc4_body(u0_ref, u2_ref, s1_ref, sb0_ref, sb1_ref, norm_ref,
              bc_ref, wf_ref, bf_ref, out_ref):
  norm = norm_ref[...]
  s2b = jnp.concatenate([sb0_ref[...], sb1_ref[...]], axis=1)
  h2 = (u0_ref[...] - (s1_ref[...] + 2.0 * s2b) * norm - u2_ref[...]
        + bc_ref[...])
  h2 = jnp.where(h2 > 0, h2, 0.01 * h2)
  out_ref[...] = jnp.dot(h2, wf_ref[...], precision=_HI) + bf_ref[...]


def _row_spec(cols):
  return pl.BlockSpec((_RB, cols), lambda i: (i, 0))


def _full_spec(shape):
  return pl.BlockSpec(shape, lambda i: tuple(0 for _ in shape))


_tc1 = pl.pallas_call(
    _tc1_body,
    grid=(_GRID,),
    in_specs=[_row_spec(256), _full_spec((256, 128)), _full_spec((256, 128))],
    out_specs=[_row_spec(128), _row_spec(128)],
    out_shape=[jax.ShapeDtypeStruct((N_NODES, 128), F32)] * 2,
)

_tc2 = pl.pallas_call(
    _tc2_body,
    grid=(_GRID,),
    in_specs=[_row_spec(128), _row_spec(128), _row_spec(128), _row_spec(128),
              _row_spec(1), _full_spec((1, 256)), _full_spec((256, 96))],
    out_specs=[_row_spec(32), _row_spec(32), _row_spec(32), _row_spec(32),
               _row_spec(1)],
    out_shape=[jax.ShapeDtypeStruct((N_NODES, 32), F32)] * 4
    + [jax.ShapeDtypeStruct((N_NODES, 1), F32)],
)

_tc3 = pl.pallas_call(
    _tc3_body,
    grid=(_GRID,),
    in_specs=[_row_spec(32), _row_spec(1)],
    out_specs=[_row_spec(16), _row_spec(16)],
    out_shape=[jax.ShapeDtypeStruct((N_NODES, 16), F32)] * 2,
)

_tc4 = pl.pallas_call(
    _tc4_body,
    grid=(_GRID,),
    in_specs=[_row_spec(32), _row_spec(32), _row_spec(32), _row_spec(16),
              _row_spec(16), _row_spec(1), _full_spec((1, 32)),
              _full_spec((32, 40)), _full_spec((1, 40))],
    out_specs=_row_spec(40),
    out_shape=jax.ShapeDtypeStruct((N_NODES, 40), F32),
)


def kernel(features, edge_index, W_sage, b_sage, W_cheb, b_cheb, W_fc, b_fc):
  ei = edge_index.astype(jnp.int32)
  src = ei[0].reshape(NS, NCH, CHUNK)
  dst = ei[1].reshape(NS, NCH, CHUNK)

  y0, y1 = _tc1(features, W_sage[:, :128], W_sage[:, 128:])
  agg0, agg1, deg = _sc_sage(y0, y1, src, dst)

  wc96 = jnp.concatenate([W_cheb[0:256], W_cheb[256:512], W_cheb[512:768]],
                         axis=1)
  u0, u2, un1, un2, norm = _tc2(agg0, agg1, y0, y1, deg.reshape(N_NODES, 1),
                                b_sage.reshape(1, 256), wc96)
  s1, s2a = _sc_cheb1(un1, un2, src, dst)
  v0, v1 = _tc3(s2a, norm)
  s2b0, s2b1 = _sc_cheb2(v0, v1, src, dst)
  out = _tc4(u0, u2, s1, s2b0, s2b1, norm, b_cheb.reshape(1, 32), W_fc,
             b_fc.reshape(1, 40))
  return out

# --- scband reference (transcript-rebuilt; emitter-appended) ---
"""Pipeline reference for scband-gnnmodel-82506321756626 (READ-ONLY COPY).

The authoritative reference and input builder live on the scoring server;
editing this copy changes nothing except your own understanding.
"""

import jax, jax.numpy as jnp
import numpy as np

N = 10000
E = 160000
D_IN = 256
D_HID = 256
D_CHEB = 32
D_OUT = 40
K = 3


def setup_inputs(seed: int = 0) -> dict:
    key = jax.random.key(seed)
    ks = jax.random.split(key, 8)
    features = jax.random.normal(ks[0], (N, D_IN), dtype=jnp.float32)
    edge_index = jax.random.randint(ks[1], (2, E), 0, N)
    W_sage = jax.random.normal(ks[2], (D_IN, D_HID), dtype=jnp.float32) * 0.05
    b_sage = jnp.zeros((D_HID,), dtype=jnp.float32)
    W_cheb = jax.random.normal(ks[3], (K * D_HID, D_CHEB), dtype=jnp.float32) * 0.05
    b_cheb = jnp.zeros((D_CHEB,), dtype=jnp.float32)
    W_fc = jax.random.normal(ks[4], (D_CHEB, D_OUT), dtype=jnp.float32) * 0.05
    b_fc = jnp.zeros((D_OUT,), dtype=jnp.float32)
    return {"features": features, "edge_index": edge_index,
            "W_sage": W_sage, "b_sage": b_sage,
            "W_cheb": W_cheb, "b_cheb": b_cheb,
            "W_fc": W_fc, "b_fc": b_fc}


def reference(features, edge_index, W_sage, b_sage, W_cheb, b_cheb, W_fc, b_fc):
    src = edge_index[0]
    dst = edge_index[1]
    ones = jnp.ones((E,), dtype=jnp.float32)
    deg = jax.ops.segment_sum(ones, dst, num_segments=N)

    # ---- SAGEConv (aggregator_type='gcn') ----
    # h_neigh = (sum_{j in N(i)} x_j + x_i) / (deg_i + 1); out = fc_neigh(h_neigh)
    agg = jax.ops.segment_sum(features[src], dst, num_segments=N)
    h = (agg + features) / (deg + 1.0)[:, None]
    h = h @ W_sage + b_sage
    h = jax.nn.leaky_relu(h, negative_slope=0.01)

    # ---- ChebConv, k=3, lambda_max=2 ----
    # hat_L = L - I = -D^{-1/2} A D^{-1/2}
    norm = 1.0 / jnp.sqrt(jnp.maximum(deg, 1.0))

    def lhat(X):
        msg = X[src] * norm[src][:, None]
        a = jax.ops.segment_sum(msg, dst, num_segments=N)
        return -(a * norm[:, None])

    T0 = h
    T1 = lhat(h)
    T2 = 2.0 * lhat(T1) - T0
    h2 = jnp.concatenate([T0, T1, T2], axis=1) @ W_cheb + b_cheb
    h2 = jax.nn.leaky_relu(h2, negative_slope=0.01)

    # dropout is identity in eval mode
    out = h2 @ W_fc + b_fc
    return out

if __name__ == "__main__":
    import jax
    _d = setup_inputs()
    print(jax.jit(kernel)(*tuple(_d.values())))

</pallas_src>

<mosaic_0001>
#map = affine_map<(d0, d1) -> (0, 0)>
#map1 = affine_map<(d0, d1) -> (0, 0, 0)>
#map2 = affine_map<(d0, d1) -> (0)>
module attributes {stable_mosaic.version = 14 : i64} {
  func.func @body(%arg0: i32, %arg1: i32, %arg2: memref<10000x128xf32, #tpu.memory_space<hbm>>, %arg3: memref<10000x128xf32, #tpu.memory_space<hbm>>, %arg4: memref<16x125x80xi32, #tpu.memory_space<hbm>>, %arg5: memref<16x125x80xi32, #tpu.memory_space<hbm>>, %arg6: memref<10000x128xf32, #tpu.memory_space<hbm>>, %arg7: memref<10000x128xf32, #tpu.memory_space<hbm>>, %arg8: memref<10000xf32, #tpu.memory_space<hbm>>, %arg9: memref<125x80xi32, #tpu.memory_space<vmem>>, %arg10: memref<125x80xi32, #tpu.memory_space<vmem>>, %arg11: memref<80x128xf32, #tpu.memory_space<vmem>>, %arg12: memref<8x128xf32, #tpu.memory_space<vmem>>, %arg13: memref<10000x128xf32, #tpu.memory_space<vmem_shared>>, %arg14: memref<!tpu.dma_semaphore, #tpu.memory_space<semaphore_mem>>, %arg15: memref<80xf32, #tpu.memory_space<vmem>>, %arg16: memref<2000xf32, #tpu.memory_space<vmem>>, %arg17: memref<10000xf32, #tpu.memory_space<vmem_shared>>) attributes {dimension_semantics = [#tpu.dimension_semantics<core_parallel>, #tpu.dimension_semantics<subcore_parallel>], iteration_bounds = array<i64: 2, 16>, scalar_prefetch = 0 : i64, scratch_operands = 9 : i64, tpu.core_type = #tpu.core_type<sc_vector_subcore>, window_params = [{transform_indices = #map}, {transform_indices = #map}, {transform_indices = #map1}, {transform_indices = #map1}, {transform_indices = #map}, {transform_indices = #map}, {transform_indices = #map2}]} {
    %lt3A = arith.constant 2 : i32
    %lt3A_0 = arith.cmpi slt, %arg1, %lt3A : i32
    %mul3A = arith.constant 632 : i32
    %mul3A_1 = arith.muli %arg1, %mul3A : i32
    %sub3A = arith.constant 2 : i32
    %sub3A_2 = arith.subi %arg1, %sub3A : i32
    %mul3A_3 = arith.constant 624 : i32
    %mul3A_4 = arith.muli %sub3A_2, %mul3A_3 : i32
    %add3A = arith.constant 1264 : i32
    %add3A_5 = arith.addi %add3A, %mul3A_4 : i32
    %select_n3A = arith.select %lt3A_0, %mul3A_1, %add3A_5 : i32
    %lt3A_6 = arith.constant 2 : i32
    %lt3A_7 = arith.cmpi slt, %arg1, %lt3A_6 : i32
    %jit3A = arith.constant 79 : i32
    %jit3A_8 = arith.constant 78 : i32
    %select_n3A_9 = arith.select %lt3A_7, %jit3A, %jit3A_8 : i32
    %broadcast_in_dim3A = arith.constant 0.000000e+00 : f32
    %broadcast_in_dim3A_10 = vector.broadcast %broadcast_in_dim3A : f32 to vector<16xf32>
    %scan3A = arith.constant 0 : i32
    %scan3A_11 = arith.constant 8 : i32
    %scan3A_12 = arith.addi %scan3A, %scan3A_11 : i32
    %scan3A_13 = arith.constant 1 : i32
    scf.for %scan3A_75 = %scan3A to %scan3A_12 step %scan3A_13  : i32 {
      %mul3A_76 = arith.constant 1 : i32
      %mul3A_77 = arith.muli %scan3A_75, %mul3A_76 : i32
      %add3A_78 = arith.constant 0 : i32
      %add3A_79 = arith.addi %add3A_78, %mul3A_77 : i32
      %scan3A_80 = arith.constant 0 : i32
      %scan3A_81 = arith.constant 8 : i32
      %scan3A_82 = arith.addi %scan3A_80, %scan3A_81 : i32
      %scan3A_83 = arith.constant 1 : i32
      scf.for %scan3A_85 = %scan3A_80 to %scan3A_82 step %scan3A_83  : i32 {
        %mul3A_86 = arith.constant 1 : i32
        %mul3A_87 = arith.muli %scan3A_85, %mul3A_86 : i32
        %add3A_88 = arith.constant 0 : i32
        %add3A_89 = arith.addi %add3A_88, %mul3A_87 : i32
        %mul3A_90 = arith.constant 16 : i32
        %mul3A_91 = arith.muli %add3A_89, %mul3A_90 : i32
        %swap3A = arith.index_cast %add3A_79 : i32 to index
        %swap3A_92 = arith.index_cast %mul3A_91 : i32 to index
        %swap3A_93 = tpu.vector_load %arg12[%swap3A, %swap3A_92] {strides = array<i32>} : memref<8x128xf32, #tpu.memory_space<vmem>>, vector<1x16xf32>,
        %swap3A_94 = vector.shape_cast %swap3A_93 : vector<1x16xf32> to vector<16xf32>
        %swap3A_95 = vector.shape_cast %broadcast_in_dim3A_10 : vector<16xf32> to vector<1x16xf32>
        tpu.vector_store %arg12[%swap3A, %swap3A_92], %swap3A_95 {strides = array<i32>} : memref<8x128xf32, #tpu.memory_space<vmem>>, vector<1x16xf32>,
      }
      %scan3A_84 = arith.constant 8 : i32
    }
    %scan3A_14 = arith.constant 8 : i32
    %sub3A_15 = arith.constant 0 : i32
    %sub3A_16 = arith.subi %select_n3A_9, %sub3A_15 : i32
    %sub3A_17 = arith.constant 1 : i32
    %sub3A_18 = arith.constant 1 : i32
    %sub3A_19 = arith.subi %sub3A_17, %sub3A_18 : i32
    %add3A_20 = arith.addi %sub3A_16, %sub3A_19 : i32
    %div3A = arith.constant 1 : i32
    %div3A_21 = arith.divsi %add3A_20, %div3A : i32
    %while3A = arith.constant 1 : i32
    %while3A_22 = arith.constant 0 : i32
    %while3A_23 = arith.constant 0 : i32
    %while3A_24 = arith.subi %div3A_21, %while3A_23 : i32
    %while3A_25 = arith.addi %while3A_23, %while3A_24 : i32
    %while3A_26 = arith.constant 1 : i32
    %while3A_27 = arith.divsi %while3A_24, %while3A_26 : i32
    %while3A_28 = arith.muli %while3A_27, %while3A_26 : i32
    %while3A_29 = arith.addi %while3A_23, %while3A_28 : i32
    %while3A_30 = arith.constant 1 : i32
    scf.for %while3A_75 = %while3A_23 to %while3A_29 step %while3A_30  : i32 {
      %mul3A_76 = arith.muli %while3A_75, %while3A : i32
      %add3A_77 = arith.addi %while3A_22, %mul3A_76 : i32
      %mul3A_78 = arith.constant 8 : i32
      %mul3A_79 = arith.muli %add3A_77, %mul3A_78 : i32
      %add3A_80 = arith.addi %select_n3A, %mul3A_79 : i32
      "tpu.region"() ({
        %run_scoped3A = tpu.sem_alloc : memref<!tpu.dma_semaphore, #tpu.memory_space<semaphore_mem>>
        %dma_start3A = arith.constant 0 : i32
        %dma_start3A_81 = tpu.memref_slice %arg13[%add3A_80, %dma_start3A] : memref<10000x128xf32, #tpu.memory_space<vmem_shared>> -> memref<8x128xf32, #tpu.memory_space<vmem_shared>>
        %dma_start3A_82 = arith.constant 0 : i32
        %dma_start3A_83 = tpu.memref_slice %arg13[%add3A_80, %dma_start3A_82] : memref<10000x128xf32, #tpu.memory_space<vmem_shared>> -> memref<8x128xf32, #tpu.memory_space<vmem_shared>>
        tpu.enqueue_dma source(%arg12 : memref<8x128xf32, #tpu.memory_space<vmem>>) target(%dma_start3A_83 : memref<8x128xf32, #tpu.memory_space<vmem_shared>>) target_semaphore(%run_scoped3A : memref<!tpu.dma_semaphore, #tpu.memory_space<semaphore_mem>>)
        %dma_wait3A = arith.constant 0 : i32
        %dma_wait3A_84 = tpu.memref_slice %arg13[%add3A_80, %dma_wait3A] : memref<10000x128xf32, #tpu.memory_space<vmem_shared>> -> memref<8x128xf32, #tpu.memory_space<vmem_shared>>
        %dma_wait3A_85 = arith.constant 0 : i32
        %dma_wait3A_86 = tpu.memref_slice %arg13[%add3A_80, %dma_wait3A_85] : memref<10000x128xf32, #tpu.memory_space<vmem_shared>> -> memref<8x128xf32, #tpu.memory_space<vmem_shared>>
        tpu.wait_dma2 semaphore(%run_scoped3A : memref<!tpu.dma_semaphore, #tpu.memory_space<semaphore_mem>>) src(%arg12 : memref<8x128xf32, #tpu.memory_space<vmem>>) dst(%dma_wait3A_86 : memref<8x128xf32, #tpu.memory_space<vmem_shared>>)
        tpu.yield
      }) : () -> ()
    }
    %while3A_31 = arith.constant 1 : i32
    scf.for %while3A_75 = %while3A_29 to %while3A_25 step %while3A_31  : i32 {
      %mul3A_76 = arith.muli %while3A_75, %while3A : i32
      %add3A_77 = arith.addi %while3A_22, %mul3A_76 : i32
      %mul3A_78 = arith.constant 8 : i32
      %mul3A_79 = arith.muli %add3A_77, %mul3A_78 : i32
      %add3A_80 = arith.addi %select_n3A, %mul3A_79 : i32
      "tpu.region"() ({
        %run_scoped3A = tpu.sem_alloc : memref<!tpu.dma_semaphore, #tpu.memory_space<semaphore_mem>>
        %dma_start3A = arith.constant 0 : i32
        %dma_start3A_81 = tpu.memref_slice %arg13[%add3A_80, %dma_start3A] : memref<10000x128xf32, #tpu.memory_space<vmem_shared>> -> memref<8x128xf32, #tpu.memory_space<vmem_shared>>
        %dma_start3A_82 = arith.constant 0 : i32
        %dma_start3A_83 = tpu.memref_slice %arg13[%add3A_80, %dma_start3A_82] : memref<10000x128xf32, #tpu.memory_space<vmem_shared>> -> memref<8x128xf32, #tpu.memory_space<vmem_shared>>
        tpu.enqueue_dma source(%arg12 : memref<8x128xf32, #tpu.memory_space<vmem>>) target(%dma_start3A_83 : memref<8x128xf32, #tpu.memory_space<vmem_shared>>) target_semaphore(%run_scoped3A : memref<!tpu.dma_semaphore, #tpu.memory_space<semaphore_mem>>)
        %dma_wait3A = arith.constant 0 : i32
        %dma_wait3A_84 = tpu.memref_slice %arg13[%add3A_80, %dma_wait3A] : memref<10000x128xf32, #tpu.memory_space<vmem_shared>> -> memref<8x128xf32, #tpu.memory_space<vmem_shared>>
        %dma_wait3A_85 = arith.constant 0 : i32
        %dma_wait3A_86 = tpu.memref_slice %arg13[%add3A_80, %dma_wait3A_85] : memref<10000x128xf32, #tpu.memory_space<vmem_shared>> -> memref<8x128xf32, #tpu.memory_space<vmem_shared>>
        tpu.wait_dma2 semaphore(%run_scoped3A : memref<!tpu.dma_semaphore, #tpu.memory_space<semaphore_mem>>) src(%arg12 : memref<8x128xf32, #tpu.memory_space<vmem>>) dst(%dma_wait3A_86 : memref<8x128xf32, #tpu.memory_space<vmem_shared>>)
        tpu.yield
      }) : () -> ()
    }
    %eq3A = arith.constant 0 : i32
    %eq3A_32 = arith.cmpi eq, %arg0, %eq3A : i32
    %eq3A_33 = arith.constant 0 : i32
    %eq3A_34 = arith.cmpi eq, %arg1, %eq3A_33 : i32
    %and3A = arith.andi %eq3A_32, %eq3A_34 : i1
    %convert_element_type3A = arith.extui %and3A : i1 to i32
    %cond3A = arith.constant 0 : i32
    %cond3A_35 = arith.cmpi ne, %convert_element_type3A, %cond3A : i32
    scf.if %cond3A_35 {
      %broadcast_in_dim3A_75 = arith.constant 0.000000e+00 : f32
      %broadcast_in_dim3A_76 = vector.broadcast %broadcast_in_dim3A_75 : f32 to vector<16xf32>
      %scan3A_77 = arith.constant 0 : i32
      %scan3A_78 = arith.constant 125 : i32
      %scan3A_79 = arith.addi %scan3A_77, %scan3A_78 : i32
      %scan3A_80 = arith.constant 1 : i32
      scf.for %scan3A_87 = %scan3A_77 to %scan3A_79 step %scan3A_80  : i32 {
        %mul3A_88 = arith.constant 1 : i32
        %mul3A_89 = arith.muli %scan3A_87, %mul3A_88 : i32
        %add3A_90 = arith.constant 0 : i32
        %add3A_91 = arith.addi %add3A_90, %mul3A_89 : i32
        %mul3A_92 = arith.constant 16 : i32
        %mul3A_93 = arith.muli %add3A_91, %mul3A_92 : i32
        %swap3A = arith.index_cast %mul3A_93 : i32 to index
        %swap3A_94 = tpu.vector_load %arg16[%swap3A] {strides = array<i32>} : memref<2000xf32, #tpu.memory_space<vmem>>, vector<16xf32>,
        %swap3A_95 = vector.shape_cast %swap3A_94 : vector<16xf32> to vector<16xf32>
        %swap3A_96 = vector.shape_cast %broadcast_in_dim3A_76 : vector<16xf32> to vector<16xf32>
        tpu.vector_store %arg16[%swap3A], %swap3A_96 {strides = array<i32>} : memref<2000xf32, #tpu.memory_space<vmem>>, vector<16xf32>,
      }
      %scan3A_81 = arith.constant 125 : i32
      %scan3A_82 = arith.constant 0 : i32
      %scan3A_83 = arith.constant 5 : i32
      %scan3A_84 = arith.addi %scan3A_82, %scan3A_83 : i32
      %scan3A_85 = arith.constant 1 : i32
      scf.for %scan3A_87 = %scan3A_82 to %scan3A_84 step %scan3A_85  : i32 {
        %mul3A_88 = arith.constant 1 : i32
        %mul3A_89 = arith.muli %scan3A_87, %mul3A_88 : i32
        %add3A_90 = arith.constant 0 : i32
        %add3A_91 = arith.addi %add3A_90, %mul3A_89 : i32
        %mul3A_92 = arith.constant 2000 : i32
        %mul3A_93 = arith.muli %add3A_91, %mul3A_92 : i32
        "tpu.region"() ({
          %run_scoped3A = tpu.sem_alloc : memref<!tpu.dma_semaphore, #tpu.memory_space<semaphore_mem>>
          %dma_start3A = tpu.memref_slice %arg17[%mul3A_93] : memref<10000xf32, #tpu.memory_space<vmem_shared>> -> memref<2000xf32, #tpu.memory_space<vmem_shared>>
          %dma_start3A_94 = tpu.memref_slice %arg17[%mul3A_93] : memref<10000xf32, #tpu.memory_space<vmem_shared>> -> memref<2000xf32, #tpu.memory_space<vmem_shared>>
          tpu.enqueue_dma source(%arg16 : memref<2000xf32, #tpu.memory_space<vmem>>) target(%dma_start3A_94 : memref<2000xf32, #tpu.memory_space<vmem_shared>>) target_semaphore(%run_scoped3A : memref<!tpu.dma_semaphore, #tpu.memory_space<semaphore_mem>>)
          %dma_wait3A = tpu.memref_slice %arg17[%mul3A_93] : memref<10000xf32, #tpu.memory_space<vmem_shared>> -> memref<2000xf32, #tpu.memory_space<vmem_shared>>
          %dma_wait3A_95 = tpu.memref_slice %arg17[%mul3A_93] : memref<10000xf32, #tpu.memory_space<vmem_shared>> -> memref<2000xf32, #tpu.memory_space<vmem_shared>>
          tpu.wait_dma2 semaphore(%run_scoped3A : memref<!tpu.dma_semaphore, #tpu.memory_space<semaphore_mem>>) src(%arg16 : memref<2000xf32, #tpu.memory_space<vmem>>) dst(%dma_wait3A_95 : memref<2000xf32, #tpu.memory_space<vmem_shared>>)
          tpu.yield
        }) : () -> ()
      }
      %scan3A_86 = arith.constant 5 : i32
    } else {
    }
    %eq3A_36 = arith.constant 0 : i32
    %eq3A_37 = arith.cmpi eq, %arg0, %eq3A_36 : i32
    %convert_element_type3A_38 = arith.extui %eq3A_37 : i1 to i32
    %cond3A_39 = arith.constant 0 : i32
    %cond3A_40 = arith.cmpi ne, %convert_element_type3A_38, %cond3A_39 : i32
    scf.if %cond3A_40 {
      %broadcast_in_dim3A_75 = arith.constant 1.000000e+00 : f32
      %broadcast_in_dim3A_76 = vector.broadcast %broadcast_in_dim3A_75 : f32 to vector<16xf32>
      %scan3A_77 = arith.constant 0 : i32
      %scan3A_78 = arith.constant 5 : i32
      %scan3A_79 = arith.addi %scan3A_77, %scan3A_78 : i32
      %scan3A_80 = arith.constant 1 : i32
      scf.for %scan3A_82 = %scan3A_77 to %scan3A_79 step %scan3A_80  : i32 {
        %mul3A_83 = arith.constant 1 : i32
        %mul3A_84 = arith.muli %scan3A_82, %mul3A_83 : i32
        %add3A_85 = arith.constant 0 : i32
        %add3A_86 = arith.addi %add3A_85, %mul3A_84 : i32
        %mul3A_87 = arith.constant 16 : i32
        %mul3A_88 = arith.muli %add3A_86, %mul3A_87 : i32
        %swap3A = arith.index_cast %mul3A_88 : i32 to index
        %swap3A_89 = tpu.vector_load %arg15[%swap3A] {strides = array<i32>} : memref<80xf32, #tpu.memory_space<vmem>>, vector<16xf32>,
        %swap3A_90 = vector.shape_cast %swap3A_89 : vector<16xf32> to vector<16xf32>
        %swap3A_91 = vector.shape_cast %broadcast_in_dim3A_76 : vector<16xf32> to vector<16xf32>
        tpu.vector_store %arg15[%swap3A], %swap3A_91 {strides = array<i32>} : memref<80xf32, #tpu.memory_space<vmem>>, vector<16xf32>,
      }
      %scan3A_81 = arith.constant 5 : i32
    } else {
    }
    "tpu.region"() ({
      %run_scoped3A = tpu.sem_alloc : memref<!tpu.dma_semaphore, #tpu.memory_space<semaphore_mem>>
      %dma_start3A = arith.constant 0 : i32
      %dma_start3A_75 = arith.constant 0 : i32
      %dma_start3A_76 = tpu.memref_slice %arg4[%arg1, %dma_start3A, %dma_start3A_75] : memref<16x125x80xi32, #tpu.memory_space<hbm>> -> memref<1x125x80xi32, #tpu.memory_space<hbm>>
      %dma_start3A_77 = tpu.memref_squeeze %dma_start3A_76 : memref<1x125x80xi32, #tpu.memory_space<hbm>> -> memref<125x80xi32, #tpu.memory_space<hbm>>
      %dma_start3A_78 = arith.constant 0 : i32
      %dma_start3A_79 = arith.constant 0 : i32
      %dma_start3A_80 = tpu.memref_slice %arg4[%arg1, %dma_start3A_78, %dma_start3A_79] : memref<16x125x80xi32, #tpu.memory_space<hbm>> -> memref<1x125x80xi32, #tpu.memory_space<hbm>>
      %dma_start3A_81 = tpu.memref_squeeze %dma_start3A_80 : memref<1x125x80xi32, #tpu.memory_space<hbm>> -> memref<125x80xi32, #tpu.memory_space<hbm>>
      tpu.enqueue_dma source(%dma_start3A_81 : memref<125x80xi32, #tpu.memory_space<hbm>>) target(%arg9 : memref<125x80xi32, #tpu.memory_space<vmem>>) target_semaphore(%run_scoped3A : memref<!tpu.dma_semaphore, #tpu.memory_space<semaphore_mem>>)
      %dma_wait3A = arith.constant 0 : i32
      %dma_wait3A_82 = arith.constant 0 : i32
      %dma_wait3A_83 = tpu.memref_slice %arg4[%arg1, %dma_wait3A, %dma_wait3A_82] : memref<16x125x80xi32, #tpu.memory_space<hbm>> -> memref<1x125x80xi32, #tpu.memory_space<hbm>>
      %dma_wait3A_84 = tpu.memref_squeeze %dma_wait3A_83 : memref<1x125x80xi32, #tpu.memory_space<hbm>> -> memref<125x80xi32, #tpu.memory_space<hbm>>
      %dma_wait3A_85 = arith.constant 0 : i32
      %dma_wait3A_86 = arith.constant 0 : i32
      %dma_wait3A_87 = tpu.memref_slice %arg4[%arg1, %dma_wait3A_85, %dma_wait3A_86] : memref<16x125x80xi32, #tpu.memory_space<hbm>> -> memref<1x125x80xi32, #tpu.memory_space<hbm>>
      %dma_wait3A_88 = tpu.memref_squeeze %dma_wait3A_87 : memref<1x125x80xi32, #tpu.memory_space<hbm>> -> memref<125x80xi32, #tpu.memory_space<hbm>>
      tpu.wait_dma2 semaphore(%run_scoped3A : memref<!tpu.dma_semaphore, #tpu.memory_space<semaphore_mem>>) src(%dma_wait3A_88 : memref<125x80xi32, #tpu.memory_space<hbm>>) dst(%arg9 : memref<125x80xi32, #tpu.memory_space<vmem>>)
      tpu.yield
    }) : () -> ()
    "tpu.region"() ({
      %run_scoped3A = tpu.sem_alloc : memref<!tpu.dma_semaphore, #tpu.memory_space<semaphore_mem>>
      %dma_start3A = arith.constant 0 : i32
      %dma_start3A_75 = arith.constant 0 : i32
      %dma_start3A_76 = tpu.memref_slice %arg5[%arg1, %dma_start3A, %dma_start3A_75] : memref<16x125x80xi32, #tpu.memory_space<hbm>> -> memref<1x125x80xi32, #tpu.memory_space<hbm>>
      %dma_start3A_77 = tpu.memref_squeeze %dma_start3A_76 : memref<1x125x80xi32, #tpu.memory_space<hbm>> -> memref<125x80xi32, #tpu.memory_space<hbm>>
      %dma_start3A_78 = arith.constant 0 : i32
      %dma_start3A_79 = arith.constant 0 : i32
      %dma_start3A_80 = tpu.memref_slice %arg5[%arg1, %dma_start3A_78, %dma_start3A_79] : memref<16x125x80xi32, #tpu.memory_space<hbm>> -> memref<1x125x80xi32, #tpu.memory_space<hbm>>
      %dma_start3A_81 = tpu.memref_squeeze %dma_start3A_80 : memref<1x125x80xi32, #tpu.memory_space<hbm>> -> memref<125x80xi32, #tpu.memory_space<hbm>>
      tpu.enqueue_dma source(%dma_start3A_81 : memref<125x80xi32, #tpu.memory_space<hbm>>) target(%arg10 : memref<125x80xi32, #tpu.memory_space<vmem>>) target_semaphore(%run_scoped3A : memref<!tpu.dma_semaphore, #tpu.memory_space<semaphore_mem>>)
      %dma_wait3A = arith.constant 0 : i32
      %dma_wait3A_82 = arith.constant 0 : i32
      %dma_wait3A_83 = tpu.memref_slice %arg5[%arg1, %dma_wait3A, %dma_wait3A_82] : memref<16x125x80xi32, #tpu.memory_space<hbm>> -> memref<1x125x80xi32, #tpu.memory_space<hbm>>
      %dma_wait3A_84 = tpu.memref_squeeze %dma_wait3A_83 : memref<1x125x80xi32, #tpu.memory_space<hbm>> -> memref<125x80xi32, #tpu.memory_space<hbm>>
      %dma_wait3A_85 = arith.constant 0 : i32
      %dma_wait3A_86 = arith.constant 0 : i32
      %dma_wait3A_87 = tpu.memref_slice %arg5[%arg1, %dma_wait3A_85, %dma_wait3A_86] : memref<16x125x80xi32, #tpu.memory_space<hbm>> -> memref<1x125x80xi32, #tpu.memory_space<hbm>>
      %dma_wait3A_88 = tpu.memref_squeeze %dma_wait3A_87 : memref<1x125x80xi32, #tpu.memory_space<hbm>> -> memref<125x80xi32, #tpu.memory_space<hbm>>
      tpu.wait_dma2 semaphore(%run_scoped3A : memref<!tpu.dma_semaphore, #tpu.memory_space<semaphore_mem>>) src(%dma_wait3A_88 : memref<125x80xi32, #tpu.memory_space<hbm>>) dst(%arg10 : memref<125x80xi32, #tpu.memory_space<vmem>>)
      tpu.yield
    }) : () -> ()
    %barrier3A = arith.constant 0 : index
    tpu.barrier barrier_id(%barrier3A)
    %eq3A_41 = arith.constant 0 : i32
    %eq3A_42 = arith.cmpi eq, %arg0, %eq3A_41 : i32
    %convert_element_type3A_43 = arith.extui %eq3A_42 : i1 to i32
    %cond3A_44 = arith.constant 0 : i32
    %cond3A_45 = arith.cmpi ne, %convert_element_type3A_43, %cond3A_44 : i32
    scf.if %cond3A_45 {
      %scan3A_75 = arith.constant 0 : i32
      %scan3A_76 = arith.constant 125 : i32
      %scan3A_77 = arith.addi %scan3A_75, %scan3A_76 : i32
      %scan3A_78 = arith.constant 1 : i32
      scf.for %scan3A_80 = %scan3A_75 to %scan3A_77 step %scan3A_78  : i32 {
        %mul3A_81 = arith.constant 1 : i32
        %mul3A_82 = arith.muli %scan3A_80, %mul3A_81 : i32
        %add3A_83 = arith.constant 0 : i32
        %add3A_84 = arith.addi %add3A_83, %mul3A_82 : i32
        %dma_start3A = arith.constant 0 : i32
        %dma_start3A_85 = tpu.memref_slice %arg9[%add3A_84, %dma_start3A] : memref<125x80xi32, #tpu.memory_space<vmem>> -> memref<1x80xi32, #tpu.memory_space<vmem>>
        %dma_start3A_86 = tpu.memref_squeeze %dma_start3A_85 : memref<1x80xi32, #tpu.memory_space<vmem>> -> memref<80xi32, #tpu.memory_space<vmem>>
        %dma_start3A_87 = arith.constant 0 : i32
        %dma_start3A_88 = arith.constant 0 : i32
        %dma_start3A_89 = tpu.memref_slice %arg2[%dma_start3A_87, %dma_start3A_88] : memref<10000x128xf32, #tpu.memory_space<hbm>> -> memref<10000x128xf32, #tpu.memory_space<hbm>>
        tpu.enqueue_indirect_dma source(%dma_start3A_89 : memref<10000x128xf32, #tpu.memory_space<hbm>>) target(%arg11 : memref<80x128xf32, #tpu.memory_space<vmem>>) offsets(%dma_start3A_86 : memref<80xi32, #tpu.memory_space<vmem>>) semaphore(%arg14 : memref<!tpu.dma_semaphore, #tpu.memory_space<semaphore_mem>>)
        %dma_wait3A = arith.constant 0 : i32
        %dma_wait3A_90 = tpu.memref_slice %arg9[%add3A_84, %dma_wait3A] : memref<125x80xi32, #tpu.memory_space<vmem>> -> memref<1x80xi32, #tpu.memory_space<vmem>>
        %dma_wait3A_91 = tpu.memref_squeeze %dma_wait3A_90 : memref<1x80xi32, #tpu.memory_space<vmem>> -> memref<80xi32, #tpu.memory_space<vmem>>
        %dma_wait3A_92 = arith.constant 0 : i32
        %dma_wait3A_93 = arith.constant 0 : i32
        %dma_wait3A_94 = tpu.memref_slice %arg2[%dma_wait3A_92, %dma_wait3A_93] : memref<10000x128xf32, #tpu.memory_space<hbm>> -> memref<10000x128xf32, #tpu.memory_space<hbm>>
        tpu.wait_indirect_dma semaphore(%arg14 : memref<!tpu.dma_semaphore, #tpu.memory_space<semaphore_mem>>) src(%dma_wait3A_94 : memref<10000x128xf32, #tpu.memory_space<hbm>>) dst(%arg11 : memref<80x128xf32, #tpu.memory_space<vmem>>)
        "tpu.region"() ({
          %run_scoped3A = tpu.sem_alloc : memref<!tpu.dma_semaphore, #tpu.memory_space<semaphore_mem>>
          %dma_start3A_95 = arith.constant 0 : i32
          %dma_start3A_96 = tpu.memref_slice %arg10[%add3A_84, %dma_start3A_95] : memref<125x80xi32, #tpu.memory_space<vmem>> -> memref<1x80xi32, #tpu.memory_space<vmem>>
          %dma_start3A_97 = tpu.memref_squeeze %dma_start3A_96 : memref<1x80xi32, #tpu.memory_space<vmem>> -> memref<80xi32, #tpu.memory_space<vmem>>
          %dma_start3A_98 = arith.constant 0 : i32
          %dma_start3A_99 = arith.constant 0 : i32
          %dma_start3A_100 = tpu.memref_slice %arg13[%dma_start3A_98, %dma_start3A_99] : memref<10000x128xf32, #tpu.memory_space<vmem_shared>> -> memref<10000x128xf32, #tpu.memory_space<vmem_shared>>
          tpu.enqueue_indirect_dma source(%arg11 : memref<80x128xf32, #tpu.memory_space<vmem>>) target(%dma_start3A_100 : memref<10000x128xf32, #tpu.memory_space<vmem_shared>>) offsets(%dma_start3A_97 : memref<80xi32, #tpu.memory_space<vmem>>) semaphore(%run_scoped3A : memref<!tpu.dma_semaphore, #tpu.memory_space<semaphore_mem>>) {add = true}
          %dma_wait3A_101 = arith.constant 0 : i32
          %dma_wait3A_102 = tpu.memref_slice %arg10[%add3A_84, %dma_wait3A_101] : memref<125x80xi32, #tpu.memory_space<vmem>> -> memref<1x80xi32, #tpu.memory_space<vmem>>
          %dma_wait3A_103 = tpu.memref_squeeze %dma_wait3A_102 : memref<1x80xi32, #tpu.memory_space<vmem>> -> memref<80xi32, #tpu.memory_space<vmem>>
          %dma_wait3A_104 = arith.constant 0 : i32
          %dma_wait3A_105 = arith.constant 0 : i32
          %dma_wait3A_106 = tpu.memref_slice %arg13[%dma_wait3A_104, %dma_wait3A_105] : memref<10000x128xf32, #tpu.memory_space<vmem_shared>> -> memref<10000x128xf32, #tpu.memory_space<vmem_shared>>
          tpu.wait_indirect_dma semaphore(%run_scoped3A : memref<!tpu.dma_semaphore, #tpu.memory_space<semaphore_mem>>) src(%arg11 : memref<80x128xf32, #tpu.memory_space<vmem>>) dst(%dma_wait3A_106 : memref<10000x128xf32, #tpu.memory_space<vmem_shared>>)
          tpu.yield
        }) : () -> ()
      }
      %scan3A_79 = arith.constant 125 : i32
    } else {
    }
    %eq3A_46 = arith.constant 1 : i32
    %eq3A_47 = arith.cmpi eq, %arg0, %eq3A_46 : i32
    %convert_element_type3A_48 = arith.extui %eq3A_47 : i1 to i32
    %cond3A_49 = arith.constant 0 : i32
    %cond3A_50 = arith.cmpi ne, %convert_element_type3A_48, %cond3A_49 : i32
    scf.if %cond3A_50 {
      %scan3A_75 = arith.constant 0 : i32
      %scan3A_76 = arith.constant 125 : i32
      %scan3A_77 = arith.addi %scan3A_75, %scan3A_76 : i32
      %scan3A_78 = arith.constant 1 : i32
      scf.for %scan3A_80 = %scan3A_75 to %scan3A_77 step %scan3A_78  : i32 {
        %mul3A_81 = arith.constant 1 : i32
        %mul3A_82 = arith.muli %scan3A_80, %mul3A_81 : i32
        %add3A_83 = arith.constant 0 : i32
        %add3A_84 = arith.addi %add3A_83, %mul3A_82 : i32
        %dma_start3A = arith.constant 0 : i32
        %dma_start3A_85 = tpu.memref_slice %arg9[%add3A_84, %dma_start3A] : memref<125x80xi32, #tpu.memory_space<vmem>> -> memref<1x80xi32, #tpu.memory_space<vmem>>
        %dma_start3A_86 = tpu.memref_squeeze %dma_start3A_85 : memref<1x80xi32, #tpu.memory_space<vmem>> -> memref<80xi32, #tpu.memory_space<vmem>>
        %dma_start3A_87 = arith.constant 0 : i32
        %dma_start3A_88 = arith.constant 0 : i32
        %dma_start3A_89 = tpu.memref_slice %arg3[%dma_start3A_87, %dma_start3A_88] : memref<10000x128xf32, #tpu.memory_space<hbm>> -> memref<10000x128xf32, #tpu.memory_space<hbm>>
        tpu.enqueue_indirect_dma source(%dma_start3A_89 : memref<10000x128xf32, #tpu.memory_space<hbm>>) target(%arg11 : memref<80x128xf32, #tpu.memory_space<vmem>>) offsets(%dma_start3A_86 : memref<80xi32, #tpu.memory_space<vmem>>) semaphore(%arg14 : memref<!tpu.dma_semaphore, #tpu.memory_space<semaphore_mem>>)
        %dma_wait3A = arith.constant 0 : i32
        %dma_wait3A_90 = tpu.memref_slice %arg9[%add3A_84, %dma_wait3A] : memref<125x80xi32, #tpu.memory_space<vmem>> -> memref<1x80xi32, #tpu.memory_space<vmem>>
        %dma_wait3A_91 = tpu.memref_squeeze %dma_wait3A_90 : memref<1x80xi32, #tpu.memory_space<vmem>> -> memref<80xi32, #tpu.memory_space<vmem>>
        %dma_wait3A_92 = arith.constant 0 : i32
        %dma_wait3A_93 = arith.constant 0 : i32
        %dma_wait3A_94 = tpu.memref_slice %arg3[%dma_wait3A_92, %dma_wait3A_93] : memref<10000x128xf32, #tpu.memory_space<hbm>> -> memref<10000x128xf32, #tpu.memory_space<hbm>>
        tpu.wait_indirect_dma semaphore(%arg14 : memref<!tpu.dma_semaphore, #tpu.memory_space<semaphore_mem>>) src(%dma_wait3A_94 : memref<10000x128xf32, #tpu.memory_space<hbm>>) dst(%arg11 : memref<80x128xf32, #tpu.memory_space<vmem>>)
        "tpu.region"() ({
          %run_scoped3A = tpu.sem_alloc : memref<!tpu.dma_semaphore, #tpu.memory_space<semaphore_mem>>
          %dma_start3A_95 = arith.constant 0 : i32
          %dma_start3A_96 = tpu.memref_slice %arg10[%add3A_84, %dma_start3A_95] : memref<125x80xi32, #tpu.memory_space<vmem>> -> memref<1x80xi32, #tpu.memory_space<vmem>>
          %dma_start3A_97 = tpu.memref_squeeze %dma_start3A_96 : memref<1x80xi32, #tpu.memory_space<vmem>> -> memref<80xi32, #tpu.memory_space<vmem>>
          %dma_start3A_98 = arith.constant 0 : i32
          %dma_start3A_99 = arith.constant 0 : i32
          %dma_start3A_100 = tpu.memref_slice %arg13[%dma_start3A_98, %dma_start3A_99] : memref<10000x128xf32, #tpu.memory_space<vmem_shared>> -> memref<10000x128xf32, #tpu.memory_space<vmem_shared>>
          tpu.enqueue_indirect_dma source(%arg11 : memref<80x128xf32, #tpu.memory_space<vmem>>) target(%dma_start3A_100 : memref<10000x128xf32, #tpu.memory_space<vmem_shared>>) offsets(%dma_start3A_97 : memref<80xi32, #tpu.memory_space<vmem>>) semaphore(%run_scoped3A : memref<!tpu.dma_semaphore, #tpu.memory_space<semaphore_mem>>) {add = true}
          %dma_wait3A_101 = arith.constant 0 : i32
          %dma_wait3A_102 = tpu.memref_slice %arg10[%add3A_84, %dma_wait3A_101] : memref<125x80xi32, #tpu.memory_space<vmem>> -> memref<1x80xi32, #tpu.memory_space<vmem>>
          %dma_wait3A_103 = tpu.memref_squeeze %dma_wait3A_102 : memref<1x80xi32, #tpu.memory_space<vmem>> -> memref<80xi32, #tpu.memory_space<vmem>>
          %dma_wait3A_104 = arith.constant 0 : i32
          %dma_wait3A_105 = arith.constant 0 : i32
          %dma_wait3A_106 = tpu.memref_slice %arg13[%dma_wait3A_104, %dma_wait3A_105] : memref<10000x128xf32, #tpu.memory_space<vmem_shared>> -> memref<10000x128xf32, #tpu.memory_space<vmem_shared>>
          tpu.wait_indirect_dma semaphore(%run_scoped3A : memref<!tpu.dma_semaphore, #tpu.memory_space<semaphore_mem>>) src(%arg11 : memref<80x128xf32, #tpu.memory_space<vmem>>) dst(%dma_wait3A_106 : memref<10000x128xf32, #tpu.memory_space<vmem_shared>>)
          tpu.yield
        }) : () -> ()
      }
      %scan3A_79 = arith.constant 125 : i32
    } else {
    }
    %eq3A_51 = arith.constant 0 : i32
    %eq3A_52 = arith.cmpi eq, %arg0, %eq3A_51 : i32
    %convert_element_type3A_53 = arith.extui %eq3A_52 : i1 to i32
    %cond3A_54 = arith.constant 0 : i32
    %cond3A_55 = arith.cmpi ne, %convert_element_type3A_53, %cond3A_54 : i32
    scf.if %cond3A_55 {
      %scan3A_75 = arith.constant 0 : i32
      %scan3A_76 = arith.constant 125 : i32
      %scan3A_77 = arith.addi %scan3A_75, %scan3A_76 : i32
      %scan3A_78 = arith.constant 1 : i32
      scf.for %scan3A_80 = %scan3A_75 to %scan3A_77 step %scan3A_78  : i32 {
        %mul3A_81 = arith.constant 1 : i32
        %mul3A_82 = arith.muli %scan3A_80, %mul3A_81 : i32
        %add3A_83 = arith.constant 0 : i32
        %add3A_84 = arith.addi %add3A_83, %mul3A_82 : i32
        "tpu.region"() ({
          %run_scoped3A = tpu.sem_alloc : memref<!tpu.dma_semaphore, #tpu.memory_space<semaphore_mem>>
          %dma_start3A = arith.constant 0 : i32
          %dma_start3A_85 = tpu.memref_slice %arg10[%add3A_84, %dma_start3A] : memref<125x80xi32, #tpu.memory_space<vmem>> -> memref<1x80xi32, #tpu.memory_space<vmem>>
          %dma_start3A_86 = tpu.memref_squeeze %dma_start3A_85 : memref<1x80xi32, #tpu.memory_space<vmem>> -> memref<80xi32, #tpu.memory_space<vmem>>
          %dma_start3A_87 = arith.constant 0 : i32
          %dma_start3A_88 = tpu.memref_slice %arg17[%dma_start3A_87] : memref<10000xf32, #tpu.memory_space<vmem_shared>> -> memref<10000xf32, #tpu.memory_space<vmem_shared>>
          tpu.enqueue_indirect_dma source(%arg15 : memref<80xf32, #tpu.memory_space<vmem>>) target(%dma_start3A_88 : memref<10000xf32, #tpu.memory_space<vmem_shared>>) offsets(%dma_start3A_86 : memref<80xi32, #tpu.memory_space<vmem>>) semaphore(%run_scoped3A : memref<!tpu.dma_semaphore, #tpu.memory_space<semaphore_mem>>) {add = true}
          %dma_wait3A = arith.constant 0 : i32
          %dma_wait3A_89 = tpu.memref_slice %arg10[%add3A_84, %dma_wait3A] : memref<125x80xi32, #tpu.memory_space<vmem>> -> memref<1x80xi32, #tpu.memory_space<vmem>>
          %dma_wait3A_90 = tpu.memref_squeeze %dma_wait3A_89 : memref<1x80xi32, #tpu.memory_space<vmem>> -> memref<80xi32, #tpu.memory_space<vmem>>
          %dma_wait3A_91 = arith.constant 0 : i32
          %dma_wait3A_92 = tpu.memref_slice %arg17[%dma_wait3A_91] : memref<10000xf32, #tpu.memory_space<vmem_shared>> -> memref<10000xf32, #tpu.memory_space<vmem_shared>>
          tpu.wait_indirect_dma semaphore(%run_scoped3A : memref<!tpu.dma_semaphore, #tpu.memory_space<semaphore_mem>>) src(%arg15 : memref<80xf32, #tpu.memory_space<vmem>>) dst(%dma_wait3A_92 : memref<10000xf32, #tpu.memory_space<vmem_shared>>)
          tpu.yield
        }) : () -> ()
      }
      %scan3A_79 = arith.constant 125 : i32
    } else {
    }
    %barrier3A_56 = arith.constant 0 : index
    tpu.barrier barrier_id(%barrier3A_56)
    %eq3A_57 = arith.constant 0 : i32
    %eq3A_58 = arith.cmpi eq, %arg0, %eq3A_57 : i32
    %convert_element_type3A_59 = arith.extui %eq3A_58 : i1 to i32
    %cond3A_60 = arith.constant 0 : i32
    %cond3A_61 = arith.cmpi ne, %convert_element_type3A_59, %cond3A_60 : i32
    scf.if %cond3A_61 {
      %lt3A_75 = arith.constant 2 : i32
      %lt3A_76 = arith.cmpi slt, %arg1, %lt3A_75 : i32
      %convert_element_type3A_77 = arith.extui %lt3A_76 : i1 to i32
      %cond3A_78 = arith.constant 0 : i32
      %cond3A_79 = arith.cmpi ne, %convert_element_type3A_77, %cond3A_78 : i32
      scf.if %cond3A_79 {
        "tpu.region"() ({
          %run_scoped3A = tpu.sem_alloc : memref<!tpu.dma_semaphore, #tpu.memory_space<semaphore_mem>>
          %dma_start3A = arith.constant 0 : i32
          %dma_start3A_84 = tpu.memref_slice %arg6[%select_n3A, %dma_start3A] : memref<10000x128xf32, #tpu.memory_space<hbm>> -> memref<632x128xf32, #tpu.memory_space<hbm>>
          %dma_start3A_85 = arith.constant 0 : i32
          %dma_start3A_86 = tpu.memref_slice %arg13[%select_n3A, %dma_start3A_85] : memref<10000x128xf32, #tpu.memory_space<vmem_shared>> -> memref<632x128xf32, #tpu.memory_space<vmem_shared>>
          tpu.enqueue_dma source(%dma_start3A_86 : memref<632x128xf32, #tpu.memory_space<vmem_shared>>) target(%dma_start3A_84 : memref<632x128xf32, #tpu.memory_space<hbm>>) target_semaphore(%run_scoped3A : memref<!tpu.dma_semaphore, #tpu.memory_space<semaphore_mem>>)
          %dma_wait3A = arith.constant 0 : i32
          %dma_wait3A_87 = tpu.memref_slice %arg6[%select_n3A, %dma_wait3A] : memref<10000x128xf32, #tpu.memory_space<hbm>> -> memref<632x128xf32, #tpu.memory_space<hbm>>
          %dma_wait3A_88 = arith.constant 0 : i32
          %dma_wait3A_89 = tpu.memref_slice %arg13[%select_n3A, %dma_wait3A_88] : memref<10000x128xf32, #tpu.memory_space<vmem_shared>> -> memref<632x128xf32, #tpu.memory_space<vmem_shared>>
          tpu.wait_dma2 semaphore(%run_scoped3A : memref<!tpu.dma_semaphore, #tpu.memory_space<semaphore_mem>>) src(%dma_wait3A_89 : memref<632x128xf32, #tpu.memory_space<vmem_shared>>) dst(%dma_wait3A_87 : memref<632x128xf32, #tpu.memory_space<hbm>>)
          tpu.yield
        }) : () -> ()
      } else {
      }
      %ge3A = arith.constant 2 : i32
      %ge3A_80 = arith.cmpi sge, %arg1, %ge3A : i32
      %convert_element_type3A_81 = arith.extui %ge3A_80 : i1 to i32
      %cond3A_82 = arith.constant 0 : i32
      %cond3A_83 = arith.cmpi ne, %convert_element_type3A_81, %cond3A_82 : i32
      scf.if %cond3A_83 {
        "tpu.region"() ({
          %run_scoped3A = tpu.sem_alloc : memref<!tpu.dma_semaphore, #tpu.memory_space<semaphore_mem>>
          %dma_start3A = arith.constant 0 : i32
          %dma_start3A_84 = tpu.memref_slice %arg6[%select_n3A, %dma_start3A] : memref<10000x128xf32, #tpu.memory_space<hbm>> -> memref<624x128xf32, #tpu.memory_space<hbm>>
          %dma_start3A_85 = arith.constant 0 : i32
          %dma_start3A_86 = tpu.memref_slice %arg13[%select_n3A, %dma_start3A_85] : memref<10000x128xf32, #tpu.memory_space<vmem_shared>> -> memref<624x128xf32, #tpu.memory_space<vmem_shared>>
          tpu.enqueue_dma source(%dma_start3A_86 : memref<624x128xf32, #tpu.memory_space<vmem_shared>>) target(%dma_start3A_84 : memref<624x128xf32, #tpu.memory_space<hbm>>) target_semaphore(%run_scoped3A : memref<!tpu.dma_semaphore, #tpu.memory_space<semaphore_mem>>)
          %dma_wait3A = arith.constant 0 : i32
          %dma_wait3A_87 = tpu.memref_slice %arg6[%select_n3A, %dma_wait3A] : memref<10000x128xf32, #tpu.memory_space<hbm>> -> memref<624x128xf32, #tpu.memory_space<hbm>>
          %dma_wait3A_88 = arith.constant 0 : i32
          %dma_wait3A_89 = tpu.memref_slice %arg13[%select_n3A, %dma_wait3A_88] : memref<10000x128xf32, #tpu.memory_space<vmem_shared>> -> memref<624x128xf32, #tpu.memory_space<vmem_shared>>
          tpu.wait_dma2 semaphore(%run_scoped3A : memref<!tpu.dma_semaphore, #tpu.memory_space<semaphore_mem>>) src(%dma_wait3A_89 : memref<624x128xf32, #tpu.memory_space<vmem_shared>>) dst(%dma_wait3A_87 : memref<624x128xf32, #tpu.memory_space<hbm>>)
          tpu.yield
        }) : () -> ()
      } else {
      }
    } else {
    }
    %eq3A_62 = arith.constant 1 : i32
    %eq3A_63 = arith.cmpi eq, %arg0, %eq3A_62 : i32
    %convert_element_type3A_64 = arith.extui %eq3A_63 : i1 to i32
    %cond3A_65 = arith.constant 0 : i32
    %cond3A_66 = arith.cmpi ne, %convert_element_type3A_64, %cond3A_65 : i32
    scf.if %cond3A_66 {
      %lt3A_75 = arith.constant 2 : i32
      %lt3A_76 = arith.cmpi slt, %arg1, %lt3A_75 : i32
      %convert_element_type3A_77 = arith.extui %lt3A_76 : i1 to i32
      %cond3A_78 = arith.constant 0 : i32
      %cond3A_79 = arith.cmpi ne, %convert_element_type3A_77, %cond3A_78 : i32
      scf.if %cond3A_79 {
        "tpu.region"() ({
          %run_scoped3A = tpu.sem_alloc : memref<!tpu.dma_semaphore, #tpu.memory_space<semaphore_mem>>
          %dma_start3A = arith.constant 0 : i32
          %dma_start3A_84 = tpu.memref_slice %arg7[%select_n3A, %dma_start3A] : memref<10000x128xf32, #tpu.memory_space<hbm>> -> memref<632x128xf32, #tpu.memory_space<hbm>>
          %dma_start3A_85 = arith.constant 0 : i32
          %dma_start3A_86 = tpu.memref_slice %arg13[%select_n3A, %dma_start3A_85] : memref<10000x128xf32, #tpu.memory_space<vmem_shared>> -> memref<632x128xf32, #tpu.memory_space<vmem_shared>>
          tpu.enqueue_dma source(%dma_start3A_86 : memref<632x128xf32, #tpu.memory_space<vmem_shared>>) target(%dma_start3A_84 : memref<632x128xf32, #tpu.memory_space<hbm>>) target_semaphore(%run_scoped3A : memref<!tpu.dma_semaphore, #tpu.memory_space<semaphore_mem>>)
          %dma_wait3A = arith.constant 0 : i32
          %dma_wait3A_87 = tpu.memref_slice %arg7[%select_n3A, %dma_wait3A] : memref<10000x128xf32, #tpu.memory_space<hbm>> -> memref<632x128xf32, #tpu.memory_space<hbm>>
          %dma_wait3A_88 = arith.constant 0 : i32
          %dma_wait3A_89 = tpu.memref_slice %arg13[%select_n3A, %dma_wait3A_88] : memref<10000x128xf32, #tpu.memory_space<vmem_shared>> -> memref<632x128xf32, #tpu.memory_space<vmem_shared>>
          tpu.wait_dma2 semaphore(%run_scoped3A : memref<!tpu.dma_semaphore, #tpu.memory_space<semaphore_mem>>) src(%dma_wait3A_89 : memref<632x128xf32, #tpu.memory_space<vmem_shared>>) dst(%dma_wait3A_87 : memref<632x128xf32, #tpu.memory_space<hbm>>)
          tpu.yield
        }) : () -> ()
      } else {
      }
      %ge3A = arith.constant 2 : i32
      %ge3A_80 = arith.cmpi sge, %arg1, %ge3A : i32
      %convert_element_type3A_81 = arith.extui %ge3A_80 : i1 to i32
      %cond3A_82 = arith.constant 0 : i32
      %cond3A_83 = arith.cmpi ne, %convert_element_type3A_81, %cond3A_82 : i32
      scf.if %cond3A_83 {
        "tpu.region"() ({
          %run_scoped3A = tpu.sem_alloc : memref<!tpu.dma_semaphore, #tpu.memory_space<semaphore_mem>>
          %dma_start3A = arith.constant 0 : i32
          %dma_start3A_84 = tpu.memref_slice %arg7[%select_n3A, %dma_start3A] : memref<10000x128xf32, #tpu.memory_space<hbm>> -> memref<624x128xf32, #tpu.memory_space<hbm>>
          %dma_start3A_85 = arith.constant 0 : i32
          %dma_start3A_86 = tpu.memref_slice %arg13[%select_n3A, %dma_start3A_85] : memref<10000x128xf32, #tpu.memory_space<vmem_shared>> -> memref<624x128xf32, #tpu.memory_space<vmem_shared>>
          tpu.enqueue_dma source(%dma_start3A_86 : memref<624x128xf32, #tpu.memory_space<vmem_shared>>) target(%dma_start3A_84 : memref<624x128xf32, #tpu.memory_space<hbm>>) target_semaphore(%run_scoped3A : memref<!tpu.dma_semaphore, #tpu.memory_space<semaphore_mem>>)
          %dma_wait3A = arith.constant 0 : i32
          %dma_wait3A_87 = tpu.memref_slice %arg7[%select_n3A, %dma_wait3A] : memref<10000x128xf32, #tpu.memory_space<hbm>> -> memref<624x128xf32, #tpu.memory_space<hbm>>
          %dma_wait3A_88 = arith.constant 0 : i32
          %dma_wait3A_89 = tpu.memref_slice %arg13[%select_n3A, %dma_wait3A_88] : memref<10000x128xf32, #tpu.memory_space<vmem_shared>> -> memref<624x128xf32, #tpu.memory_space<vmem_shared>>
          tpu.wait_dma2 semaphore(%run_scoped3A : memref<!tpu.dma_semaphore, #tpu.memory_space<semaphore_mem>>) src(%dma_wait3A_89 : memref<624x128xf32, #tpu.memory_space<vmem_shared>>) dst(%dma_wait3A_87 : memref<624x128xf32, #tpu.memory_space<hbm>>)
          tpu.yield
        }) : () -> ()
      } else {
      }
    } else {
    }
    %eq3A_67 = arith.constant 0 : i32
    %eq3A_68 = arith.cmpi eq, %arg0, %eq3A_67 : i32
    %eq3A_69 = arith.constant 0 : i32
    %eq3A_70 = arith.cmpi eq, %arg1, %eq3A_69 : i32
    %and3A_71 = arith.andi %eq3A_68, %eq3A_70 : i1
    %convert_element_type3A_72 = arith.extui %and3A_71 : i1 to i32
    %cond3A_73 = arith.constant 0 : i32
    %cond3A_74 = arith.cmpi ne, %convert_element_type3A_72, %cond3A_73 : i32
    scf.if %cond3A_74 {
      "tpu.region"() ({
        %run_scoped3A = tpu.sem_alloc : memref<!tpu.dma_semaphore, #tpu.memory_space<semaphore_mem>>
        tpu.enqueue_dma source(%arg17 : memref<10000xf32, #tpu.memory_space<vmem_shared>>) target(%arg8 : memref<10000xf32, #tpu.memory_space<hbm>>) target_semaphore(%run_scoped3A : memref<!tpu.dma_semaphore, #tpu.memory_space<semaphore_mem>>)
        tpu.wait_dma2 semaphore(%run_scoped3A : memref<!tpu.dma_semaphore, #tpu.memory_space<semaphore_mem>>) src(%arg17 : memref<10000xf32, #tpu.memory_space<vmem_shared>>) dst(%arg8 : memref<10000xf32, #tpu.memory_space<hbm>>)
        tpu.yield
      }) : () -> ()
    } else {
    }
    return
  }
}

#map = affine_map<(d0, d1) -> (0, 0)>
#map1 = affine_map<(d0, d1) -> (0, 0, 0)>
module attributes {stable_mosaic.version = 14 : i64} {
  func.func @body(%arg0: i32, %arg1: i32, %arg2: memref<10000x16xf32, #tpu.memory_space<hbm>>, %arg3: memref<10000x16xf32, #tpu.memory_space<hbm>>, %arg4: memref<16x125x80xi32, #tpu.memory_space<hbm>>, %arg5: memref<16x125x80xi32, #tpu.memory_space<hbm>>, %arg6: memref<10000x16xf32, #tpu.memory_space<hbm>>, %arg7: memref<10000x16xf32, #tpu.memory_space<hbm>>, %arg8: memref<125x80xi32, #tpu.memory_space<vmem>>, %arg9: memref<125x80xi32, #tpu.memory_space<vmem>>, %arg10: memref<80x16xf32, #tpu.memory_space<vmem>>, %arg11: memref<8x16xf32, #tpu.memory_space<vmem>>, %arg12: memref<10000x16xf32, #tpu.memory_space<vmem_shared>>, %arg13: memref<!tpu.dma_semaphore, #tpu.memory_space<semaphore_mem>>) attributes {dimension_semantics = [#tpu.dimension_semantics<core_parallel>, #tpu.dimension_semantics<subcore_parallel>], iteration_bounds = array<i64: 2, 16>, scalar_prefetch = 0 : i64, scratch_operands = 6 : i64, tpu.core_type = #tpu.core_type<sc_vector_subcore>, window_params = [{transform_indices = #map}, {transform_indices = #map}, {transform_indices = #map1}, {transform_indices = #map1}, {transform_indices = #map}, {transform_indices = #map}]} {
    %lt3A = arith.constant 2 : i32
    %lt3A_0 = arith.cmpi slt, %arg1, %lt3A : i32
    %mul3A = arith.constant 632 : i32
    %mul3A_1 = arith.muli %arg1, %mul3A : i32
    %sub3A = arith.constant 2 : i32
    %sub3A_2 = arith.subi %arg1, %sub3A : i32
    %mul3A_3 = arith.constant 624 : i32
    %mul3A_4 = arith.muli %sub3A_2, %mul3A_3 : i32
    %add3A = arith.constant 1264 : i32
    %add3A_5 = arith.addi %add3A, %mul3A_4 : i32
    %select_n3A = arith.select %lt3A_0, %mul3A_1, %add3A_5 : i32
    %lt3A_6 = arith.constant 2 : i32
    %lt3A_7 = arith.cmpi slt, %arg1, %lt3A_6 : i32
    %jit3A = arith.constant 79 : i32
    %jit3A_8 = arith.constant 78 : i32
    %select_n3A_9 = arith.select %lt3A_7, %jit3A, %jit3A_8 : i32
    %broadcast_in_dim3A = arith.constant 0.000000e+00 : f32
    %broadcast_in_dim3A_10 = vector.broadcast %broadcast_in_dim3A : f32 to vector<16xf32>
    %scan3A = arith.constant 0 : i32
    %scan3A_11 = arith.constant 8 : i32
    %scan3A_12 = arith.addi %scan3A, %scan3A_11 : i32
    %scan3A_13 = arith.constant 1 : i32
    scf.for %scan3A_50 = %scan3A to %scan3A_12 step %scan3A_13  : i32 {
      %mul3A_51 = arith.constant 1 : i32
      %mul3A_52 = arith.muli %scan3A_50, %mul3A_51 : i32
      %add3A_53 = arith.constant 0 : i32
      %add3A_54 = arith.addi %add3A_53, %mul3A_52 : i32
      %scan3A_55 = arith.constant 0 : i32
      %mul3A_56 = arith.constant 1 : i32
      %mul3A_57 = arith.muli %scan3A_55, %mul3A_56 : i32
      %add3A_58 = arith.constant 0 : i32
      %add3A_59 = arith.addi %add3A_58, %mul3A_57 : i32
      %mul3A_60 = arith.constant 16 : i32
      %mul3A_61 = arith.muli %add3A_59, %mul3A_60 : i32
      %swap3A = arith.index_cast %add3A_54 : i32 to index
      %swap3A_62 = arith.index_cast %mul3A_61 : i32 to index
      %swap3A_63 = tpu.vector_load %arg11[%swap3A, %swap3A_62] {strides = array<i32>} : memref<8x16xf32, #tpu.memory_space<vmem>>, vector<1x16xf32>,
      %swap3A_64 = vector.shape_cast %swap3A_63 : vector<1x16xf32> to vector<16xf32>
      %swap3A_65 = vector.shape_cast %broadcast_in_dim3A_10 : vector<16xf32> to vector<1x16xf32>
      tpu.vector_store %arg11[%swap3A, %swap3A_62], %swap3A_65 {strides = array<i32>} : memref<8x16xf32, #tpu.memory_space<vmem>>, vector<1x16xf32>,
      %scan3A_66 = arith.constant 1 : i32
    }
    %scan3A_14 = arith.constant 8 : i32
    %sub3A_15 = arith.constant 0 : i32
    %sub3A_16 = arith.subi %select_n3A_9, %sub3A_15 : i32
    %sub3A_17 = arith.constant 1 : i32
    %sub3A_18 = arith.constant 1 : i32
    %sub3A_19 = arith.subi %sub3A_17, %sub3A_18 : i32
    %add3A_20 = arith.addi %sub3A_16, %sub3A_19 : i32
    %div3A = arith.constant 1 : i32
    %div3A_21 = arith.divsi %add3A_20, %div3A : i32
    %while3A = arith.constant 1 : i32
    %while3A_22 = arith.constant 0 : i32
    %while3A_23 = arith.constant 0 : i32
    %while3A_24 = arith.subi %div3A_21, %while3A_23 : i32
    %while3A_25 = arith.addi %while3A_23, %while3A_24 : i32
    %while3A_26 = arith.constant 1 : i32
    %while3A_27 = arith.divsi %while3A_24, %while3A_26 : i32
    %while3A_28 = arith.muli %while3A_27, %while3A_26 : i32
    %while3A_29 = arith.addi %while3A_23, %while3A_28 : i32
    %while3A_30 = arith.constant 1 : i32
    scf.for %while3A_50 = %while3A_23 to %while3A_29 step %while3A_30  : i32 {
      %mul3A_51 = arith.muli %while3A_50, %while3A : i32
      %add3A_52 = arith.addi %while3A_22, %mul3A_51 : i32
      %mul3A_53 = arith.constant 8 : i32
      %mul3A_54 = arith.muli %add3A_52, %mul3A_53 : i32
      %add3A_55 = arith.addi %select_n3A, %mul3A_54 : i32
      "tpu.region"() ({
        %run_scoped3A = tpu.sem_alloc : memref<!tpu.dma_semaphore, #tpu.memory_space<semaphore_mem>>
        %dma_start3A = arith.constant 0 : i32
        %dma_start3A_56 = tpu.memref_slice %arg12[%add3A_55, %dma_start3A] : memref<10000x16xf32, #tpu.memory_space<vmem_shared>> -> memref<8x16xf32, #tpu.memory_space<vmem_shared>>
        %dma_start3A_57 = arith.constant 0 : i32
        %dma_start3A_58 = tpu.memref_slice %arg12[%add3A_55, %dma_start3A_57] : memref<10000x16xf32, #tpu.memory_space<vmem_shared>> -> memref<8x16xf32, #tpu.memory_space<vmem_shared>>
        tpu.enqueue_dma source(%arg11 : memref<8x16xf32, #tpu.memory_space<vmem>>) target(%dma_start3A_58 : memref<8x16xf32, #tpu.memory_space<vmem_shared>>) target_semaphore(%run_scoped3A : memref<!tpu.dma_semaphore, #tpu.memory_space<semaphore_mem>>)
        %dma_wait3A = arith.constant 0 : i32
        %dma_wait3A_59 = tpu.memref_slice %arg12[%add3A_55, %dma_wait3A] : memref<10000x16xf32, #tpu.memory_space<vmem_shared>> -> memref<8x16xf32, #tpu.memory_space<vmem_shared>>
        %dma_wait3A_60 = arith.constant 0 : i32
        %dma_wait3A_61 = tpu.memref_slice %arg12[%add3A_55, %dma_wait3A_60] : memref<10000x16xf32, #tpu.memory_space<vmem_shared>> -> memref<8x16xf32, #tpu.memory_space<vmem_shared>>
        tpu.wait_dma2 semaphore(%run_scoped3A : memref<!tpu.dma_semaphore, #tpu.memory_space<semaphore_mem>>) src(%arg11 : memref<8x16xf32, #tpu.memory_space<vmem>>) dst(%dma_wait3A_61 : memref<8x16xf32, #tpu.memory_space<vmem_shared>>)
        tpu.yield
      }) : () -> ()
    }
    %while3A_31 = arith.constant 1 : i32
    scf.for %while3A_50 = %while3A_29 to %while3A_25 step %while3A_31  : i32 {
      %mul3A_51 = arith.muli %while3A_50, %while3A : i32
      %add3A_52 = arith.addi %while3A_22, %mul3A_51 : i32
      %mul3A_53 = arith.constant 8 : i32
      %mul3A_54 = arith.muli %add3A_52, %mul3A_53 : i32
      %add3A_55 = arith.addi %select_n3A, %mul3A_54 : i32
      "tpu.region"() ({
        %run_scoped3A = tpu.sem_alloc : memref<!tpu.dma_semaphore, #tpu.memory_space<semaphore_mem>>
        %dma_start3A = arith.constant 0 : i32
        %dma_start3A_56 = tpu.memref_slice %arg12[%add3A_55, %dma_start3A] : memref<10000x16xf32, #tpu.memory_space<vmem_shared>> -> memref<8x16xf32, #tpu.memory_space<vmem_shared>>
        %dma_start3A_57 = arith.constant 0 : i32
        %dma_start3A_58 = tpu.memref_slice %arg12[%add3A_55, %dma_start3A_57] : memref<10000x16xf32, #tpu.memory_space<vmem_shared>> -> memref<8x16xf32, #tpu.memory_space<vmem_shared>>
        tpu.enqueue_dma source(%arg11 : memref<8x16xf32, #tpu.memory_space<vmem>>) target(%dma_start3A_58 : memref<8x16xf32, #tpu.memory_space<vmem_shared>>) target_semaphore(%run_scoped3A : memref<!tpu.dma_semaphore, #tpu.memory_space<semaphore_mem>>)
        %dma_wait3A = arith.constant 0 : i32
        %dma_wait3A_59 = tpu.memref_slice %arg12[%add3A_55, %dma_wait3A] : memref<10000x16xf32, #tpu.memory_space<vmem_shared>> -> memref<8x16xf32, #tpu.memory_space<vmem_shared>>
        %dma_wait3A_60 = arith.constant 0 : i32
        %dma_wait3A_61 = tpu.memref_slice %arg12[%add3A_55, %dma_wait3A_60] : memref<10000x16xf32, #tpu.memory_space<vmem_shared>> -> memref<8x16xf32, #tpu.memory_space<vmem_shared>>
        tpu.wait_dma2 semaphore(%run_scoped3A : memref<!tpu.dma_semaphore, #tpu.memory_space<semaphore_mem>>) src(%arg11 : memref<8x16xf32, #tpu.memory_space<vmem>>) dst(%dma_wait3A_61 : memref<8x16xf32, #tpu.memory_space<vmem_shared>>)
        tpu.yield
      }) : () -> ()
    }
    "tpu.region"() ({
      %run_scoped3A = tpu.sem_alloc : memref<!tpu.dma_semaphore, #tpu.memory_space<semaphore_mem>>
      %dma_start3A = arith.constant 0 : i32
      %dma_start3A_50 = arith.constant 0 : i32
      %dma_start3A_51 = tpu.memref_slice %arg4[%arg1, %dma_start3A, %dma_start3A_50] : memref<16x125x80xi32, #tpu.memory_space<hbm>> -> memref<1x125x80xi32, #tpu.memory_space<hbm>>
      %dma_start3A_52 = tpu.memref_squeeze %dma_start3A_51 : memref<1x125x80xi32, #tpu.memory_space<hbm>> -> memref<125x80xi32, #tpu.memory_space<hbm>>
      %dma_start3A_53 = arith.constant 0 : i32
      %dma_start3A_54 = arith.constant 0 : i32
      %dma_start3A_55 = tpu.memref_slice %arg4[%arg1, %dma_start3A_53, %dma_start3A_54] : memref<16x125x80xi32, #tpu.memory_space<hbm>> -> memref<1x125x80xi32, #tpu.memory_space<hbm>>
      %dma_start3A_56 = tpu.memref_squeeze %dma_start3A_55 : memref<1x125x80xi32, #tpu.memory_space<hbm>> -> memref<125x80xi32, #tpu.memory_space<hbm>>
      tpu.enqueue_dma source(%dma_start3A_56 : memref<125x80xi32, #tpu.memory_space<hbm>>) target(%arg8 : memref<125x80xi32, #tpu.memory_space<vmem>>) target_semaphore(%run_scoped3A : memref<!tpu.dma_semaphore, #tpu.memory_space<semaphore_mem>>)
      %dma_wait3A = arith.constant 0 : i32
      %dma_wait3A_57 = arith.constant 0 : i32
      %dma_wait3A_58 = tpu.memref_slice %arg4[%arg1, %dma_wait3A, %dma_wait3A_57] : memref<16x125x80xi32, #tpu.memory_space<hbm>> -> memref<1x125x80xi32, #tpu.memory_space<hbm>>
      %dma_wait3A_59 = tpu.memref_squeeze %dma_wait3A_58 : memref<1x125x80xi32, #tpu.memory_space<hbm>> -> memref<125x80xi32, #tpu.memory_space<hbm>>
      %dma_wait3A_60 = arith.constant 0 : i32
      %dma_wait3A_61 = arith.constant 0 : i32
      %dma_wait3A_62 = tpu.memref_slice %arg4[%arg1, %dma_wait3A_60, %dma_wait3A_61] : memref<16x125x80xi32, #tpu.memory_space<hbm>> -> memref<1x125x80xi32, #tpu.memory_space<hbm>>
      %dma_wait3A_63 = tpu.memref_squeeze %dma_wait3A_62 : memref<1x125x80xi32, #tpu.memory_space<hbm>> -> memref<125x80xi32, #tpu.memory_space<hbm>>
      tpu.wait_dma2 semaphore(%run_scoped3A : memref<!tpu.dma_semaphore, #tpu.memory_space<semaphore_mem>>) src(%dma_wait3A_63 : memref<125x80xi32, #tpu.memory_space<hbm>>) dst(%arg8 : memref<125x80xi32, #tpu.memory_space<vmem>>)
      tpu.yield
    }) : () -> ()
    "tpu.region"() ({
      %run_scoped3A = tpu.sem_alloc : memref<!tpu.dma_semaphore, #tpu.memory_space<semaphore_mem>>
      %dma_start3A = arith.constant 0 : i32
      %dma_start3A_50 = arith.constant 0 : i32
      %dma_start3A_51 = tpu.memref_slice %arg5[%arg1, %dma_start3A, %dma_start3A_50] : memref<16x125x80xi32, #tpu.memory_space<hbm>> -> memref<1x125x80xi32, #tpu.memory_space<hbm>>
      %dma_start3A_52 = tpu.memref_squeeze %dma_start3A_51 : memref<1x125x80xi32, #tpu.memory_space<hbm>> -> memref<125x80xi32, #tpu.memory_space<hbm>>
      %dma_start3A_53 = arith.constant 0 : i32
      %dma_start3A_54 = arith.constant 0 : i32
      %dma_start3A_55 = tpu.memref_slice %arg5[%arg1, %dma_start3A_53, %dma_start3A_54] : memref<16x125x80xi32, #tpu.memory_space<hbm>> -> memref<1x125x80xi32, #tpu.memory_space<hbm>>
      %dma_start3A_56 = tpu.memref_squeeze %dma_start3A_55 : memref<1x125x80xi32, #tpu.memory_space<hbm>> -> memref<125x80xi32, #tpu.memory_space<hbm>>
      tpu.enqueue_dma source(%dma_start3A_56 : memref<125x80xi32, #tpu.memory_space<hbm>>) target(%arg9 : memref<125x80xi32, #tpu.memory_space<vmem>>) target_semaphore(%run_scoped3A : memref<!tpu.dma_semaphore, #tpu.memory_space<semaphore_mem>>)
      %dma_wait3A = arith.constant 0 : i32
      %dma_wait3A_57 = arith.constant 0 : i32
      %dma_wait3A_58 = tpu.memref_slice %arg5[%arg1, %dma_wait3A, %dma_wait3A_57] : memref<16x125x80xi32, #tpu.memory_space<hbm>> -> memref<1x125x80xi32, #tpu.memory_space<hbm>>
      %dma_wait3A_59 = tpu.memref_squeeze %dma_wait3A_58 : memref<1x125x80xi32, #tpu.memory_space<hbm>> -> memref<125x80xi32, #tpu.memory_space<hbm>>
      %dma_wait3A_60 = arith.constant 0 : i32
      %dma_wait3A_61 = arith.constant 0 : i32
      %dma_wait3A_62 = tpu.memref_slice %arg5[%arg1, %dma_wait3A_60, %dma_wait3A_61] : memref<16x125x80xi32, #tpu.memory_space<hbm>> -> memref<1x125x80xi32, #tpu.memory_space<hbm>>
      %dma_wait3A_63 = tpu.memref_squeeze %dma_wait3A_62 : memref<1x125x80xi32, #tpu.memory_space<hbm>> -> memref<125x80xi32, #tpu.memory_space<hbm>>
      tpu.wait_dma2 semaphore(%run_scoped3A : memref<!tpu.dma_semaphore, #tpu.memory_space<semaphore_mem>>) src(%dma_wait3A_63 : memref<125x80xi32, #tpu.memory_space<hbm>>) dst(%arg9 : memref<125x80xi32, #tpu.memory_space<vmem>>)
      tpu.yield
    }) : () -> ()
    %barrier3A = arith.constant 0 : index
    tpu.barrier barrier_id(%barrier3A)
    %eq3A = arith.constant 0 : i32
    %eq3A_32 = arith.cmpi eq, %arg0, %eq3A : i32
    %convert_element_type3A = arith.extui %eq3A_32 : i1 to i32
    %cond3A = arith.constant 0 : i32
    %cond3A_33 = arith.cmpi ne, %convert_element_type3A, %cond3A : i32
    scf.if %cond3A_33 {
      %scan3A_50 = arith.constant 0 : i32
      %scan3A_51 = arith.constant 125 : i32
      %scan3A_52 = arith.addi %scan3A_50, %scan3A_51 : i32
      %scan3A_53 = arith.constant 1 : i32
      scf.for %scan3A_55 = %scan3A_50 to %scan3A_52 step %scan3A_53  : i32 {
        %mul3A_56 = arith.constant 1 : i32
        %mul3A_57 = arith.muli %scan3A_55, %mul3A_56 : i32
        %add3A_58 = arith.constant 0 : i32
        %add3A_59 = arith.addi %add3A_58, %mul3A_57 : i32
        %dma_start3A = arith.constant 0 : i32
        %dma_start3A_60 = tpu.memref_slice %arg8[%add3A_59, %dma_start3A] : memref<125x80xi32, #tpu.memory_space<vmem>> -> memref<1x80xi32, #tpu.memory_space<vmem>>
        %dma_start3A_61 = tpu.memref_squeeze %dma_start3A_60 : memref<1x80xi32, #tpu.memory_space<vmem>> -> memref<80xi32, #tpu.memory_space<vmem>>
        %dma_start3A_62 = arith.constant 0 : i32
        %dma_start3A_63 = arith.constant 0 : i32
        %dma_start3A_64 = tpu.memref_slice %arg2[%dma_start3A_62, %dma_start3A_63] : memref<10000x16xf32, #tpu.memory_space<hbm>> -> memref<10000x16xf32, #tpu.memory_space<hbm>>
        tpu.enqueue_indirect_dma source(%dma_start3A_64 : memref<10000x16xf32, #tpu.memory_space<hbm>>) target(%arg10 : memref<80x16xf32, #tpu.memory_space<vmem>>) offsets(%dma_start3A_61 : memref<80xi32, #tpu.memory_space<vmem>>) semaphore(%arg13 : memref<!tpu.dma_semaphore, #tpu.memory_space<semaphore_mem>>)
        %dma_wait3A = arith.constant 0 : i32
        %dma_wait3A_65 = tpu.memref_slice %arg8[%add3A_59, %dma_wait3A] : memref<125x80xi32, #tpu.memory_space<vmem>> -> memref<1x80xi32, #tpu.memory_space<vmem>>
        %dma_wait3A_66 = tpu.memref_squeeze %dma_wait3A_65 : memref<1x80xi32, #tpu.memory_space<vmem>> -> memref<80xi32, #tpu.memory_space<vmem>>
        %dma_wait3A_67 = arith.constant 0 : i32
        %dma_wait3A_68 = arith.constant 0 : i32
        %dma_wait3A_69 = tpu.memref_slice %arg2[%dma_wait3A_67, %dma_wait3A_68] : memref<10000x16xf32, #tpu.memory_space<hbm>> -> memref<10000x16xf32, #tpu.memory_space<hbm>>
        tpu.wait_indirect_dma semaphore(%arg13 : memref<!tpu.dma_semaphore, #tpu.memory_space<semaphore_mem>>) src(%dma_wait3A_69 : memref<10000x16xf32, #tpu.memory_space<hbm>>) dst(%arg10 : memref<80x16xf32, #tpu.memory_space<vmem>>)
        "tpu.region"() ({
          %run_scoped3A = tpu.sem_alloc : memref<!tpu.dma_semaphore, #tpu.memory_space<semaphore_mem>>
          %dma_start3A_70 = arith.constant 0 : i32
          %dma_start3A_71 = tpu.memref_slice %arg9[%add3A_59, %dma_start3A_70] : memref<125x80xi32, #tpu.memory_space<vmem>> -> memref<1x80xi32, #tpu.memory_space<vmem>>
          %dma_start3A_72 = tpu.memref_squeeze %dma_start3A_71 : memref<1x80xi32, #tpu.memory_space<vmem>> -> memref<80xi32, #tpu.memory_space<vmem>>
          %dma_start3A_73 = arith.constant 0 : i32
          %dma_start3A_74 = arith.constant 0 : i32
          %dma_start3A_75 = tpu.memref_slice %arg12[%dma_start3A_73, %dma_start3A_74] : memref<10000x16xf32, #tpu.memory_space<vmem_shared>> -> memref<10000x16xf32, #tpu.memory_space<vmem_shared>>
          tpu.enqueue_indirect_dma source(%arg10 : memref<80x16xf32, #tpu.memory_space<vmem>>) target(%dma_start3A_75 : memref<10000x16xf32, #tpu.memory_space<vmem_shared>>) offsets(%dma_start3A_72 : memref<80xi32, #tpu.memory_space<vmem>>) semaphore(%run_scoped3A : memref<!tpu.dma_semaphore, #tpu.memory_space<semaphore_mem>>) {add = true}
          %dma_wait3A_76 = arith.constant 0 : i32
          %dma_wait3A_77 = tpu.memref_slice %arg9[%add3A_59, %dma_wait3A_76] : memref<125x80xi32, #tpu.memory_space<vmem>> -> memref<1x80xi32, #tpu.memory_space<vmem>>
          %dma_wait3A_78 = tpu.memref_squeeze %dma_wait3A_77 : memref<1x80xi32, #tpu.memory_space<vmem>> -> memref<80xi32, #tpu.memory_space<vmem>>
          %dma_wait3A_79 = arith.constant 0 : i32
          %dma_wait3A_80 = arith.constant 0 : i32
          %dma_wait3A_81 = tpu.memref_slice %arg12[%dma_wait3A_79, %dma_wait3A_80] : memref<10000x16xf32, #tpu.memory_space<vmem_shared>> -> memref<10000x16xf32, #tpu.memory_space<vmem_shared>>
          tpu.wait_indirect_dma semaphore(%run_scoped3A : memref<!tpu.dma_semaphore, #tpu.memory_space<semaphore_mem>>) src(%arg10 : memref<80x16xf32, #tpu.memory_space<vmem>>) dst(%dma_wait3A_81 : memref<10000x16xf32, #tpu.memory_space<vmem_shared>>)
          tpu.yield
        }) : () -> ()
      }
      %scan3A_54 = arith.constant 125 : i32
    } else {
    }
    %eq3A_34 = arith.constant 1 : i32
    %eq3A_35 = arith.cmpi eq, %arg0, %eq3A_34 : i32
    %convert_element_type3A_36 = arith.extui %eq3A_35 : i1 to i32
    %cond3A_37 = arith.constant 0 : i32
    %cond3A_38 = arith.cmpi ne, %convert_element_type3A_36, %cond3A_37 : i32
    scf.if %cond3A_38 {
      %scan3A_50 = arith.constant 0 : i32
      %scan3A_51 = arith.constant 125 : i32
      %scan3A_52 = arith.addi %scan3A_50, %scan3A_51 : i32
      %scan3A_53 = arith.constant 1 : i32
      scf.for %scan3A_55 = %scan3A_50 to %scan3A_52 step %scan3A_53  : i32 {
        %mul3A_56 = arith.constant 1 : i32
        %mul3A_57 = arith.muli %scan3A_55, %mul3A_56 : i32
        %add3A_58 = arith.constant 0 : i32
        %add3A_59 = arith.addi %add3A_58, %mul3A_57 : i32
        %dma_start3A = arith.constant 0 : i32
        %dma_start3A_60 = tpu.memref_slice %arg8[%add3A_59, %dma_start3A] : memref<125x80xi32, #tpu.memory_space<vmem>> -> memref<1x80xi32, #tpu.memory_space<vmem>>
        %dma_start3A_61 = tpu.memref_squeeze %dma_start3A_60 : memref<1x80xi32, #tpu.memory_space<vmem>> -> memref<80xi32, #tpu.memory_space<vmem>>
        %dma_start3A_62 = arith.constant 0 : i32
        %dma_start3A_63 = arith.constant 0 : i32
        %dma_start3A_64 = tpu.memref_slice %arg3[%dma_start3A_62, %dma_start3A_63] : memref<10000x16xf32, #tpu.memory_space<hbm>> -> memref<10000x16xf32, #tpu.memory_space<hbm>>
        tpu.enqueue_indirect_dma source(%dma_start3A_64 : memref<10000x16xf32, #tpu.memory_space<hbm>>) target(%arg10 : memref<80x16xf32, #tpu.memory_space<vmem>>) offsets(%dma_start3A_61 : memref<80xi32, #tpu.memory_space<vmem>>) semaphore(%arg13 : memref<!tpu.dma_semaphore, #tpu.memory_space<semaphore_mem>>)
        %dma_wait3A = arith.constant 0 : i32
        %dma_wait3A_65 = tpu.memref_slice %arg8[%add3A_59, %dma_wait3A] : memref<125x80xi32, #tpu.memory_space<vmem>> -> memref<1x80xi32, #tpu.memory_space<vmem>>
        %dma_wait3A_66 = tpu.memref_squeeze %dma_wait3A_65 : memref<1x80xi32, #tpu.memory_space<vmem>> -> memref<80xi32, #tpu.memory_space<vmem>>
        %dma_wait3A_67 = arith.constant 0 : i32
        %dma_wait3A_68 = arith.constant 0 : i32
        %dma_wait3A_69 = tpu.memref_slice %arg3[%dma_wait3A_67, %dma_wait3A_68] : memref<10000x16xf32, #tpu.memory_space<hbm>> -> memref<10000x16xf32, #tpu.memory_space<hbm>>
        tpu.wait_indirect_dma semaphore(%arg13 : memref<!tpu.dma_semaphore, #tpu.memory_space<semaphore_mem>>) src(%dma_wait3A_69 : memref<10000x16xf32, #tpu.memory_space<hbm>>) dst(%arg10 : memref<80x16xf32, #tpu.memory_space<vmem>>)
        "tpu.region"() ({
          %run_scoped3A = tpu.sem_alloc : memref<!tpu.dma_semaphore, #tpu.memory_space<semaphore_mem>>
          %dma_start3A_70 = arith.constant 0 : i32
          %dma_start3A_71 = tpu.memref_slice %arg9[%add3A_59, %dma_start3A_70] : memref<125x80xi32, #tpu.memory_space<vmem>> -> memref<1x80xi32, #tpu.memory_space<vmem>>
          %dma_start3A_72 = tpu.memref_squeeze %dma_start3A_71 : memref<1x80xi32, #tpu.memory_space<vmem>> -> memref<80xi32, #tpu.memory_space<vmem>>
          %dma_start3A_73 = arith.constant 0 : i32
          %dma_start3A_74 = arith.constant 0 : i32
          %dma_start3A_75 = tpu.memref_slice %arg12[%dma_start3A_73, %dma_start3A_74] : memref<10000x16xf32, #tpu.memory_space<vmem_shared>> -> memref<10000x16xf32, #tpu.memory_space<vmem_shared>>
          tpu.enqueue_indirect_dma source(%arg10 : memref<80x16xf32, #tpu.memory_space<vmem>>) target(%dma_start3A_75 : memref<10000x16xf32, #tpu.memory_space<vmem_shared>>) offsets(%dma_start3A_72 : memref<80xi32, #tpu.memory_space<vmem>>) semaphore(%run_scoped3A : memref<!tpu.dma_semaphore, #tpu.memory_space<semaphore_mem>>) {add = true}
          %dma_wait3A_76 = arith.constant 0 : i32
          %dma_wait3A_77 = tpu.memref_slice %arg9[%add3A_59, %dma_wait3A_76] : memref<125x80xi32, #tpu.memory_space<vmem>> -> memref<1x80xi32, #tpu.memory_space<vmem>>
          %dma_wait3A_78 = tpu.memref_squeeze %dma_wait3A_77 : memref<1x80xi32, #tpu.memory_space<vmem>> -> memref<80xi32, #tpu.memory_space<vmem>>
          %dma_wait3A_79 = arith.constant 0 : i32
          %dma_wait3A_80 = arith.constant 0 : i32
          %dma_wait3A_81 = tpu.memref_slice %arg12[%dma_wait3A_79, %dma_wait3A_80] : memref<10000x16xf32, #tpu.memory_space<vmem_shared>> -> memref<10000x16xf32, #tpu.memory_space<vmem_shared>>
          tpu.wait_indirect_dma semaphore(%run_scoped3A : memref<!tpu.dma_semaphore, #tpu.memory_space<semaphore_mem>>) src(%arg10 : memref<80x16xf32, #tpu.memory_space<vmem>>) dst(%dma_wait3A_81 : memref<10000x16xf32, #tpu.memory_space<vmem_shared>>)
          tpu.yield
        }) : () -> ()
      }
      %scan3A_54 = arith.constant 125 : i32
    } else {
    }
    %barrier3A_39 = arith.constant 0 : index
    tpu.barrier barrier_id(%barrier3A_39)
    %eq3A_40 = arith.constant 0 : i32
    %eq3A_41 = arith.cmpi eq, %arg0, %eq3A_40 : i32
    %convert_element_type3A_42 = arith.extui %eq3A_41 : i1 to i32
    %cond3A_43 = arith.constant 0 : i32
    %cond3A_44 = arith.cmpi ne, %convert_element_type3A_42, %cond3A_43 : i32
    scf.if %cond3A_44 {
      %lt3A_50 = arith.constant 2 : i32
      %lt3A_51 = arith.cmpi slt, %arg1, %lt3A_50 : i32
      %convert_element_type3A_52 = arith.extui %lt3A_51 : i1 to i32
      %cond3A_53 = arith.constant 0 : i32
      %cond3A_54 = arith.cmpi ne, %convert_element_type3A_52, %cond3A_53 : i32
      scf.if %cond3A_54 {
        "tpu.region"() ({
          %run_scoped3A = tpu.sem_alloc : memref<!tpu.dma_semaphore, #tpu.memory_space<semaphore_mem>>
          %dma_start3A = arith.constant 0 : i32
          %dma_start3A_59 = tpu.memref_slice %arg6[%select_n3A, %dma_start3A] : memref<10000x16xf32, #tpu.memory_space<hbm>> -> memref<632x16xf32, #tpu.memory_space<hbm>>
          %dma_start3A_60 = arith.constant 0 : i32
          %dma_start3A_61 = tpu.memref_slice %arg12[%select_n3A, %dma_start3A_60] : memref<10000x16xf32, #tpu.memory_space<vmem_shared>> -> memref<632x16xf32, #tpu.memory_space<vmem_shared>>
          tpu.enqueue_dma source(%dma_start3A_61 : memref<632x16xf32, #tpu.memory_space<vmem_shared>>) target(%dma_start3A_59 : memref<632x16xf32, #tpu.memory_space<hbm>>) target_semaphore(%run_scoped3A : memref<!tpu.dma_semaphore, #tpu.memory_space<semaphore_mem>>)
          %dma_wait3A = arith.constant 0 : i32
          %dma_wait3A_62 = tpu.memref_slice %arg6[%select_n3A, %dma_wait3A] : memref<10000x16xf32, #tpu.memory_space<hbm>> -> memref<632x16xf32, #tpu.memory_space<hbm>>
          %dma_wait3A_63 = arith.constant 0 : i32
          %dma_wait3A_64 = tpu.memref_slice %arg12[%select_n3A, %dma_wait3A_63] : memref<10000x16xf32, #tpu.memory_space<vmem_shared>> -> memref<632x16xf32, #tpu.memory_space<vmem_shared>>
          tpu.wait_dma2 semaphore(%run_scoped3A : memref<!tpu.dma_semaphore, #tpu.memory_space<semaphore_mem>>) src(%dma_wait3A_64 : memref<632x16xf32, #tpu.memory_space<vmem_shared>>) dst(%dma_wait3A_62 : memref<632x16xf32, #tpu.memory_space<hbm>>)
          tpu.yield
        }) : () -> ()
      } else {
      }
      %ge3A = arith.constant 2 : i32
      %ge3A_55 = arith.cmpi sge, %arg1, %ge3A : i32
      %convert_element_type3A_56 = arith.extui %ge3A_55 : i1 to i32
      %cond3A_57 = arith.constant 0 : i32
      %cond3A_58 = arith.cmpi ne, %convert_element_type3A_56, %cond3A_57 : i32
      scf.if %cond3A_58 {
        "tpu.region"() ({
          %run_scoped3A = tpu.sem_alloc : memref<!tpu.dma_semaphore, #tpu.memory_space<semaphore_mem>>
          %dma_start3A = arith.constant 0 : i32
          %dma_start3A_59 = tpu.memref_slice %arg6[%select_n3A, %dma_start3A] : memref<10000x16xf32, #tpu.memory_space<hbm>> -> memref<624x16xf32, #tpu.memory_space<hbm>>
          %dma_start3A_60 = arith.constant 0 : i32
          %dma_start3A_61 = tpu.memref_slice %arg12[%select_n3A, %dma_start3A_60] : memref<10000x16xf32, #tpu.memory_space<vmem_shared>> -> memref<624x16xf32, #tpu.memory_space<vmem_shared>>
          tpu.enqueue_dma source(%dma_start3A_61 : memref<624x16xf32, #tpu.memory_space<vmem_shared>>) target(%dma_start3A_59 : memref<624x16xf32, #tpu.memory_space<hbm>>) target_semaphore(%run_scoped3A : memref<!tpu.dma_semaphore, #tpu.memory_space<semaphore_mem>>)
          %dma_wait3A = arith.constant 0 : i32
          %dma_wait3A_62 = tpu.memref_slice %arg6[%select_n3A, %dma_wait3A] : memref<10000x16xf32, #tpu.memory_space<hbm>> -> memref<624x16xf32, #tpu.memory_space<hbm>>
          %dma_wait3A_63 = arith.constant 0 : i32
          %dma_wait3A_64 = tpu.memref_slice %arg12[%select_n3A, %dma_wait3A_63] : memref<10000x16xf32, #tpu.memory_space<vmem_shared>> -> memref<624x16xf32, #tpu.memory_space<vmem_shared>>
          tpu.wait_dma2 semaphore(%run_scoped3A : memref<!tpu.dma_semaphore, #tpu.memory_space<semaphore_mem>>) src(%dma_wait3A_64 : memref<624x16xf32, #tpu.memory_space<vmem_shared>>) dst(%dma_wait3A_62 : memref<624x16xf32, #tpu.memory_space<hbm>>)
          tpu.yield
        }) : () -> ()
      } else {
      }
    } else {
    }
    %eq3A_45 = arith.constant 1 : i32
    %eq3A_46 = arith.cmpi eq, %arg0, %eq3A_45 : i32
    %convert_element_type3A_47 = arith.extui %eq3A_46 : i1 to i32
    %cond3A_48 = arith.constant 0 : i32
    %cond3A_49 = arith.cmpi ne, %convert_element_type3A_47, %cond3A_48 : i32
    scf.if %cond3A_49 {
      %lt3A_50 = arith.constant 2 : i32
      %lt3A_51 = arith.cmpi slt, %arg1, %lt3A_50 : i32
      %convert_element_type3A_52 = arith.extui %lt3A_51 : i1 to i32
      %cond3A_53 = arith.constant 0 : i32
      %cond3A_54 = arith.cmpi ne, %convert_element_type3A_52, %cond3A_53 : i32
      scf.if %cond3A_54 {
        "tpu.region"() ({
          %run_scoped3A = tpu.sem_alloc : memref<!tpu.dma_semaphore, #tpu.memory_space<semaphore_mem>>
          %dma_start3A = arith.constant 0 : i32
          %dma_start3A_59 = tpu.memref_slice %arg7[%select_n3A, %dma_start3A] : memref<10000x16xf32, #tpu.memory_space<hbm>> -> memref<632x16xf32, #tpu.memory_space<hbm>>
          %dma_start3A_60 = arith.constant 0 : i32
          %dma_start3A_61 = tpu.memref_slice %arg12[%select_n3A, %dma_start3A_60] : memref<10000x16xf32, #tpu.memory_space<vmem_shared>> -> memref<632x16xf32, #tpu.memory_space<vmem_shared>>
          tpu.enqueue_dma source(%dma_start3A_61 : memref<632x16xf32, #tpu.memory_space<vmem_shared>>) target(%dma_start3A_59 : memref<632x16xf32, #tpu.memory_space<hbm>>) target_semaphore(%run_scoped3A : memref<!tpu.dma_semaphore, #tpu.memory_space<semaphore_mem>>)
          %dma_wait3A = arith.constant 0 : i32
          %dma_wait3A_62 = tpu.memref_slice %arg7[%select_n3A, %dma_wait3A] : memref<10000x16xf32, #tpu.memory_space<hbm>> -> memref<632x16xf32, #tpu.memory_space<hbm>>
          %dma_wait3A_63 = arith.constant 0 : i32
          %dma_wait3A_64 = tpu.memref_slice %arg12[%select_n3A, %dma_wait3A_63] : memref<10000x16xf32, #tpu.memory_space<vmem_shared>> -> memref<632x16xf32, #tpu.memory_space<vmem_shared>>
          tpu.wait_dma2 semaphore(%run_scoped3A : memref<!tpu.dma_semaphore, #tpu.memory_space<semaphore_mem>>) src(%dma_wait3A_64 : memref<632x16xf32, #tpu.memory_space<vmem_shared>>) dst(%dma_wait3A_62 : memref<632x16xf32, #tpu.memory_space<hbm>>)
          tpu.yield
        }) : () -> ()
      } else {
      }
      %ge3A = arith.constant 2 : i32
      %ge3A_55 = arith.cmpi sge, %arg1, %ge3A : i32
      %convert_element_type3A_56 = arith.extui %ge3A_55 : i1 to i32
      %cond3A_57 = arith.constant 0 : i32
      %cond3A_58 = arith.cmpi ne, %convert_element_type3A_56, %cond3A_57 : i32
      scf.if %cond3A_58 {
        "tpu.region"() ({
          %run_scoped3A = tpu.sem_alloc : memref<!tpu.dma_semaphore, #tpu.memory_space<semaphore_mem>>
          %dma_start3A = arith.constant 0 : i32
          %dma_start3A_59 = tpu.memref_slice %arg7[%select_n3A, %dma_start3A] : memref<10000x16xf32, #tpu.memory_space<hbm>> -> memref<624x16xf32, #tpu.memory_space<hbm>>
          %dma_start3A_60 = arith.constant 0 : i32
          %dma_start3A_61 = tpu.memref_slice %arg12[%select_n3A, %dma_start3A_60] : memref<10000x16xf32, #tpu.memory_space<vmem_shared>> -> memref<624x16xf32, #tpu.memory_space<vmem_shared>>
          tpu.enqueue_dma source(%dma_start3A_61 : memref<624x16xf32, #tpu.memory_space<vmem_shared>>) target(%dma_start3A_59 : memref<624x16xf32, #tpu.memory_space<hbm>>) target_semaphore(%run_scoped3A : memref<!tpu.dma_semaphore, #tpu.memory_space<semaphore_mem>>)
          %dma_wait3A = arith.constant 0 : i32
          %dma_wait3A_62 = tpu.memref_slice %arg7[%select_n3A, %dma_wait3A] : memref<10000x16xf32, #tpu.memory_space<hbm>> -> memref<624x16xf32, #tpu.memory_space<hbm>>
          %dma_wait3A_63 = arith.constant 0 : i32
          %dma_wait3A_64 = tpu.memref_slice %arg12[%select_n3A, %dma_wait3A_63] : memref<10000x16xf32, #tpu.memory_space<vmem_shared>> -> memref<624x16xf32, #tpu.memory_space<vmem_shared>>
          tpu.wait_dma2 semaphore(%run_scoped3A : memref<!tpu.dma_semaphore, #tpu.memory_space<semaphore_mem>>) src(%dma_wait3A_64 : memref<624x16xf32, #tpu.memory_space<vmem_shared>>) dst(%dma_wait3A_62 : memref<624x16xf32, #tpu.memory_space<hbm>>)
          tpu.yield
        }) : () -> ()
      } else {
      }
    } else {
    }
    return
  }
}

#map = affine_map<(d0, d1) -> (0, 0)>
#map1 = affine_map<(d0, d1) -> (0, 0, 0)>
module attributes {stable_mosaic.version = 14 : i64} {
  func.func @body(%arg0: i32, %arg1: i32, %arg2: memref<10000x32xf32, #tpu.memory_space<hbm>>, %arg3: memref<10000x32xf32, #tpu.memory_space<hbm>>, %arg4: memref<16x125x80xi32, #tpu.memory_space<hbm>>, %arg5: memref<16x125x80xi32, #tpu.memory_space<hbm>>, %arg6: memref<10000x32xf32, #tpu.memory_space<hbm>>, %arg7: memref<10000x32xf32, #tpu.memory_space<hbm>>, %arg8: memref<125x80xi32, #tpu.memory_space<vmem>>, %arg9: memref<125x80xi32, #tpu.memory_space<vmem>>, %arg10: memref<80x32xf32, #tpu.memory_space<vmem>>, %arg11: memref<8x32xf32, #tpu.memory_space<vmem>>, %arg12: memref<10000x32xf32, #tpu.memory_space<vmem_shared>>, %arg13: memref<!tpu.dma_semaphore, #tpu.memory_space<semaphore_mem>>) attributes {dimension_semantics = [#tpu.dimension_semantics<core_parallel>, #tpu.dimension_semantics<subcore_parallel>], iteration_bounds = array<i64: 2, 16>, scalar_prefetch = 0 : i64, scratch_operands = 6 : i64, tpu.core_type = #tpu.core_type<sc_vector_subcore>, window_params = [{transform_indices = #map}, {transform_indices = #map}, {transform_indices = #map1}, {transform_indices = #map1}, {transform_indices = #map}, {transform_indices = #map}]} {
    %lt3A = arith.constant 2 : i32
    %lt3A_0 = arith.cmpi slt, %arg1, %lt3A : i32
    %mul3A = arith.constant 632 : i32
    %mul3A_1 = arith.muli %arg1, %mul3A : i32
    %sub3A = arith.constant 2 : i32
    %sub3A_2 = arith.subi %arg1, %sub3A : i32
    %mul3A_3 = arith.constant 624 : i32
    %mul3A_4 = arith.muli %sub3A_2, %mul3A_3 : i32
    %add3A = arith.constant 1264 : i32
    %add3A_5 = arith.addi %add3A, %mul3A_4 : i32
    %select_n3A = arith.select %lt3A_0, %mul3A_1, %add3A_5 : i32
    %lt3A_6 = arith.constant 2 : i32
    %lt3A_7 = arith.cmpi slt, %arg1, %lt3A_6 : i32
    %jit3A = arith.constant 79 : i32
    %jit3A_8 = arith.constant 78 : i32
    %select_n3A_9 = arith.select %lt3A_7, %jit3A, %jit3A_8 : i32
    %broadcast_in_dim3A = arith.constant 0.000000e+00 : f32
    %broadcast_in_dim3A_10 = vector.broadcast %broadcast_in_dim3A : f32 to vector<16xf32>
    %scan3A = arith.constant 0 : i32
    %scan3A_11 = arith.constant 8 : i32
    %scan3A_12 = arith.addi %scan3A, %scan3A_11 : i32
    %scan3A_13 = arith.constant 1 : i32
    scf.for %scan3A_50 = %scan3A to %scan3A_12 step %scan3A_13  : i32 {
      %mul3A_51 = arith.constant 1 : i32
      %mul3A_52 = arith.muli %scan3A_50, %mul3A_51 : i32
      %add3A_53 = arith.constant 0 : i32
      %add3A_54 = arith.addi %add3A_53, %mul3A_52 : i32
      %scan3A_55 = arith.constant 0 : i32
      %scan3A_56 = arith.constant 2 : i32
      %scan3A_57 = arith.addi %scan3A_55, %scan3A_56 : i32
      %scan3A_58 = arith.constant 1 : i32
      scf.for %scan3A_60 = %scan3A_55 to %scan3A_57 step %scan3A_58  : i32 {
        %mul3A_61 = arith.constant 1 : i32
        %mul3A_62 = arith.muli %scan3A_60, %mul3A_61 : i32
        %add3A_63 = arith.constant 0 : i32
        %add3A_64 = arith.addi %add3A_63, %mul3A_62 : i32
        %mul3A_65 = arith.constant 16 : i32
        %mul3A_66 = arith.muli %add3A_64, %mul3A_65 : i32
        %swap3A = arith.index_cast %add3A_54 : i32 to index
        %swap3A_67 = arith.index_cast %mul3A_66 : i32 to index
        %swap3A_68 = tpu.vector_load %arg11[%swap3A, %swap3A_67] {strides = array<i32>} : memref<8x32xf32, #tpu.memory_space<vmem>>, vector<1x16xf32>,
        %swap3A_69 = vector.shape_cast %swap3A_68 : vector<1x16xf32> to vector<16xf32>
        %swap3A_70 = vector.shape_cast %broadcast_in_dim3A_10 : vector<16xf32> to vector<1x16xf32>
        tpu.vector_store %arg11[%swap3A, %swap3A_67], %swap3A_70 {strides = array<i32>} : memref<8x32xf32, #tpu.memory_space<vmem>>, vector<1x16xf32>,
      }
      %scan3A_59 = arith.constant 2 : i32
    }
    %scan3A_14 = arith.constant 8 : i32
    %sub3A_15 = arith.constant 0 : i32
    %sub3A_16 = arith.subi %select_n3A_9, %sub3A_15 : i32
    %sub3A_17 = arith.constant 1 : i32
    %sub3A_18 = arith.constant 1 : i32
    %sub3A_19 = arith.subi %sub3A_17, %sub3A_18 : i32
    %add3A_20 = arith.addi %sub3A_16, %sub3A_19 : i32
    %div3A = arith.constant 1 : i32
    %div3A_21 = arith.divsi %add3A_20, %div3A : i32
    %while3A = arith.constant 1 : i32
    %while3A_22 = arith.constant 0 : i32
    %while3A_23 = arith.constant 0 : i32
    %while3A_24 = arith.subi %div3A_21, %while3A_23 : i32
    %while3A_25 = arith.addi %while3A_23, %while3A_24 : i32
    %while3A_26 = arith.constant 1 : i32
    %while3A_27 = arith.divsi %while3A_24, %while3A_26 : i32
    %while3A_28 = arith.muli %while3A_27, %while3A_26 : i32
    %while3A_29 = arith.addi %while3A_23, %while3A_28 : i32
    %while3A_30 = arith.constant 1 : i32
    scf.for %while3A_50 = %while3A_23 to %while3A_29 step %while3A_30  : i32 {
      %mul3A_51 = arith.muli %while3A_50, %while3A : i32
      %add3A_52 = arith.addi %while3A_22, %mul3A_51 : i32
      %mul3A_53 = arith.constant 8 : i32
      %mul3A_54 = arith.muli %add3A_52, %mul3A_53 : i32
      %add3A_55 = arith.addi %select_n3A, %mul3A_54 : i32
      "tpu.region"() ({
        %run_scoped3A = tpu.sem_alloc : memref<!tpu.dma_semaphore, #tpu.memory_space<semaphore_mem>>
        %dma_start3A = arith.constant 0 : i32
        %dma_start3A_56 = tpu.memref_slice %arg12[%add3A_55, %dma_start3A] : memref<10000x32xf32, #tpu.memory_space<vmem_shared>> -> memref<8x32xf32, #tpu.memory_space<vmem_shared>>
        %dma_start3A_57 = arith.constant 0 : i32
        %dma_start3A_58 = tpu.memref_slice %arg12[%add3A_55, %dma_start3A_57] : memref<10000x32xf32, #tpu.memory_space<vmem_shared>> -> memref<8x32xf32, #tpu.memory_space<vmem_shared>>
        tpu.enqueue_dma source(%arg11 : memref<8x32xf32, #tpu.memory_space<vmem>>) target(%dma_start3A_58 : memref<8x32xf32, #tpu.memory_space<vmem_shared>>) target_semaphore(%run_scoped3A : memref<!tpu.dma_semaphore, #tpu.memory_space<semaphore_mem>>)
        %dma_wait3A = arith.constant 0 : i32
        %dma_wait3A_59 = tpu.memref_slice %arg12[%add3A_55, %dma_wait3A] : memref<10000x32xf32, #tpu.memory_space<vmem_shared>> -> memref<8x32xf32, #tpu.memory_space<vmem_shared>>
        %dma_wait3A_60 = arith.constant 0 : i32
        %dma_wait3A_61 = tpu.memref_slice %arg12[%add3A_55, %dma_wait3A_60] : memref<10000x32xf32, #tpu.memory_space<vmem_shared>> -> memref<8x32xf32, #tpu.memory_space<vmem_shared>>
        tpu.wait_dma2 semaphore(%run_scoped3A : memref<!tpu.dma_semaphore, #tpu.memory_space<semaphore_mem>>) src(%arg11 : memref<8x32xf32, #tpu.memory_space<vmem>>) dst(%dma_wait3A_61 : memref<8x32xf32, #tpu.memory_space<vmem_shared>>)
        tpu.yield
      }) : () -> ()
    }
    %while3A_31 = arith.constant 1 : i32
    scf.for %while3A_50 = %while3A_29 to %while3A_25 step %while3A_31  : i32 {
      %mul3A_51 = arith.muli %while3A_50, %while3A : i32
      %add3A_52 = arith.addi %while3A_22, %mul3A_51 : i32
      %mul3A_53 = arith.constant 8 : i32
      %mul3A_54 = arith.muli %add3A_52, %mul3A_53 : i32
      %add3A_55 = arith.addi %select_n3A, %mul3A_54 : i32
      "tpu.region"() ({
        %run_scoped3A = tpu.sem_alloc : memref<!tpu.dma_semaphore, #tpu.memory_space<semaphore_mem>>
        %dma_start3A = arith.constant 0 : i32
        %dma_start3A_56 = tpu.memref_slice %arg12[%add3A_55, %dma_start3A] : memref<10000x32xf32, #tpu.memory_space<vmem_shared>> -> memref<8x32xf32, #tpu.memory_space<vmem_shared>>
        %dma_start3A_57 = arith.constant 0 : i32
        %dma_start3A_58 = tpu.memref_slice %arg12[%add3A_55, %dma_start3A_57] : memref<10000x32xf32, #tpu.memory_space<vmem_shared>> -> memref<8x32xf32, #tpu.memory_space<vmem_shared>>
        tpu.enqueue_dma source(%arg11 : memref<8x32xf32, #tpu.memory_space<vmem>>) target(%dma_start3A_58 : memref<8x32xf32, #tpu.memory_space<vmem_shared>>) target_semaphore(%run_scoped3A : memref<!tpu.dma_semaphore, #tpu.memory_space<semaphore_mem>>)
        %dma_wait3A = arith.constant 0 : i32
        %dma_wait3A_59 = tpu.memref_slice %arg12[%add3A_55, %dma_wait3A] : memref<10000x32xf32, #tpu.memory_space<vmem_shared>> -> memref<8x32xf32, #tpu.memory_space<vmem_shared>>
        %dma_wait3A_60 = arith.constant 0 : i32
        %dma_wait3A_61 = tpu.memref_slice %arg12[%add3A_55, %dma_wait3A_60] : memref<10000x32xf32, #tpu.memory_space<vmem_shared>> -> memref<8x32xf32, #tpu.memory_space<vmem_shared>>
        tpu.wait_dma2 semaphore(%run_scoped3A : memref<!tpu.dma_semaphore, #tpu.memory_space<semaphore_mem>>) src(%arg11 : memref<8x32xf32, #tpu.memory_space<vmem>>) dst(%dma_wait3A_61 : memref<8x32xf32, #tpu.memory_space<vmem_shared>>)
        tpu.yield
      }) : () -> ()
    }
    "tpu.region"() ({
      %run_scoped3A = tpu.sem_alloc : memref<!tpu.dma_semaphore, #tpu.memory_space<semaphore_mem>>
      %dma_start3A = arith.constant 0 : i32
      %dma_start3A_50 = arith.constant 0 : i32
      %dma_start3A_51 = tpu.memref_slice %arg4[%arg1, %dma_start3A, %dma_start3A_50] : memref<16x125x80xi32, #tpu.memory_space<hbm>> -> memref<1x125x80xi32, #tpu.memory_space<hbm>>
      %dma_start3A_52 = tpu.memref_squeeze %dma_start3A_51 : memref<1x125x80xi32, #tpu.memory_space<hbm>> -> memref<125x80xi32, #tpu.memory_space<hbm>>
      %dma_start3A_53 = arith.constant 0 : i32
      %dma_start3A_54 = arith.constant 0 : i32
      %dma_start3A_55 = tpu.memref_slice %arg4[%arg1, %dma_start3A_53, %dma_start3A_54] : memref<16x125x80xi32, #tpu.memory_space<hbm>> -> memref<1x125x80xi32, #tpu.memory_space<hbm>>
      %dma_start3A_56 = tpu.memref_squeeze %dma_start3A_55 : memref<1x125x80xi32, #tpu.memory_space<hbm>> -> memref<125x80xi32, #tpu.memory_space<hbm>>
      tpu.enqueue_dma source(%dma_start3A_56 : memref<125x80xi32, #tpu.memory_space<hbm>>) target(%arg8 : memref<125x80xi32, #tpu.memory_space<vmem>>) target_semaphore(%run_scoped3A : memref<!tpu.dma_semaphore, #tpu.memory_space<semaphore_mem>>)
      %dma_wait3A = arith.constant 0 : i32
      %dma_wait3A_57 = arith.constant 0 : i32
      %dma_wait3A_58 = tpu.memref_slice %arg4[%arg1, %dma_wait3A, %dma_wait3A_57] : memref<16x125x80xi32, #tpu.memory_space<hbm>> -> memref<1x125x80xi32, #tpu.memory_space<hbm>>
      %dma_wait3A_59 = tpu.memref_squeeze %dma_wait3A_58 : memref<1x125x80xi32, #tpu.memory_space<hbm>> -> memref<125x80xi32, #tpu.memory_space<hbm>>
      %dma_wait3A_60 = arith.constant 0 : i32
      %dma_wait3A_61 = arith.constant 0 : i32
      %dma_wait3A_62 = tpu.memref_slice %arg4[%arg1, %dma_wait3A_60, %dma_wait3A_61] : memref<16x125x80xi32, #tpu.memory_space<hbm>> -> memref<1x125x80xi32, #tpu.memory_space<hbm>>
      %dma_wait3A_63 = tpu.memref_squeeze %dma_wait3A_62 : memref<1x125x80xi32, #tpu.memory_space<hbm>> -> memref<125x80xi32, #tpu.memory_space<hbm>>
      tpu.wait_dma2 semaphore(%run_scoped3A : memref<!tpu.dma_semaphore, #tpu.memory_space<semaphore_mem>>) src(%dma_wait3A_63 : memref<125x80xi32, #tpu.memory_space<hbm>>) dst(%arg8 : memref<125x80xi32, #tpu.memory_space<vmem>>)
      tpu.yield
    }) : () -> ()
    "tpu.region"() ({
      %run_scoped3A = tpu.sem_alloc : memref<!tpu.dma_semaphore, #tpu.memory_space<semaphore_mem>>
      %dma_start3A = arith.constant 0 : i32
      %dma_start3A_50 = arith.constant 0 : i32
      %dma_start3A_51 = tpu.memref_slice %arg5[%arg1, %dma_start3A, %dma_start3A_50] : memref<16x125x80xi32, #tpu.memory_space<hbm>> -> memref<1x125x80xi32, #tpu.memory_space<hbm>>
      %dma_start3A_52 = tpu.memref_squeeze %dma_start3A_51 : memref<1x125x80xi32, #tpu.memory_space<hbm>> -> memref<125x80xi32, #tpu.memory_space<hbm>>
      %dma_start3A_53 = arith.constant 0 : i32
      %dma_start3A_54 = arith.constant 0 : i32
      %dma_start3A_55 = tpu.memref_slice %arg5[%arg1, %dma_start3A_53, %dma_start3A_54] : memref<16x125x80xi32, #tpu.memory_space<hbm>> -> memref<1x125x80xi32, #tpu.memory_space<hbm>>
      %dma_start3A_56 = tpu.memref_squeeze %dma_start3A_55 : memref<1x125x80xi32, #tpu.memory_space<hbm>> -> memref<125x80xi32, #tpu.memory_space<hbm>>
      tpu.enqueue_dma source(%dma_start3A_56 : memref<125x80xi32, #tpu.memory_space<hbm>>) target(%arg9 : memref<125x80xi32, #tpu.memory_space<vmem>>) target_semaphore(%run_scoped3A : memref<!tpu.dma_semaphore, #tpu.memory_space<semaphore_mem>>)
      %dma_wait3A = arith.constant 0 : i32
      %dma_wait3A_57 = arith.constant 0 : i32
      %dma_wait3A_58 = tpu.memref_slice %arg5[%arg1, %dma_wait3A, %dma_wait3A_57] : memref<16x125x80xi32, #tpu.memory_space<hbm>> -> memref<1x125x80xi32, #tpu.memory_space<hbm>>
      %dma_wait3A_59 = tpu.memref_squeeze %dma_wait3A_58 : memref<1x125x80xi32, #tpu.memory_space<hbm>> -> memref<125x80xi32, #tpu.memory_space<hbm>>
      %dma_wait3A_60 = arith.constant 0 : i32
      %dma_wait3A_61 = arith.constant 0 : i32
      %dma_wait3A_62 = tpu.memref_slice %arg5[%arg1, %dma_wait3A_60, %dma_wait3A_61] : memref<16x125x80xi32, #tpu.memory_space<hbm>> -> memref<1x125x80xi32, #tpu.memory_space<hbm>>
      %dma_wait3A_63 = tpu.memref_squeeze %dma_wait3A_62 : memref<1x125x80xi32, #tpu.memory_space<hbm>> -> memref<125x80xi32, #tpu.memory_space<hbm>>
      tpu.wait_dma2 semaphore(%run_scoped3A : memref<!tpu.dma_semaphore, #tpu.memory_space<semaphore_mem>>) src(%dma_wait3A_63 : memref<125x80xi32, #tpu.memory_space<hbm>>) dst(%arg9 : memref<125x80xi32, #tpu.memory_space<vmem>>)
      tpu.yield
    }) : () -> ()
    %barrier3A = arith.constant 0 : index
    tpu.barrier barrier_id(%barrier3A)
    %eq3A = arith.constant 0 : i32
    %eq3A_32 = arith.cmpi eq, %arg0, %eq3A : i32
    %convert_element_type3A = arith.extui %eq3A_32 : i1 to i32
    %cond3A = arith.constant 0 : i32
    %cond3A_33 = arith.cmpi ne, %convert_element_type3A, %cond3A : i32
    scf.if %cond3A_33 {
      %scan3A_50 = arith.constant 0 : i32
      %scan3A_51 = arith.constant 125 : i32
      %scan3A_52 = arith.addi %scan3A_50, %scan3A_51 : i32
      %scan3A_53 = arith.constant 1 : i32
      scf.for %scan3A_55 = %scan3A_50 to %scan3A_52 step %scan3A_53  : i32 {
        %mul3A_56 = arith.constant 1 : i32
        %mul3A_57 = arith.muli %scan3A_55, %mul3A_56 : i32
        %add3A_58 = arith.constant 0 : i32
        %add3A_59 = arith.addi %add3A_58, %mul3A_57 : i32
        %dma_start3A = arith.constant 0 : i32
        %dma_start3A_60 = tpu.memref_slice %arg8[%add3A_59, %dma_start3A] : memref<125x80xi32, #tpu.memory_space<vmem>> -> memref<1x80xi32, #tpu.memory_space<vmem>>
        %dma_start3A_61 = tpu.memref_squeeze %dma_start3A_60 : memref<1x80xi32, #tpu.memory_space<vmem>> -> memref<80xi32, #tpu.memory_space<vmem>>
        %dma_start3A_62 = arith.constant 0 : i32
        %dma_start3A_63 = arith.constant 0 : i32
        %dma_start3A_64 = tpu.memref_slice %arg2[%dma_start3A_62, %dma_start3A_63] : memref<10000x32xf32, #tpu.memory_space<hbm>> -> memref<10000x32xf32, #tpu.memory_space<hbm>>
        tpu.enqueue_indirect_dma source(%dma_start3A_64 : memref<10000x32xf32, #tpu.memory_space<hbm>>) target(%arg10 : memref<80x32xf32, #tpu.memory_space<vmem>>) offsets(%dma_start3A_61 : memref<80xi32, #tpu.memory_space<vmem>>) semaphore(%arg13 : memref<!tpu.dma_semaphore, #tpu.memory_space<semaphore_mem>>)
        %dma_wait3A = arith.constant 0 : i32
        %dma_wait3A_65 = tpu.memref_slice %arg8[%add3A_59, %dma_wait3A] : memref<125x80xi32, #tpu.memory_space<vmem>> -> memref<1x80xi32, #tpu.memory_space<vmem>>
        %dma_wait3A_66 = tpu.memref_squeeze %dma_wait3A_65 : memref<1x80xi32, #tpu.memory_space<vmem>> -> memref<80xi32, #tpu.memory_space<vmem>>
        %dma_wait3A_67 = arith.constant 0 : i32
        %dma_wait3A_68 = arith.constant 0 : i32
        %dma_wait3A_69 = tpu.memref_slice %arg2[%dma_wait3A_67, %dma_wait3A_68] : memref<10000x32xf32, #tpu.memory_space<hbm>> -> memref<10000x32xf32, #tpu.memory_space<hbm>>
        tpu.wait_indirect_dma semaphore(%arg13 : memref<!tpu.dma_semaphore, #tpu.memory_space<semaphore_mem>>) src(%dma_wait3A_69 : memref<10000x32xf32, #tpu.memory_space<hbm>>) dst(%arg10 : memref<80x32xf32, #tpu.memory_space<vmem>>)
        "tpu.region"() ({
          %run_scoped3A = tpu.sem_alloc : memref<!tpu.dma_semaphore, #tpu.memory_space<semaphore_mem>>
          %dma_start3A_70 = arith.constant 0 : i32
          %dma_start3A_71 = tpu.memref_slice %arg9[%add3A_59, %dma_start3A_70] : memref<125x80xi32, #tpu.memory_space<vmem>> -> memref<1x80xi32, #tpu.memory_space<vmem>>
          %dma_start3A_72 = tpu.memref_squeeze %dma_start3A_71 : memref<1x80xi32, #tpu.memory_space<vmem>> -> memref<80xi32, #tpu.memory_space<vmem>>
          %dma_start3A_73 = arith.constant 0 : i32
          %dma_start3A_74 = arith.constant 0 : i32
          %dma_start3A_75 = tpu.memref_slice %arg12[%dma_start3A_73, %dma_start3A_74] : memref<10000x32xf32, #tpu.memory_space<vmem_shared>> -> memref<10000x32xf32, #tpu.memory_space<vmem_shared>>
          tpu.enqueue_indirect_dma source(%arg10 : memref<80x32xf32, #tpu.memory_space<vmem>>) target(%dma_start3A_75 : memref<10000x32xf32, #tpu.memory_space<vmem_shared>>) offsets(%dma_start3A_72 : memref<80xi32, #tpu.memory_space<vmem>>) semaphore(%run_scoped3A : memref<!tpu.dma_semaphore, #tpu.memory_space<semaphore_mem>>) {add = true}
          %dma_wait3A_76 = arith.constant 0 : i32
          %dma_wait3A_77 = tpu.memref_slice %arg9[%add3A_59, %dma_wait3A_76] : memref<125x80xi32, #tpu.memory_space<vmem>> -> memref<1x80xi32, #tpu.memory_space<vmem>>
          %dma_wait3A_78 = tpu.memref_squeeze %dma_wait3A_77 : memref<1x80xi32, #tpu.memory_space<vmem>> -> memref<80xi32, #tpu.memory_space<vmem>>
          %dma_wait3A_79 = arith.constant 0 : i32
          %dma_wait3A_80 = arith.constant 0 : i32
          %dma_wait3A_81 = tpu.memref_slice %arg12[%dma_wait3A_79, %dma_wait3A_80] : memref<10000x32xf32, #tpu.memory_space<vmem_shared>> -> memref<10000x32xf32, #tpu.memory_space<vmem_shared>>
          tpu.wait_indirect_dma semaphore(%run_scoped3A : memref<!tpu.dma_semaphore, #tpu.memory_space<semaphore_mem>>) src(%arg10 : memref<80x32xf32, #tpu.memory_space<vmem>>) dst(%dma_wait3A_81 : memref<10000x32xf32, #tpu.memory_space<vmem_shared>>)
          tpu.yield
        }) : () -> ()
      }
      %scan3A_54 = arith.constant 125 : i32
    } else {
    }
    %eq3A_34 = arith.constant 1 : i32
    %eq3A_35 = arith.cmpi eq, %arg0, %eq3A_34 : i32
    %convert_element_type3A_36 = arith.extui %eq3A_35 : i1 to i32
    %cond3A_37 = arith.constant 0 : i32
    %cond3A_38 = arith.cmpi ne, %convert_element_type3A_36, %cond3A_37 : i32
    scf.if %cond3A_38 {
      %scan3A_50 = arith.constant 0 : i32
      %scan3A_51 = arith.constant 125 : i32
      %scan3A_52 = arith.addi %scan3A_50, %scan3A_51 : i32
      %scan3A_53 = arith.constant 1 : i32
      scf.for %scan3A_55 = %scan3A_50 to %scan3A_52 step %scan3A_53  : i32 {
        %mul3A_56 = arith.constant 1 : i32
        %mul3A_57 = arith.muli %scan3A_55, %mul3A_56 : i32
        %add3A_58 = arith.constant 0 : i32
        %add3A_59 = arith.addi %add3A_58, %mul3A_57 : i32
        %dma_start3A = arith.constant 0 : i32
        %dma_start3A_60 = tpu.memref_slice %arg8[%add3A_59, %dma_start3A] : memref<125x80xi32, #tpu.memory_space<vmem>> -> memref<1x80xi32, #tpu.memory_space<vmem>>
        %dma_start3A_61 = tpu.memref_squeeze %dma_start3A_60 : memref<1x80xi32, #tpu.memory_space<vmem>> -> memref<80xi32, #tpu.memory_space<vmem>>
        %dma_start3A_62 = arith.constant 0 : i32
        %dma_start3A_63 = arith.constant 0 : i32
        %dma_start3A_64 = tpu.memref_slice %arg3[%dma_start3A_62, %dma_start3A_63] : memref<10000x32xf32, #tpu.memory_space<hbm>> -> memref<10000x32xf32, #tpu.memory_space<hbm>>
        tpu.enqueue_indirect_dma source(%dma_start3A_64 : memref<10000x32xf32, #tpu.memory_space<hbm>>) target(%arg10 : memref<80x32xf32, #tpu.memory_space<vmem>>) offsets(%dma_start3A_61 : memref<80xi32, #tpu.memory_space<vmem>>) semaphore(%arg13 : memref<!tpu.dma_semaphore, #tpu.memory_space<semaphore_mem>>)
        %dma_wait3A = arith.constant 0 : i32
        %dma_wait3A_65 = tpu.memref_slice %arg8[%add3A_59, %dma_wait3A] : memref<125x80xi32, #tpu.memory_space<vmem>> -> memref<1x80xi32, #tpu.memory_space<vmem>>
        %dma_wait3A_66 = tpu.memref_squeeze %dma_wait3A_65 : memref<1x80xi32, #tpu.memory_space<vmem>> -> memref<80xi32, #tpu.memory_space<vmem>>
        %dma_wait3A_67 = arith.constant 0 : i32
        %dma_wait3A_68 = arith.constant 0 : i32
        %dma_wait3A_69 = tpu.memref_slice %arg3[%dma_wait3A_67, %dma_wait3A_68] : memref<10000x32xf32, #tpu.memory_space<hbm>> -> memref<10000x32xf32, #tpu.memory_space<hbm>>
        tpu.wait_indirect_dma semaphore(%arg13 : memref<!tpu.dma_semaphore, #tpu.memory_space<semaphore_mem>>) src(%dma_wait3A_69 : memref<10000x32xf32, #tpu.memory_space<hbm>>) dst(%arg10 : memref<80x32xf32, #tpu.memory_space<vmem>>)
        "tpu.region"() ({
          %run_scoped3A = tpu.sem_alloc : memref<!tpu.dma_semaphore, #tpu.memory_space<semaphore_mem>>
          %dma_start3A_70 = arith.constant 0 : i32
          %dma_start3A_71 = tpu.memref_slice %arg9[%add3A_59, %dma_start3A_70] : memref<125x80xi32, #tpu.memory_space<vmem>> -> memref<1x80xi32, #tpu.memory_space<vmem>>
          %dma_start3A_72 = tpu.memref_squeeze %dma_start3A_71 : memref<1x80xi32, #tpu.memory_space<vmem>> -> memref<80xi32, #tpu.memory_space<vmem>>
          %dma_start3A_73 = arith.constant 0 : i32
          %dma_start3A_74 = arith.constant 0 : i32
          %dma_start3A_75 = tpu.memref_slice %arg12[%dma_start3A_73, %dma_start3A_74] : memref<10000x32xf32, #tpu.memory_space<vmem_shared>> -> memref<10000x32xf32, #tpu.memory_space<vmem_shared>>
          tpu.enqueue_indirect_dma source(%arg10 : memref<80x32xf32, #tpu.memory_space<vmem>>) target(%dma_start3A_75 : memref<10000x32xf32, #tpu.memory_space<vmem_shared>>) offsets(%dma_start3A_72 : memref<80xi32, #tpu.memory_space<vmem>>) semaphore(%run_scoped3A : memref<!tpu.dma_semaphore, #tpu.memory_space<semaphore_mem>>) {add = true}
          %dma_wait3A_76 = arith.constant 0 : i32
          %dma_wait3A_77 = tpu.memref_slice %arg9[%add3A_59, %dma_wait3A_76] : memref<125x80xi32, #tpu.memory_space<vmem>> -> memref<1x80xi32, #tpu.memory_space<vmem>>
          %dma_wait3A_78 = tpu.memref_squeeze %dma_wait3A_77 : memref<1x80xi32, #tpu.memory_space<vmem>> -> memref<80xi32, #tpu.memory_space<vmem>>
          %dma_wait3A_79 = arith.constant 0 : i32
          %dma_wait3A_80 = arith.constant 0 : i32
          %dma_wait3A_81 = tpu.memref_slice %arg12[%dma_wait3A_79, %dma_wait3A_80] : memref<10000x32xf32, #tpu.memory_space<vmem_shared>> -> memref<10000x32xf32, #tpu.memory_space<vmem_shared>>
          tpu.wait_indirect_dma semaphore(%run_scoped3A : memref<!tpu.dma_semaphore, #tpu.memory_space<semaphore_mem>>) src(%arg10 : memref<80x32xf32, #tpu.memory_space<vmem>>) dst(%dma_wait3A_81 : memref<10000x32xf32, #tpu.memory_space<vmem_shared>>)
          tpu.yield
        }) : () -> ()
      }
      %scan3A_54 = arith.constant 125 : i32
    } else {
    }
    %barrier3A_39 = arith.constant 0 : index
    tpu.barrier barrier_id(%barrier3A_39)
    %eq3A_40 = arith.constant 0 : i32
    %eq3A_41 = arith.cmpi eq, %arg0, %eq3A_40 : i32
    %convert_element_type3A_42 = arith.extui %eq3A_41 : i1 to i32
    %cond3A_43 = arith.constant 0 : i32
    %cond3A_44 = arith.cmpi ne, %convert_element_type3A_42, %cond3A_43 : i32
    scf.if %cond3A_44 {
      %lt3A_50 = arith.constant 2 : i32
      %lt3A_51 = arith.cmpi slt, %arg1, %lt3A_50 : i32
      %convert_element_type3A_52 = arith.extui %lt3A_51 : i1 to i32
      %cond3A_53 = arith.constant 0 : i32
      %cond3A_54 = arith.cmpi ne, %convert_element_type3A_52, %cond3A_53 : i32
      scf.if %cond3A_54 {
        "tpu.region"() ({
          %run_scoped3A = tpu.sem_alloc : memref<!tpu.dma_semaphore, #tpu.memory_space<semaphore_mem>>
          %dma_start3A = arith.constant 0 : i32
          %dma_start3A_59 = tpu.memref_slice %arg6[%select_n3A, %dma_start3A] : memref<10000x32xf32, #tpu.memory_space<hbm>> -> memref<632x32xf32, #tpu.memory_space<hbm>>
          %dma_start3A_60 = arith.constant 0 : i32
          %dma_start3A_61 = tpu.memref_slice %arg12[%select_n3A, %dma_start3A_60] : memref<10000x32xf32, #tpu.memory_space<vmem_shared>> -> memref<632x32xf32, #tpu.memory_space<vmem_shared>>
          tpu.enqueue_dma source(%dma_start3A_61 : memref<632x32xf32, #tpu.memory_space<vmem_shared>>) target(%dma_start3A_59 : memref<632x32xf32, #tpu.memory_space<hbm>>) target_semaphore(%run_scoped3A : memref<!tpu.dma_semaphore, #tpu.memory_space<semaphore_mem>>)
          %dma_wait3A = arith.constant 0 : i32
          %dma_wait3A_62 = tpu.memref_slice %arg6[%select_n3A, %dma_wait3A] : memref<10000x32xf32, #tpu.memory_space<hbm>> -> memref<632x32xf32, #tpu.memory_space<hbm>>
          %dma_wait3A_63 = arith.constant 0 : i32
          %dma_wait3A_64 = tpu.memref_slice %arg12[%select_n3A, %dma_wait3A_63] : memref<10000x32xf32, #tpu.memory_space<vmem_shared>> -> memref<632x32xf32, #tpu.memory_space<vmem_shared>>
          tpu.wait_dma2 semaphore(%run_scoped3A : memref<!tpu.dma_semaphore, #tpu.memory_space<semaphore_mem>>) src(%dma_wait3A_64 : memref<632x32xf32, #tpu.memory_space<vmem_shared>>) dst(%dma_wait3A_62 : memref<632x32xf32, #tpu.memory_space<hbm>>)
          tpu.yield
        }) : () -> ()
      } else {
      }
      %ge3A = arith.constant 2 : i32
      %ge3A_55 = arith.cmpi sge, %arg1, %ge3A : i32
      %convert_element_type3A_56 = arith.extui %ge3A_55 : i1 to i32
      %cond3A_57 = arith.constant 0 : i32
      %cond3A_58 = arith.cmpi ne, %convert_element_type3A_56, %cond3A_57 : i32
      scf.if %cond3A_58 {
        "tpu.region"() ({
          %run_scoped3A = tpu.sem_alloc : memref<!tpu.dma_semaphore, #tpu.memory_space<semaphore_mem>>
          %dma_start3A = arith.constant 0 : i32
          %dma_start3A_59 = tpu.memref_slice %arg6[%select_n3A, %dma_start3A] : memref<10000x32xf32, #tpu.memory_space<hbm>> -> memref<624x32xf32, #tpu.memory_space<hbm>>
          %dma_start3A_60 = arith.constant 0 : i32
          %dma_start3A_61 = tpu.memref_slice %arg12[%select_n3A, %dma_start3A_60] : memref<10000x32xf32, #tpu.memory_space<vmem_shared>> -> memref<624x32xf32, #tpu.memory_space<vmem_shared>>
          tpu.enqueue_dma source(%dma_start3A_61 : memref<624x32xf32, #tpu.memory_space<vmem_shared>>) target(%dma_start3A_59 : memref<624x32xf32, #tpu.memory_space<hbm>>) target_semaphore(%run_scoped3A : memref<!tpu.dma_semaphore, #tpu.memory_space<semaphore_mem>>)
          %dma_wait3A = arith.constant 0 : i32
          %dma_wait3A_62 = tpu.memref_slice %arg6[%select_n3A, %dma_wait3A] : memref<10000x32xf32, #tpu.memory_space<hbm>> -> memref<624x32xf32, #tpu.memory_space<hbm>>
          %dma_wait3A_63 = arith.constant 0 : i32
          %dma_wait3A_64 = tpu.memref_slice %arg12[%select_n3A, %dma_wait3A_63] : memref<10000x32xf32, #tpu.memory_space<vmem_shared>> -> memref<624x32xf32, #tpu.memory_space<vmem_shared>>
          tpu.wait_dma2 semaphore(%run_scoped3A : memref<!tpu.dma_semaphore, #tpu.memory_space<semaphore_mem>>) src(%dma_wait3A_64 : memref<624x32xf32, #tpu.memory_space<vmem_shared>>) dst(%dma_wait3A_62 : memref<624x32xf32, #tpu.memory_space<hbm>>)
          tpu.yield
        }) : () -> ()
      } else {
      }
    } else {
    }
    %eq3A_45 = arith.constant 1 : i32
    %eq3A_46 = arith.cmpi eq, %arg0, %eq3A_45 : i32
    %convert_element_type3A_47 = arith.extui %eq3A_46 : i1 to i32
    %cond3A_48 = arith.constant 0 : i32
    %cond3A_49 = arith.cmpi ne, %convert_element_type3A_47, %cond3A_48 : i32
    scf.if %cond3A_49 {
      %lt3A_50 = arith.constant 2 : i32
      %lt3A_51 = arith.cmpi slt, %arg1, %lt3A_50 : i32
      %convert_element_type3A_52 = arith.extui %lt3A_51 : i1 to i32
      %cond3A_53 = arith.constant 0 : i32
      %cond3A_54 = arith.cmpi ne, %convert_element_type3A_52, %cond3A_53 : i32
      scf.if %cond3A_54 {
        "tpu.region"() ({
          %run_scoped3A = tpu.sem_alloc : memref<!tpu.dma_semaphore, #tpu.memory_space<semaphore_mem>>
          %dma_start3A = arith.constant 0 : i32
          %dma_start3A_59 = tpu.memref_slice %arg7[%select_n3A, %dma_start3A] : memref<10000x32xf32, #tpu.memory_space<hbm>> -> memref<632x32xf32, #tpu.memory_space<hbm>>
          %dma_start3A_60 = arith.constant 0 : i32
          %dma_start3A_61 = tpu.memref_slice %arg12[%select_n3A, %dma_start3A_60] : memref<10000x32xf32, #tpu.memory_space<vmem_shared>> -> memref<632x32xf32, #tpu.memory_space<vmem_shared>>
          tpu.enqueue_dma source(%dma_start3A_61 : memref<632x32xf32, #tpu.memory_space<vmem_shared>>) target(%dma_start3A_59 : memref<632x32xf32, #tpu.memory_space<hbm>>) target_semaphore(%run_scoped3A : memref<!tpu.dma_semaphore, #tpu.memory_space<semaphore_mem>>)
          %dma_wait3A = arith.constant 0 : i32
          %dma_wait3A_62 = tpu.memref_slice %arg7[%select_n3A, %dma_wait3A] : memref<10000x32xf32, #tpu.memory_space<hbm>> -> memref<632x32xf32, #tpu.memory_space<hbm>>
          %dma_wait3A_63 = arith.constant 0 : i32
          %dma_wait3A_64 = tpu.memref_slice %arg12[%select_n3A, %dma_wait3A_63] : memref<10000x32xf32, #tpu.memory_space<vmem_shared>> -> memref<632x32xf32, #tpu.memory_space<vmem_shared>>
          tpu.wait_dma2 semaphore(%run_scoped3A : memref<!tpu.dma_semaphore, #tpu.memory_space<semaphore_mem>>) src(%dma_wait3A_64 : memref<632x32xf32, #tpu.memory_space<vmem_shared>>) dst(%dma_wait3A_62 : memref<632x32xf32, #tpu.memory_space<hbm>>)
          tpu.yield
        }) : () -> ()
      } else {
      }
      %ge3A = arith.constant 2 : i32
      %ge3A_55 = arith.cmpi sge, %arg1, %ge3A : i32
      %convert_element_type3A_56 = arith.extui %ge3A_55 : i1 to i32
      %cond3A_57 = arith.constant 0 : i32
      %cond3A_58 = arith.cmpi ne, %convert_element_type3A_56, %cond3A_57 : i32
      scf.if %cond3A_58 {
        "tpu.region"() ({
          %run_scoped3A = tpu.sem_alloc : memref<!tpu.dma_semaphore, #tpu.memory_space<semaphore_mem>>
          %dma_start3A = arith.constant 0 : i32
          %dma_start3A_59 = tpu.memref_slice %arg7[%select_n3A, %dma_start3A] : memref<10000x32xf32, #tpu.memory_space<hbm>> -> memref<624x32xf32, #tpu.memory_space<hbm>>
          %dma_start3A_60 = arith.constant 0 : i32
          %dma_start3A_61 = tpu.memref_slice %arg12[%select_n3A, %dma_start3A_60] : memref<10000x32xf32, #tpu.memory_space<vmem_shared>> -> memref<624x32xf32, #tpu.memory_space<vmem_shared>>
          tpu.enqueue_dma source(%dma_start3A_61 : memref<624x32xf32, #tpu.memory_space<vmem_shared>>) target(%dma_start3A_59 : memref<624x32xf32, #tpu.memory_space<hbm>>) target_semaphore(%run_scoped3A : memref<!tpu.dma_semaphore, #tpu.memory_space<semaphore_mem>>)
          %dma_wait3A = arith.constant 0 : i32
          %dma_wait3A_62 = tpu.memref_slice %arg7[%select_n3A, %dma_wait3A] : memref<10000x32xf32, #tpu.memory_space<hbm>> -> memref<624x32xf32, #tpu.memory_space<hbm>>
          %dma_wait3A_63 = arith.constant 0 : i32
          %dma_wait3A_64 = tpu.memref_slice %arg12[%select_n3A, %dma_wait3A_63] : memref<10000x32xf32, #tpu.memory_space<vmem_shared>> -> memref<624x32xf32, #tpu.memory_space<vmem_shared>>
          tpu.wait_dma2 semaphore(%run_scoped3A : memref<!tpu.dma_semaphore, #tpu.memory_space<semaphore_mem>>) src(%dma_wait3A_64 : memref<624x32xf32, #tpu.memory_space<vmem_shared>>) dst(%dma_wait3A_62 : memref<624x32xf32, #tpu.memory_space<hbm>>)
          tpu.yield
        }) : () -> ()
      } else {
      }
    } else {
    }
    return
  }
}

module attributes {stable_mosaic.version = 14 : i64} {
  func.func @_tc1_body(%arg0: i32, %arg1: memref<1000x256xf32, #tpu.memory_space<vmem>>, %arg2: memref<256x128xf32, #tpu.memory_space<vmem>>, %arg3: memref<256x128xf32, #tpu.memory_space<vmem>>, %arg4: memref<1000x128xf32, #tpu.memory_space<vmem>>, %arg5: memref<1000x128xf32, #tpu.memory_space<vmem>>) attributes {dimension_semantics = [#tpu.dimension_semantics<arbitrary>], iteration_bounds = array<i64: 10>, scalar_prefetch = 0 : i64, scratch_operands = 0 : i64, tpu.core_type = #tpu.core_type<tc>, window_params = [{transform_indices = @transform_0, window_bounds = array<i64: 1000, 256>}, {pipeline_mode = #tpu.pipeline_mode<synchronous>, transform_indices = @transform_1, window_bounds = array<i64: 256, 128>}, {pipeline_mode = #tpu.pipeline_mode<synchronous>, transform_indices = @transform_2, window_bounds = array<i64: 256, 128>}, {transform_indices = @transform_3, window_bounds = array<i64: 1000, 128>}, {transform_indices = @transform_4, window_bounds = array<i64: 1000, 128>}]} {
    %get3A = arith.constant 0 : index
    %get3A_0 = arith.constant 0 : index
    %get3A_1 = vector.load %arg1[%get3A, %get3A_0] : memref<1000x256xf32, #tpu.memory_space<vmem>>, vector<1000x256xf32>
    %get3A_2 = arith.constant 0 : index
    %get3A_3 = arith.constant 0 : index
    %get3A_4 = vector.load %arg2[%get3A_2, %get3A_3] : memref<256x128xf32, #tpu.memory_space<vmem>>, vector<256x128xf32>
    %dot_general3A = arith.constant dense<0.000000e+00> : vector<1000x128xf32>
    %dot_general3A_5 = tpu.matmul %get3A_1, %get3A_4, %dot_general3A {dimension_numbers = #tpu.dot_dimension_numbers<[1], [0], [0], [1], [0, 0, 1, 1], [], []>, precision = #tpu.contract_precision<fp32>, transpose_lhs_hint = false} : vector<1000x256xf32>, vector<256x128xf32>, vector<1000x128xf32> -> vector<1000x128xf32>
    %swap3A = arith.constant 0 : index
    %swap3A_6 = arith.constant 0 : index
    %swap3A_7 = vector.load %arg4[%swap3A, %swap3A_6] : memref<1000x128xf32, #tpu.memory_space<vmem>>, vector<1000x128xf32>
    tpu.vector_store %arg4[%swap3A, %swap3A_6], %dot_general3A_5 {strides = array<i32>} : memref<1000x128xf32, #tpu.memory_space<vmem>>, vector<1000x128xf32>,
    %get3A_8 = arith.constant 0 : index
    %get3A_9 = arith.constant 0 : index
    %get3A_10 = vector.load %arg3[%get3A_8, %get3A_9] : memref<256x128xf32, #tpu.memory_space<vmem>>, vector<256x128xf32>
    %dot_general3A_11 = arith.constant dense<0.000000e+00> : vector<1000x128xf32>
    %dot_general3A_12 = tpu.matmul %get3A_1, %get3A_10, %dot_general3A_11 {dimension_numbers = #tpu.dot_dimension_numbers<[1], [0], [0], [1], [0, 0, 1, 1], [], []>, precision = #tpu.contract_precision<fp32>, transpose_lhs_hint = false} : vector<1000x256xf32>, vector<256x128xf32>, vector<1000x128xf32> -> vector<1000x128xf32>
    %swap3A_13 = arith.constant 0 : index
    %swap3A_14 = arith.constant 0 : index
    %swap3A_15 = vector.load %arg5[%swap3A_13, %swap3A_14] : memref<1000x128xf32, #tpu.memory_space<vmem>>, vector<1000x128xf32>
    tpu.vector_store %arg5[%swap3A_13, %swap3A_14], %dot_general3A_12 {strides = array<i32>} : memref<1000x128xf32, #tpu.memory_space<vmem>>, vector<1000x128xf32>,
    return
  }
  func.func @transform_0(%arg0: i32) -> (i32, i32) {
    %c0_i32 = arith.constant 0 : i32
    %c0_i32_0 = arith.constant 0 : i32
    return %arg0, %c0_i32 : i32, i32
  }
  func.func @transform_1(%arg0: i32) -> (i32, i32) {
    %c0_i32 = arith.constant 0 : i32
    %c0_i32_0 = arith.constant 0 : i32
    %c0_i32_1 = arith.constant 0 : i32
    return %c0_i32, %c0_i32_0 : i32, i32
  }
  func.func @transform_2(%arg0: i32) -> (i32, i32) {
    %c0_i32 = arith.constant 0 : i32
    %c0_i32_0 = arith.constant 0 : i32
    %c0_i32_1 = arith.constant 0 : i32
    return %c0_i32, %c0_i32_0 : i32, i32
  }
  func.func @transform_3(%arg0: i32) -> (i32, i32) {
    %c0_i32 = arith.constant 0 : i32
    %c0_i32_0 = arith.constant 0 : i32
    return %arg0, %c0_i32 : i32, i32
  }
  func.func @transform_4(%arg0: i32) -> (i32, i32) {
    %c0_i32 = arith.constant 0 : i32
    %c0_i32_0 = arith.constant 0 : i32
    return %arg0, %c0_i32 : i32, i32
  }
}

module attributes {stable_mosaic.version = 14 : i64} {
  func.func @_tc2_body(%arg0: i32, %arg1: memref<1000x128xf32, #tpu.memory_space<vmem>>, %arg2: memref<1000x128xf32, #tpu.memory_space<vmem>>, %arg3: memref<1000x128xf32, #tpu.memory_space<vmem>>, %arg4: memref<1000x128xf32, #tpu.memory_space<vmem>>, %arg5: memref<1000x1xf32, #tpu.memory_space<vmem>>, %arg6: memref<1x256xf32, #tpu.memory_space<vmem>>, %arg7: memref<256x96xf32, #tpu.memory_space<vmem>>, %arg8: memref<1000x32xf32, #tpu.memory_space<vmem>>, %arg9: memref<1000x32xf32, #tpu.memory_space<vmem>>, %arg10: memref<1000x32xf32, #tpu.memory_space<vmem>>, %arg11: memref<1000x32xf32, #tpu.memory_space<vmem>>, %arg12: memref<1000x1xf32, #tpu.memory_space<vmem>>) attributes {dimension_semantics = [#tpu.dimension_semantics<arbitrary>], iteration_bounds = array<i64: 10>, scalar_prefetch = 0 : i64, scratch_operands = 0 : i64, tpu.core_type = #tpu.core_type<tc>, window_params = [{transform_indices = @transform_0, window_bounds = array<i64: 1000, 128>}, {transform_indices = @transform_1, window_bounds = array<i64: 1000, 128>}, {transform_indices = @transform_2, window_bounds = array<i64: 1000, 128>}, {transform_indices = @transform_3, window_bounds = array<i64: 1000, 128>}, {transform_indices = @transform_4, window_bounds = array<i64: 1000, 1>}, {pipeline_mode = #tpu.pipeline_mode<synchronous>, transform_indices = @transform_5, window_bounds = array<i64: 1, 256>}, {pipeline_mode = #tpu.pipeline_mode<synchronous>, transform_indices = @transform_6, window_bounds = array<i64: 256, 96>}, {transform_indices = @transform_7, window_bounds = array<i64: 1000, 32>}, {transform_indices = @transform_8, window_bounds = array<i64: 1000, 32>}, {transform_indices = @transform_9, window_bounds = array<i64: 1000, 32>}, {transform_indices = @transform_10, window_bounds = array<i64: 1000, 32>}, {transform_indices = @transform_11, window_bounds = array<i64: 1000, 1>}]} {
    %get3A = arith.constant 0 : index
    %get3A_0 = arith.constant 0 : index
    %get3A_1 = vector.load %arg1[%get3A, %get3A_0] : memref<1000x128xf32, #tpu.memory_space<vmem>>, vector<1000x128xf32>
    %get3A_2 = arith.constant 0 : index
    %get3A_3 = arith.constant 0 : index
    %get3A_4 = vector.load %arg3[%get3A_2, %get3A_3] : memref<1000x128xf32, #tpu.memory_space<vmem>>, vector<1000x128xf32>
    %add3A = arith.addf %get3A_1, %get3A_4 : vector<1000x128xf32>
    %get3A_5 = arith.constant 0 : index
    %get3A_6 = arith.constant 0 : index
    %get3A_7 = vector.load %arg2[%get3A_5, %get3A_6] : memref<1000x128xf32, #tpu.memory_space<vmem>>, vector<1000x128xf32>
    %get3A_8 = arith.constant 0 : index
    %get3A_9 = arith.constant 0 : index
    %get3A_10 = vector.load %arg4[%get3A_8, %get3A_9] : memref<1000x128xf32, #tpu.memory_space<vmem>>, vector<1000x128xf32>
    %add3A_11 = arith.addf %get3A_7, %get3A_10 : vector<1000x128xf32>
    %concatenate3A = tpu.concatenate %add3A, %add3A_11 in 1 : vector<1000x128xf32>, vector<1000x128xf32> -> vector<1000x256xf32>
    %get3A_12 = arith.constant 0 : index
    %get3A_13 = arith.constant 0 : index
    %get3A_14 = vector.load %arg5[%get3A_12, %get3A_13] : memref<1000x1xf32, #tpu.memory_space<vmem>>, vector<1000x1xf32>
    %add3A_15 = arith.constant 1.000000e+00 : f32
    %add3A_16 = vector.broadcast %add3A_15 : f32 to vector<1000x1xf32>
    %add3A_17 = arith.addf %get3A_14, %add3A_16 : vector<1000x1xf32>
    %div3A = vector.broadcast %add3A_17 : vector<1000x1xf32> to vector<1000x256xf32>
    %div3A_18 = arith.divf %concatenate3A, %div3A : vector<1000x256xf32>
    %get3A_19 = arith.constant 0 : index
    %get3A_20 = arith.constant 0 : index
    %get3A_21 = vector.load %arg6[%get3A_19, %get3A_20] : memref<1x256xf32, #tpu.memory_space<vmem>>, vector<1x256xf32>
    %add3A_22 = vector.broadcast %get3A_21 : vector<1x256xf32> to vector<1000x256xf32>
    %add3A_23 = arith.addf %div3A_18, %add3A_22 : vector<1000x256xf32>
    %gt3A = arith.constant 0.000000e+00 : f32
    %gt3A_24 = vector.broadcast %gt3A : f32 to vector<1000x256xf32>
    %gt3A_25 = arith.cmpf ogt, %add3A_23, %gt3A_24 : vector<1000x256xf32>
    %mul3A = arith.constant 0.00999999977 : f32
    %mul3A_26 = vector.broadcast %mul3A : f32 to vector<1000x256xf32>
    %mul3A_27 = arith.mulf %mul3A_26, %add3A_23 : vector<1000x256xf32>
    %select_n3A = arith.select %gt3A_25, %add3A_23, %mul3A_27 : vector<1000x256xi1>, vector<1000x256xf32>
    %get3A_28 = arith.constant 0 : index
    %get3A_29 = arith.constant 0 : index
    %get3A_30 = vector.load %arg7[%get3A_28, %get3A_29] : memref<256x96xf32, #tpu.memory_space<vmem>>, vector<256x96xf32>
    %dot_general3A = arith.constant dense<0.000000e+00> : vector<1000x96xf32>
    %dot_general3A_31 = tpu.matmul %select_n3A, %get3A_30, %dot_general3A {dimension_numbers = #tpu.dot_dimension_numbers<[1], [0], [0], [1], [0, 0, 1, 1], [], []>, precision = #tpu.contract_precision<fp32>, transpose_lhs_hint = false} : vector<1000x256xf32>, vector<256x96xf32>, vector<1000x96xf32> -> vector<1000x96xf32>
    %max3A = arith.constant 1.000000e+00 : f32
    %max3A_32 = vector.broadcast %max3A : f32 to vector<1000x1xf32>
    %max3A_33 = arith.maximumf %get3A_14, %max3A_32 : vector<1000x1xf32>
    %rsqrt3A = math.rsqrt %max3A_33 : vector<1000x1xf32>
    %slice3A = vector.extract_strided_slice %dot_general3A_31 {offsets = [0, 0], sizes = [1000, 32], strides = [1, 1]} : vector<1000x96xf32> to vector<1000x32xf32>
    %swap3A = arith.constant 0 : index
    %swap3A_34 = arith.constant 0 : index
    %swap3A_35 = vector.load %arg8[%swap3A, %swap3A_34] : memref<1000x32xf32, #tpu.memory_space<vmem>>, vector<1000x32xf32>
    tpu.vector_store %arg8[%swap3A, %swap3A_34], %slice3A {strides = array<i32>} : memref<1000x32xf32, #tpu.memory_space<vmem>>, vector<1000x32xf32>,
    %slice3A_36 = vector.extract_strided_slice %dot_general3A_31 {offsets = [0, 64], sizes = [1000, 32], strides = [1, 1]} : vector<1000x96xf32> to vector<1000x32xf32>
    %swap3A_37 = arith.constant 0 : index
    %swap3A_38 = arith.constant 0 : index
    %swap3A_39 = vector.load %arg9[%swap3A_37, %swap3A_38] : memref<1000x32xf32, #tpu.memory_space<vmem>>, vector<1000x32xf32>
    tpu.vector_store %arg9[%swap3A_37, %swap3A_38], %slice3A_36 {strides = array<i32>} : memref<1000x32xf32, #tpu.memory_space<vmem>>, vector<1000x32xf32>,
    %slice3A_40 = vector.extract_strided_slice %dot_general3A_31 {offsets = [0, 32], sizes = [1000, 32], strides = [1, 1]} : vector<1000x96xf32> to vector<1000x32xf32>
    %mul3A_41 = vector.broadcast %rsqrt3A : vector<1000x1xf32> to vector<1000x32xf32>
    %mul3A_42 = arith.mulf %slice3A_40, %mul3A_41 : vector<1000x32xf32>
    %swap3A_43 = arith.constant 0 : index
    %swap3A_44 = arith.constant 0 : index
    %swap3A_45 = vector.load %arg10[%swap3A_43, %swap3A_44] : memref<1000x32xf32, #tpu.memory_space<vmem>>, vector<1000x32xf32>
    tpu.vector_store %arg10[%swap3A_43, %swap3A_44], %mul3A_42 {strides = array<i32>} : memref<1000x32xf32, #tpu.memory_space<vmem>>, vector<1000x32xf32>,
    %slice3A_46 = vector.extract_strided_slice %dot_general3A_31 {offsets = [0, 64], sizes = [1000, 32], strides = [1, 1]} : vector<1000x96xf32> to vector<1000x32xf32>
    %mul3A_47 = vector.broadcast %rsqrt3A : vector<1000x1xf32> to vector<1000x32xf32>
    %mul3A_48 = arith.mulf %slice3A_46, %mul3A_47 : vector<1000x32xf32>
    %swap3A_49 = arith.constant 0 : index
    %swap3A_50 = arith.constant 0 : index
    %swap3A_51 = vector.load %arg11[%swap3A_49, %swap3A_50] : memref<1000x32xf32, #tpu.memory_space<vmem>>, vector<1000x32xf32>
    tpu.vector_store %arg11[%swap3A_49, %swap3A_50], %mul3A_48 {strides = array<i32>} : memref<1000x32xf32, #tpu.memory_space<vmem>>, vector<1000x32xf32>,
    %swap3A_52 = arith.constant 0 : index
    %swap3A_53 = arith.constant 0 : index
    %swap3A_54 = vector.load %arg12[%swap3A_52, %swap3A_53] : memref<1000x1xf32, #tpu.memory_space<vmem>>, vector<1000x1xf32>
    tpu.vector_store %arg12[%swap3A_52, %swap3A_53], %rsqrt3A {strides = array<i32>} : memref<1000x1xf32, #tpu.memory_space<vmem>>, vector<1000x1xf32>,
    return
  }
  func.func @transform_0(%arg0: i32) -> (i32, i32) {
    %c0_i32 = arith.constant 0 : i32
    %c0_i32_0 = arith.constant 0 : i32
    return %arg0, %c0_i32 : i32, i32
  }
  func.func @transform_1(%arg0: i32) -> (i32, i32) {
    %c0_i32 = arith.constant 0 : i32
    %c0_i32_0 = arith.constant 0 : i32
    return %arg0, %c0_i32 : i32, i32
  }
  func.func @transform_2(%arg0: i32) -> (i32, i32) {
    %c0_i32 = arith.constant 0 : i32
    %c0_i32_0 = arith.constant 0 : i32
    return %arg0, %c0_i32 : i32, i32
  }
  func.func @transform_3(%arg0: i32) -> (i32, i32) {
    %c0_i32 = arith.constant 0 : i32
    %c0_i32_0 = arith.constant 0 : i32
    return %arg0, %c0_i32 : i32, i32
  }
  func.func @transform_4(%arg0: i32) -> (i32, i32) {
    %c0_i32 = arith.constant 0 : i32
    %c0_i32_0 = arith.constant 0 : i32
    return %arg0, %c0_i32 : i32, i32
  }
  func.func @transform_5(%arg0: i32) -> (i32, i32) {
    %c0_i32 = arith.constant 0 : i32
    %c0_i32_0 = arith.constant 0 : i32
    %c0_i32_1 = arith.constant 0 : i32
    return %c0_i32, %c0_i32_0 : i32, i32
  }
  func.func @transform_6(%arg0: i32) -> (i32, i32) {
    %c0_i32 = arith.constant 0 : i32
    %c0_i32_0 = arith.constant 0 : i32
    %c0_i32_1 = arith.constant 0 : i32
    return %c0_i32, %c0_i32_0 : i32, i32
  }
  func.func @transform_7(%arg0: i32) -> (i32, i32) {
    %c0_i32 = arith.constant 0 : i32
    %c0_i32_0 = arith.constant 0 : i32
    return %arg0, %c0_i32 : i32, i32
  }
  func.func @transform_8(%arg0: i32) -> (i32, i32) {
    %c0_i32 = arith.constant 0 : i32
    %c0_i32_0 = arith.constant 0 : i32
    return %arg0, %c0_i32 : i32, i32
  }
  func.func @transform_9(%arg0: i32) -> (i32, i32) {
    %c0_i32 = arith.constant 0 : i32
    %c0_i32_0 = arith.constant 0 : i32
    return %arg0, %c0_i32 : i32, i32
  }
  func.func @transform_10(%arg0: i32) -> (i32, i32) {
    %c0_i32 = arith.constant 0 : i32
    %c0_i32_0 = arith.constant 0 : i32
    return %arg0, %c0_i32 : i32, i32
  }
  func.func @transform_11(%arg0: i32) -> (i32, i32) {
    %c0_i32 = arith.constant 0 : i32
    %c0_i32_0 = arith.constant 0 : i32
    return %arg0, %c0_i32 : i32, i32
  }
}

module attributes {stable_mosaic.version = 14 : i64} {
  func.func @_tc3_body(%arg0: i32, %arg1: memref<1000x32xf32, #tpu.memory_space<vmem>>, %arg2: memref<1000x1xf32, #tpu.memory_space<vmem>>, %arg3: memref<1000x16xf32, #tpu.memory_space<vmem>>, %arg4: memref<1000x16xf32, #tpu.memory_space<vmem>>) attributes {dimension_semantics = [#tpu.dimension_semantics<arbitrary>], iteration_bounds = array<i64: 10>, scalar_prefetch = 0 : i64, scratch_operands = 0 : i64, tpu.core_type = #tpu.core_type<tc>, window_params = [{transform_indices = @transform_0, window_bounds = array<i64: 1000, 32>}, {transform_indices = @transform_1, window_bounds = array<i64: 1000, 1>}, {transform_indices = @transform_2, window_bounds = array<i64: 1000, 16>}, {transform_indices = @transform_3, window_bounds = array<i64: 1000, 16>}]} {
    %get3A = arith.constant 0 : index
    %get3A_0 = arith.constant 0 : index
    %get3A_1 = vector.load %arg2[%get3A, %get3A_0] : memref<1000x1xf32, #tpu.memory_space<vmem>>, vector<1000x1xf32>
    %get3A_2 = arith.constant 0 : index
    %get3A_3 = arith.constant 0 : index
    %get3A_4 = vector.load %arg1[%get3A_2, %get3A_3] : memref<1000x32xf32, #tpu.memory_space<vmem>>, vector<1000x32xf32>
    %neg3A = arith.constant 0.000000e+00 : f32
    %neg3A_5 = vector.broadcast %neg3A : f32 to vector<1000x32xf32>
    %neg3A_6 = arith.subf %neg3A_5, %get3A_4 : vector<1000x32xf32>
    %mul3A = arith.mulf %get3A_1, %get3A_1 : vector<1000x1xf32>
    %mul3A_7 = vector.broadcast %mul3A : vector<1000x1xf32> to vector<1000x32xf32>
    %mul3A_8 = arith.mulf %neg3A_6, %mul3A_7 : vector<1000x32xf32>
    %slice3A = vector.extract_strided_slice %mul3A_8 {offsets = [0, 0], sizes = [1000, 16], strides = [1, 1]} : vector<1000x32xf32> to vector<1000x16xf32>
    %swap3A = arith.constant 0 : index
    %swap3A_9 = arith.constant 0 : index
    %swap3A_10 = vector.load %arg3[%swap3A, %swap3A_9] : memref<1000x16xf32, #tpu.memory_space<vmem>>, vector<1000x16xf32>
    tpu.vector_store %arg3[%swap3A, %swap3A_9], %slice3A {strides = array<i32>} : memref<1000x16xf32, #tpu.memory_space<vmem>>, vector<1000x16xf32>,
    %slice3A_11 = vector.extract_strided_slice %mul3A_8 {offsets = [0, 16], sizes = [1000, 16], strides = [1, 1]} : vector<1000x32xf32> to vector<1000x16xf32>
    %swap3A_12 = arith.constant 0 : index
    %swap3A_13 = arith.constant 0 : index
    %swap3A_14 = vector.load %arg4[%swap3A_12, %swap3A_13] : memref<1000x16xf32, #tpu.memory_space<vmem>>, vector<1000x16xf32>
    tpu.vector_store %arg4[%swap3A_12, %swap3A_13], %slice3A_11 {strides = array<i32>} : memref<1000x16xf32, #tpu.memory_space<vmem>>, vector<1000x16xf32>,
    return
  }
  func.func @transform_0(%arg0: i32) -> (i32, i32) {
    %c0_i32 = arith.constant 0 : i32
    %c0_i32_0 = arith.constant 0 : i32
    return %arg0, %c0_i32 : i32, i32
  }
  func.func @transform_1(%arg0: i32) -> (i32, i32) {
    %c0_i32 = arith.constant 0 : i32
    %c0_i32_0 = arith.constant 0 : i32
    return %arg0, %c0_i32 : i32, i32
  }
  func.func @transform_2(%arg0: i32) -> (i32, i32) {
    %c0_i32 = arith.constant 0 : i32
    %c0_i32_0 = arith.constant 0 : i32
    return %arg0, %c0_i32 : i32, i32
  }
  func.func @transform_3(%arg0: i32) -> (i32, i32) {
    %c0_i32 = arith.constant 0 : i32
    %c0_i32_0 = arith.constant 0 : i32
    return %arg0, %c0_i32 : i32, i32
  }
}

module attributes {stable_mosaic.version = 14 : i64} {
  func.func @_tc4_body(%arg0: i32, %arg1: memref<1000x32xf32, #tpu.memory_space<vmem>>, %arg2: memref<1000x32xf32, #tpu.memory_space<vmem>>, %arg3: memref<1000x32xf32, #tpu.memory_space<vmem>>, %arg4: memref<1000x16xf32, #tpu.memory_space<vmem>>, %arg5: memref<1000x16xf32, #tpu.memory_space<vmem>>, %arg6: memref<1000x1xf32, #tpu.memory_space<vmem>>, %arg7: memref<1x32xf32, #tpu.memory_space<vmem>>, %arg8: memref<32x40xf32, #tpu.memory_space<vmem>>, %arg9: memref<1x40xf32, #tpu.memory_space<vmem>>, %arg10: memref<1000x40xf32, #tpu.memory_space<vmem>>) attributes {dimension_semantics = [#tpu.dimension_semantics<arbitrary>], iteration_bounds = array<i64: 10>, scalar_prefetch = 0 : i64, scratch_operands = 0 : i64, tpu.core_type = #tpu.core_type<tc>, window_params = [{transform_indices = @transform_0, window_bounds = array<i64: 1000, 32>}, {transform_indices = @transform_1, window_bounds = array<i64: 1000, 32>}, {transform_indices = @transform_2, window_bounds = array<i64: 1000, 32>}, {transform_indices = @transform_3, window_bounds = array<i64: 1000, 16>}, {transform_indices = @transform_4, window_bounds = array<i64: 1000, 16>}, {transform_indices = @transform_5, window_bounds = array<i64: 1000, 1>}, {pipeline_mode = #tpu.pipeline_mode<synchronous>, transform_indices = @transform_6, window_bounds = array<i64: 1, 32>}, {pipeline_mode = #tpu.pipeline_mode<synchronous>, transform_indices = @transform_7, window_bounds = array<i64: 32, 40>}, {pipeline_mode = #tpu.pipeline_mode<synchronous>, transform_indices = @transform_8, window_bounds = array<i64: 1, 40>}, {transform_indices = @transform_9, window_bounds = array<i64: 1000, 40>}]} {
    %get3A = arith.constant 0 : index
    %get3A_0 = arith.constant 0 : index
    %get3A_1 = vector.load %arg6[%get3A, %get3A_0] : memref<1000x1xf32, #tpu.memory_space<vmem>>, vector<1000x1xf32>
    %get3A_2 = arith.constant 0 : index
    %get3A_3 = arith.constant 0 : index
    %get3A_4 = vector.load %arg4[%get3A_2, %get3A_3] : memref<1000x16xf32, #tpu.memory_space<vmem>>, vector<1000x16xf32>
    %get3A_5 = arith.constant 0 : index
    %get3A_6 = arith.constant 0 : index
    %get3A_7 = vector.load %arg5[%get3A_5, %get3A_6] : memref<1000x16xf32, #tpu.memory_space<vmem>>, vector<1000x16xf32>
    %concatenate3A = tpu.concatenate %get3A_4, %get3A_7 in 1 : vector<1000x16xf32>, vector<1000x16xf32> -> vector<1000x32xf32>
    %get3A_8 = arith.constant 0 : index
    %get3A_9 = arith.constant 0 : index
    %get3A_10 = vector.load %arg1[%get3A_8, %get3A_9] : memref<1000x32xf32, #tpu.memory_space<vmem>>, vector<1000x32xf32>
    %get3A_11 = arith.constant 0 : index
    %get3A_12 = arith.constant 0 : index
    %get3A_13 = vector.load %arg3[%get3A_11, %get3A_12] : memref<1000x32xf32, #tpu.memory_space<vmem>>, vector<1000x32xf32>
    %mul3A = arith.constant 2.000000e+00 : f32
    %mul3A_14 = vector.broadcast %mul3A : f32 to vector<1000x32xf32>
    %mul3A_15 = arith.mulf %mul3A_14, %concatenate3A : vector<1000x32xf32>
    %add3A = arith.addf %get3A_13, %mul3A_15 : vector<1000x32xf32>
    %mul3A_16 = vector.broadcast %get3A_1 : vector<1000x1xf32> to vector<1000x32xf32>
    %mul3A_17 = arith.mulf %add3A, %mul3A_16 : vector<1000x32xf32>
    %sub3A = arith.subf %get3A_10, %mul3A_17 : vector<1000x32xf32>
    %get3A_18 = arith.constant 0 : index
    %get3A_19 = arith.constant 0 : index
    %get3A_20 = vector.load %arg2[%get3A_18, %get3A_19] : memref<1000x32xf32, #tpu.memory_space<vmem>>, vector<1000x32xf32>
    %sub3A_21 = arith.subf %sub3A, %get3A_20 : vector<1000x32xf32>
    %get3A_22 = arith.constant 0 : index
    %get3A_23 = arith.constant 0 : index
    %get3A_24 = vector.load %arg7[%get3A_22, %get3A_23] : memref<1x32xf32, #tpu.memory_space<vmem>>, vector<1x32xf32>
    %add3A_25 = vector.broadcast %get3A_24 : vector<1x32xf32> to vector<1000x32xf32>
    %add3A_26 = arith.addf %sub3A_21, %add3A_25 : vector<1000x32xf32>
    %gt3A = arith.constant 0.000000e+00 : f32
    %gt3A_27 = vector.broadcast %gt3A : f32 to vector<1000x32xf32>
    %gt3A_28 = arith.cmpf ogt, %add3A_26, %gt3A_27 : vector<1000x32xf32>
    %mul3A_29 = arith.constant 0.00999999977 : f32
    %mul3A_30 = vector.broadcast %mul3A_29 : f32 to vector<1000x32xf32>
    %mul3A_31 = arith.mulf %mul3A_30, %add3A_26 : vector<1000x32xf32>
    %select_n3A = arith.select %gt3A_28, %add3A_26, %mul3A_31 : vector<1000x32xi1>, vector<1000x32xf32>
    %get3A_32 = arith.constant 0 : index
    %get3A_33 = arith.constant 0 : index
    %get3A_34 = vector.load %arg8[%get3A_32, %get3A_33] : memref<32x40xf32, #tpu.memory_space<vmem>>, vector<32x40xf32>
    %dot_general3A = arith.constant dense<0.000000e+00> : vector<1000x40xf32>
    %dot_general3A_35 = tpu.matmul %select_n3A, %get3A_34, %dot_general3A {dimension_numbers = #tpu.dot_dimension_numbers<[1], [0], [0], [1], [0, 0, 1, 1], [], []>, precision = #tpu.contract_precision<fp32>, transpose_lhs_hint = false} : vector<1000x32xf32>, vector<32x40xf32>, vector<1000x40xf32> -> vector<1000x40xf32>
    %get3A_36 = arith.constant 0 : index
    %get3A_37 = arith.constant 0 : index
    %get3A_38 = vector.load %arg9[%get3A_36, %get3A_37] : memref<1x40xf32, #tpu.memory_space<vmem>>, vector<1x40xf32>
    %add3A_39 = vector.broadcast %get3A_38 : vector<1x40xf32> to vector<1000x40xf32>
    %add3A_40 = arith.addf %dot_general3A_35, %add3A_39 : vector<1000x40xf32>
    %swap3A = arith.constant 0 : index
    %swap3A_41 = arith.constant 0 : index
    %swap3A_42 = vector.load %arg10[%swap3A, %swap3A_41] : memref<1000x40xf32, #tpu.memory_space<vmem>>, vector<1000x40xf32>
    tpu.vector_store %arg10[%swap3A, %swap3A_41], %add3A_40 {strides = array<i32>} : memref<1000x40xf32, #tpu.memory_space<vmem>>, vector<1000x40xf32>,
    return
  }
  func.func @transform_0(%arg0: i32) -> (i32, i32) {
    %c0_i32 = arith.constant 0 : i32
    %c0_i32_0 = arith.constant 0 : i32
    return %arg0, %c0_i32 : i32, i32
  }
  func.func @transform_1(%arg0: i32) -> (i32, i32) {
    %c0_i32 = arith.constant 0 : i32
    %c0_i32_0 = arith.constant 0 : i32
    return %arg0, %c0_i32 : i32, i32
  }
  func.func @transform_2(%arg0: i32) -> (i32, i32) {
    %c0_i32 = arith.constant 0 : i32
    %c0_i32_0 = arith.constant 0 : i32
    return %arg0, %c0_i32 : i32, i32
  }
  func.func @transform_3(%arg0: i32) -> (i32, i32) {
    %c0_i32 = arith.constant 0 : i32
    %c0_i32_0 = arith.constant 0 : i32
    return %arg0, %c0_i32 : i32, i32
  }
  func.func @transform_4(%arg0: i32) -> (i32, i32) {
    %c0_i32 = arith.constant 0 : i32
    %c0_i32_0 = arith.constant 0 : i32
    return %arg0, %c0_i32 : i32, i32
  }
  func.func @transform_5(%arg0: i32) -> (i32, i32) {
    %c0_i32 = arith.constant 0 : i32
    %c0_i32_0 = arith.constant 0 : i32
    return %arg0, %c0_i32 : i32, i32
  }
  func.func @transform_6(%arg0: i32) -> (i32, i32) {
    %c0_i32 = arith.constant 0 : i32
    %c0_i32_0 = arith.constant 0 : i32
    %c0_i32_1 = arith.constant 0 : i32
    return %c0_i32, %c0_i32_0 : i32, i32
  }
  func.func @transform_7(%arg0: i32) -> (i32, i32) {
    %c0_i32 = arith.constant 0 : i32
    %c0_i32_0 = arith.constant 0 : i32
    %c0_i32_1 = arith.constant 0 : i32
    return %c0_i32, %c0_i32_0 : i32, i32
  }
  func.func @transform_8(%arg0: i32) -> (i32, i32) {
    %c0_i32 = arith.constant 0 : i32
    %c0_i32_0 = arith.constant 0 : i32
    %c0_i32_1 = arith.constant 0 : i32
    return %c0_i32, %c0_i32_0 : i32, i32
  }
  func.func @transform_9(%arg0: i32) -> (i32, i32) {
    %c0_i32 = arith.constant 0 : i32
    %c0_i32_0 = arith.constant 0 : i32
    return %arg0, %c0_i32 : i32, i32
  }
}

</mosaic_0001>

<sc_bundles>
// kernel: kernel.12.cloned.1.call-start
scs
__scs_entry_jumppad:
0x0: {  	(pc) =	sbr.rel $0x88, $3  }
0x1: {  	(tag) =	ssettag $0x0;
	lr =	simm.s32 $0x1  }
0x2: {  	[smem:$0x3F99] =	sst lr;
	_ =	strace $0xD0000000  }
0x3: {  	_ = 	snop  }
0x4: {  	_ = 	snop  }
0x5: {  	_ = 	snop  }
0x6: {  	_ = 	snop  }
0x7: {  	_ = 	snop  }
__scs_overlays_trampoline_lowered:
0x8: {  	[smem:$0x3FA8] =	sst s0  }
0x9: {  	[smem:$0x3FA9] =	sst s1  }
0xa: {  	[smem:$0x3FAA] =	sst s2  }
0xb: {  	[smem:$0x3FAB] =	sst s3  }
0xc: {  	[smem:$0x3FAC] =	sst s4  }
0xd: {  	[smem:$0x3FAD] =	sst s5  }
0xe: {  	[smem:$0x3FAE] =	sst s6  }
0xf: {  	[smem:$0x3FAF] =	sst s7  }
0x10: {  	[smem:$0x3FB0] =	sst s8  }
0x11: {  	[smem:$0x3FB1] =	sst s9;
	s0 =	simm.s32 @!p0 $0x0  }
0x12: {  	s1 =	sld [smem:$0x3F97];
	s0 =	simm.s32 @p0 $0x1  }
0x13: {  	[smem:$0x3FB2] =	sst s0;
	s0 =	simm.s32 @!p1 $0x0  }
0x14: {  	s2 =	sld [smem:$0x3F96];
	s0 =	simm.s32 @p1 $0x1  }
0x15: {  	[smem:$0x3FB3] =	sst s0;
	s0 =	simm.s32 @!p2 $0x0  }
0x16: {  	s3 =	sld [smem:$0x3FDB];
	s0 =	simm.s32 @p2 $0x1  }
0x17: {  	s4 =	simm.s32 $0x1BF5;
	[smem:$0x3FB5] =	sst s0  }
0x18: {  	s0 =	sld [smem:$0x3F98];
	_ =	swait.ge [sflag:s4], $0x0  }
0x19: {  	s7 =	sld [smem:$0x3F99]  }
0x1a: {  	s8 =	sadd.s32 $0xFFFFE003, lr  }
0x1b: {  	s9 =	sadd.s32 $0xFFFFFEF7, lr;
	s5 =	simm.s32 $0xFFFFFFFF;
	p2 =	slt.u32 s8, $0xFFFFF086  }
0x1c: {  	p1 =	slt.u32 s9, $0xF7A;
	s5 =	simm.s32 @!p2 $0x0  }
0x1d: {  	s5 =	simm.s32 @p1 $0x1;
	p0 =	seq.s32 s7, s2  }
0x1e: {  	s7 =	smul.u32 @!p0 $0xF7A, s2;
	p2 =	seq.s32 @!p0 s5, $0x0  }
0x1f: {  	s9 =	smul.u32 $0xF7A, s1;
	s8 =	simm.s32 @!p0 $0x1BF5;
	p2 =	por !p2, p0  }
0x20: {  	[sflag:s8] =	ssyncset.s32 @!p0 $0xFFFFF086;
	s6 =	sadd.s32 @!p0 s3, s7;
	s7 =	simm.s32 @!p0 $0x108  }
0x21: {  	s3 =	sadd.s32 s3, s9;
	s6 =	sadd.s32 @!p0 $0x88, s6;
	s7 =	simm.s32 @p2 $0x1082  }
0x22: {  	[simem:s7], [sflag:s8] =	dma.local @!p0 [hbm:s6], $0xF7A  }
0x23: {  	s9 =	sor.u32 $0xD0000000, s2;
	s6 =	simm.s32 $0x108;
	_ =	swait.ge @!p0 [sflag:s8], $0x0  }
0x24: {  	s3 =	sadd.s32 $0x88, s3;
	s6 =	simm.s32 @!p1 $0x1082;
	[sflag:s4] =	ssyncset.s32 $0xFFFFF086  }
0x25: {  	[simem:s6], [sflag:s4] =	dma.local [hbm:s3], $0xF7A  }
0x26: {  	[smem:$0x3F99] =	sst s1;
	(tag) =	ssettag s2;
	_ =	strace s9  }
0x27: {  	s1 =	sld [smem:$0x3FA9]  }
0x28: {  	s2 =	sld [smem:$0x3FAA]  }
0x29: {  	s4 =	sld [smem:$0x3FAC]  }
0x2a: {  	p0 =	seq.s32 s5, $0x0;
	s5 =	sld [smem:$0x3FAD]  }
0x2b: {  	s6 =	sld [smem:$0x3FAE]  }
0x2c: {  	s7 =	sld [smem:$0x3FAF]  }
0x2d: {  	s3 =	simm.s32 $0x108;
	s8 =	sld [smem:$0x3FB0]  }
0x2e: {  	s3 =	simm.s32 @!p0 $0x1082;
	s9 =	sld [smem:$0x3FB1]  }
0x2f: {  	lr =	sadd.s32 s0, s3;
	s0 =	sld [smem:$0x3FA8]  }
0x30: {  	s3 =	sld [smem:$0x3FAB]  }
0x31: {  	[smem:$0x3FB4] =	sst s10  }
0x32: {  	s10 =	sld [smem:$0x3FB2];
	_ =	sdelay $0x3  }
0x33: {  	p0 =	seq.s32 s10, $0x1;
	s10 =	sld [smem:$0x3FB4];
	_ =	sdelay $0x3  }
0x34: {  	[smem:$0x3FB4] =	sst s10  }
0x35: {  	s10 =	sld [smem:$0x3FB3];
	_ =	sdelay $0x3  }
0x36: {  	p1 =	seq.s32 s10, $0x1;
	s10 =	sld [smem:$0x3FB4];
	_ =	sdelay $0x3  }
0x37: {  	[smem:$0x3FB4] =	sst s10  }
0x38: {  	s10 =	sld [smem:$0x3FB5]  }
0x39: {  	_ = 	snop;
	(pc) =	sbr.ind lr, $3  }
0x3a: {  	_ = 	snop  }
0x3b: {  	_ = 	snop  }
0x3c: {  	p2 =	seq.s32 s10, $0x1;
	s10 =	sld [smem:$0x3FB4]  }
0x3d: {  	_ =	shalt  }
0x3e: {  	_ =	shalt  }
0x3f: {  	_ =	shalt  }
0x40: {  	_ =	shalt  }
0x41: {  	_ =	shalt  }
0x42: {  	_ =	shalt  }
0x43: {  	_ =	shalt  }
0x44: {  	_ =	shalt  }
0x45: {  	_ =	shalt  }
0x46: {  	_ =	shalt  }
0x47: {  	_ =	shalt  }
0x48: {  	_ =	shalt  }
0x49: {  	_ =	shalt  }
0x4a: {  	_ =	shalt  }
0x4b: {  	_ =	shalt  }
0x4c: {  	_ =	shalt  }
0x4d: {  	_ =	shalt  }
0x4e: {  	_ =	shalt  }
0x4f: {  	_ =	shalt  }
0x50: {  	_ =	shalt  }
0x51: {  	_ =	shalt  }
0x52: {  	_ =	shalt  }
0x53: {  	_ =	shalt  }
0x54: {  	_ =	shalt  }
0x55: {  	_ =	shalt  }
0x56: {  	_ =	shalt  }
0x57: {  	_ =	shalt  }
0x58: {  	_ =	shalt  }
0x59: {  	_ =	shalt  }
0x5a: {  	_ =	shalt  }
0x5b: {  	_ =	shalt  }
0x5c: {  	_ =	shalt  }
0x5d: {  	_ =	shalt  }
0x5e: {  	_ =	shalt  }
0x5f: {  	_ =	shalt  }
0x60: {  	_ =	shalt  }
0x61: {  	_ =	shalt  }
0x62: {  	_ =	shalt  }
0x63: {  	_ =	shalt  }
0x64: {  	_ =	shalt  }
0x65: {  	_ =	shalt  }
0x66: {  	_ =	shalt  }
0x67: {  	_ =	shalt  }
0x68: {  	_ =	shalt  }
0x69: {  	_ =	shalt  }
0x6a: {  	_ =	shalt  }
0x6b: {  	_ =	shalt  }
0x6c: {  	_ =	shalt  }
0x6d: {  	_ =	shalt  }
0x6e: {  	_ =	shalt  }
0x6f: {  	_ =	shalt  }
0x70: {  	_ =	shalt  }
0x71: {  	_ =	shalt  }
0x72: {  	_ =	shalt  }
0x73: {  	_ =	shalt  }
0x74: {  	_ =	shalt  }
0x75: {  	_ =	shalt  }
0x76: {  	_ =	shalt  }
0x77: {  	_ =	shalt  }
0x78: {  	_ =	shalt  }
0x79: {  	_ =	shalt  }
0x7a: {  	_ =	shalt  }
0x7b: {  	_ =	shalt  }
0x7c: {  	_ =	shalt  }
0x7d: {  	_ =	shalt  }
0x7e: {  	_ =	shalt  }
0x7f: {  	_ =	shalt  }
0x80: {  	_ =	shalt  }
0x81: {  	_ =	shalt  }
0x82: {  	_ =	shalt  }
0x83: {  	_ =	shalt  }
0x84: {  	_ =	shalt  }
0x85: {  	_ =	shalt  }
0x86: {  	_ =	shalt  }
0x87: {  	_ =	shalt  }
.Lfunc_end0:
.L_simem_size_0:
called_computation.1_lowered:
.L_overlay_start_0:
0x88: {  	s2 =	sld [smem:$0x3FD9]  }
0x89: {  	s3 =	sld [smem:$0x3FFE];
	_ =	sdelay $0x1  }
0x8a: {  	s1 =	srdreg.scid  }
0x8b: {  	s0 =	sand.u32 $0x1, s1  }
0x8c: {  	s17 =	sshll.u32 s0, $0xA;
	s2 =	sadd.s32 s3, s2  }
0x8d: {  	s2 =	sadd.s32 s2, s17  }
0x8e: {  	[smem:$0x3FC0] =	sst s2  }
0x8f: {  	_ = 	snop  }
0x90: {  	s2 =	sld [smem:$0x3FD0];
	(tm) =	ssettm $0x1  }
0x91: {  	s18 =	sld [smem:$0x3FFB];
	_ =	sdelay $0x3  }
0x92: {  	_ =	strace s18  }
0x93: {  	s3 =	sld [smem:$0x3FFC];
	_ =	sdelay $0x3  }
0x94: {  	_ =	strace s3  }
0x95: {  	s3 =	sld [smem:$0x3FFD];
	_ =	sdelay $0x3  }
0x96: {  	_ =	strace s3  }
0x97: {  	_ =	strace $0x8FFFFFFF  }
0x98: {  	s19 =	sld [smem:$0x3FDB];
	_ =	sdelay $0x1  }
0x99: {  	s4 =	simm.s32 $_scs_section_size  }
0x9a: {  	s5 =	simm.s32 $_size__tile_overlayer_lowered;
	s6 =	simm.s32 $_tile_overlayer_lowered  }
0x9b: {  	s22 =	simm.s32 $0x1BFF;
	s21 =	sshll.u32 s6, $0x1;
	s3 =	sadd.s32 s4, s19  }
0x9c: {  	s7 =	simm.s32 $0x0;
	s20 =	sshll.u32 s5, $0x1;
	s5 =	sadd.s32 s21, s3  }
0x9d: {  	[timem:s7], [sflag:s22] =	dma.local [hbm:s5], s20  }
0x9e: {  	_ =	swait.ge [sflag:s22], s20  }
0x9f: {  	s4 =	ssub.s32 $0x0, s20;
	[sflag:s22] =	ssyncset.done $0x0  }
0xa0: {  	[sflag:s22] =	ssyncadd.s32 s4;
	_ =	sdelay $0x1  }
0xa1: {  	s23 =	simm.s32 $0x1B8B  }
0xa2: {  	_ =	swait.ge [sflag:s23], $0x1  }
0xa3: {  	[sflag:s23] =	ssyncset.done $0x0  }
0xa4: {  	s25 =	simm.s32 $0x1B8E;
	s24 =	sld [smem:$0x3FFE];
	[sflag:s23] =	ssyncadd.s32 $0xFFFFFFFF  }
0xa5: {  	s26 =	simm.s32 $execute0_lowered;
	[smem:$0x3FD2] =	sst s25  }
0xa6: {  	s5 =	sshll.u32 s26, $0x1;
	_ =	strace $0x80000049;
	[dreg:$0x1] =	wrdreg $0xFFFFFFFF  }
0xa7: {  	s28 =	simm.s32 $_size_execute0_lowered;
	s3 =	sadd.s32 s3, s5;
	[dreg:$0x0] =	wrdreg $0x0  }
0xa8: {  	s5 =	sshll.u32 s28, $0x1;
	[dreg:$0x2] =	wrdreg s3  }
0xa9: {  	[dreg:$0x3] =	wrdreg s5  }
0xaa: {  	[dreg:$0x4] =	wrdreg $0xC0  }
0xab: {  	_ =	task [dreg:s7], $0x5FFFF  }
0xac: {  	[dreg:$0x1] =	wrdreg $0xFFFFFFFF  }
0xad: {  	[dreg:$0x0] =	wrdreg $0x60  }
0xae: {  	[dreg:$0x2] =	wrdreg s2  }
0xaf: {  	[dreg:$0x3] =	wrdreg s24  }
0xb0: {  	[dreg:$0x4] =	wrdreg $0x59200  }
0xb1: {  	[dreg:$0x5] =	wrdreg $0x9  }
0xb2: {  	_ =	task.clear_ibuf [dreg:s7], $0x6FFFF;
	_ =	strace $0x90000049  }
0xb3: {  	s29 =	simm.s32 $0x9;
	_ =	strace $0x8000004B  }
0xb4: {  	_ =	swait.ge [sflag:s29], $0x1  }
0xb5: {  	[sflag:s29] =	ssyncadd.s32 $0xFFFFFFFF  }
0xb6: {  	_ =	strace $0x9000004B  }
0xb7: {  	_ =	sfence  }
0xb8: {  	s30 =	sld [smem:$0x0];
	_ =	sdelay $0x2  }
0xb9: {  	s31 =	sshll.u32 s1, $0xD;
	s1 =	sshrl.u32 s1, $0x2  }
0xba: {  	s3 =	sand.u32 $0x4000, s31;
	s1 =	sadd.s32 s1, s30  }
0xbb: {  	s0 =	sor.u32 s3, s0;
	s1 =	sshll.u32 s1, $0x11  }
0xbc: {  	s0 =	sor.u32 s1, s0  }
0xbd: {  	s0 =	sadd.s32 $0x8F2B, s0  }
0xbe: {  	[sflag:s0] =	ssyncadd.remote.s32 $0x1  }
0xbf: {  	_ =	sfence.sel $0xFFFF  }
0xc0: {  	[dreg:$0x0] =	wrdreg $0xFFFFFFFF;
	(pc) =	sbr.abs _section_cstart, $3  }
0xc1: {  	[dreg:$0x1] =	wrdreg $0xFFFFFFFF  }
0xc2: {  	_ =	task.clear_ibuf [dreg:s7], $0x2FFFF;
	_ =	strace $0x9FFFFFFF  }
0xc3: {  	(tm) =	ssettm $0x7FFFFFFF  }
tec
execute0_lowered:
.L_overlay_start_1:
0x0: {  	(tag) =	ssettag $0x1  }
0x1: {  	s2 =	rddreg [dreg:$0x0]  }
0x2: {  	s6 =	rddreg [dreg:$0x1]  }
0x3: {  	s3 =	rddreg [dreg:$0x2]  }
0x4: {  	s1 =	stileid.u32;
	s0 =	rddreg [dreg:$0x3]  }
0x5: {  	s4 =	simm.s32 $0x0;
	s29 =	srdreg.scid;
	s18 =	simm.s32 $0x2  }
0x6: {  	s20 =	simm.s32 $0x50;
	s21 =	simm.s32 $0x4E20;
	s7 =	smul.u32 $0x4E2, s1  }
0x7: {  	s22 =	simm.s32 $0x1;
	[smem:$0x7FF] =	sst s4;
	s8 =	smul.u32 $0x270, s1  }
0x8: {  	s5 =	sadd.s32 $0xD600, s6;
	s10 =	smul.u32 $0x278, s1;
	s15 =	sadd.s32 $0x21200, s6  }
0x9: {  	s19 =	sand.u32 $0x1, s29;
	p0 =	slt.u32 s1, $0x2;
	s13 =	smul.u32 $0x13C00, s1  }
0xa: {  	s12 =	sadd.s32 $0x17400, s6;
	s17 =	smul.u32 $0x9E0, s1;
	_ =	strace $0x8000004A  }
0xb: {  	s30 =	ssub.s32 $0x2, s19;
	p1 =	sne.s32 s19, $0x0;
	s19 =	simm.s32 $0x2710  }
0xc: {  	s9 =	sadd.s32 s7, s6;
	s11 =	sadd.s32 $0x10, s8;
	s31 =	sshrl.u32 s30, $0x1  }
0xd: {  	s6 =	simm.s32 $0x4F;
	s13 =	sshrl.u32 s13, $0x2;
	s7 =	smov.u32 s11  }
0xe: {  	s16 =	ssub.s32 s30, s31;
	s6 =	simm.s32 @!p0 $0x4E;
	s8 =	sadd.s32 $0x8600, s9  }
.Ltmp0:
0xf: {  	s9 =	sadd.s32 $0x3600, s9;
	s14 =	sshll.u32 s11, $0x2;
	(pc) =	sbr.rel .LBB2_1-.Ltmp0, $4  }
0x10: {  	s11 =	sshll.u32 s11, $0x5;
	s13 =	sadd.s32 s13, s3;
	s7 =	smov.u32 @p0 s10  }
0x11: {  	s10 =	sadd.s32 s12, s14;
	s11 =	sadd.s32 s11, s3;
	s12 =	sadd.s32 s12, s17  }
0x12: {  	s14 =	sadd.s32 s15, s14;
	s15 =	sadd.s32 s15, s17;
	s7 =	sshll.u32 s7, $0x5  }
0x13: {  	v0 =	vimm.f32 $0.0e+00;
	s16 =	smax.u32 s16, $0x1;
	s17 =	simm.s32 $0x5820;
	s7 =	sadd.s32 s7, s3  }
.LBB2_10:
0x14: {  	s4 =	sadd.s32 $0x1, s4  }
0x15: {  	p2 =	sne.s32 s4, s16  }
.Ltmp1:
0x16: {  	_ = 	snop;
	(pc) =	sbr.rel @!p2 .LBB2_11-.Ltmp1, $1  }
0x17: {  	_ =	sdelay $0x3  }
.LBB2_1:
0x18: {  	[tilespmem:$0x5820] =	vst v0  }
0x19: {  	[tilespmem:$0x5830] =	vst v0  }
0x1a: {  	[tilespmem:$0x5840] =	vst v0  }
0x1b: {  	[tilespmem:$0x5850] =	vst v0  }
0x1c: {  	[tilespmem:$0x5860] =	vst v0  }
0x1d: {  	[tilespmem:$0x5870] =	vst v0  }
0x1e: {  	[tilespmem:$0x5880] =	vst v0  }
0x1f: {  	[tilespmem:$0x5890] =	vst v0  }
0x20: {  	[tilespmem:$0x58A0] =	vst v0  }
0x21: {  	[tilespmem:$0x58B0] =	vst v0  }
0x22: {  	[tilespmem:$0x58C0] =	vst v0  }
0x23: {  	[tilespmem:$0x58D0] =	vst v0  }
0x24: {  	[tilespmem:$0x58E0] =	vst v0  }
0x25: {  	[tilespmem:$0x58F0] =	vst v0;
	p2 =	sne.s32 s6, $0x1  }
.Ltmp2:
0x26: {  	[tilespmem:$0x5900] =	vst v0;
	(pc) =	sbr.rel @!p2 .LBB2_3-.Ltmp2, $4  }
0x27: {  	[tilespmem:$0x5910] =	vst v0  }
0x28: {  	[spmem:s7] =	stream.linear.scatter [tilespmem:s17], [sflag:$0x2], $0x100, $0x38;
	[tilespmem:$0xA740] =	vst v63  }
0x29: {  	_ =	swait.ge [sflag:s18], $0x100  }
0x2a: {  	s23 =	sadd.s32 $0xFFFFFFFF, s6;
	s24 =	smov.u32 s7;
	[sflag:s18] =	ssyncset.done $0x0  }
.LBB2_2:
0x2b: {  	p2 =	sne.s32 s23, $0x1;
	[sflag:s18] =	ssyncadd.s32 $0xFFFFFF00;
	s24 =	sadd.s32 $0x100, s24  }
.Ltmp3:
0x2c: {  	s23 =	sadd.s32 $0xFFFFFFFF, s23;
	(pc) =	sbr.rel @p2 .LBB2_2-.Ltmp3, $4  }
0x2d: {  	_ = 	snop  }
0x2e: {  	[spmem:s24] =	stream.linear.scatter [tilespmem:s17], [sflag:$0x2], $0x100, $0x38;
	[tilespmem:$0xA740] =	vst v63  }
0x2f: {  	_ =	swait.ge [sflag:s18], $0x100  }
0x30: {  	[sflag:s18] =	ssyncset.done $0x0  }
.LBB2_3:
0x31: {  	[sflag:s18] =	ssyncadd.s32 $0xFFFFFF00;
	s23 =	simm.s32 $0x0  }
0x32: {  	[tilespmem:s23], [sflag:$0x2] =	stream.linear.gather [hbm4b:s8+s23], $0x2710, $0x38;
	[tilespmem:$0xA740] =	vst v63  }
0x33: {  	_ =	swait.ge [sflag:s18], $0x2710  }
0x34: {  	[sflag:s18] =	ssyncset.done $0x0  }
0x35: {  	[sflag:s18] =	ssyncadd.s32 $0xFFFFD8F0  }
0x36: {  	[tilespmem:s19], [sflag:$0x2] =	stream.linear.gather [hbm4b:s9+s23], $0x2710, $0x38;
	[tilespmem:$0xA740] =	vst v63  }
.Ltmp4:
0x37: {  	_ =	swait.ge [sflag:s18], $0x2710;
	(pc) =	sbr.rel @p1 .LBB2_7-.Ltmp4, $4  }
0x38: {  	[sflag:s18] =	ssyncset.done $0x0  }
0x39: {  	s24 =	sshll.u32 @p0 s1, $0x6;
	s25 =	sshrl.u32 @p0 s13, $0x3;
	[sflag:s18] =	ssyncadd.s32 $0xFFFFD8F0  }
0x3a: {  	s28 =	sshll.u32 @!p0 s1, $0x6;
	s26 =	sor.u32 @p0 $0x1C02, s24;
	[bflag:$0x0] =	sbarrier.arrive $0xFFFF  }
0x3b: {  	s24 =	sor.u32 @!p0 $0x1C02, s28;
	s28 =	simm.s32 $0x0;
	s23 =	sshrl.u32 @!p0 s11, $0x3  }
0x3c: {  	[tilespmem:s21], [sflag:$0x1] =	stream.indirect.gather [hbm4b:s2+s20], $0x20, s28, s20, $0xb8;
	[tilespmem:$0xA740] =	vst v63  }
0x3d: {  	_ =	swait.ge [sflag:s22], $0xA00  }
0x3e: {  	[sflag:s22] =	ssyncset.done $0x0  }
0x3f: {  	s28 =	simm.s32 $0x2710;
	[sflag:s22] =	ssyncadd.s32 $0xFFFFF600  }
0x40: {  	[spmem:s3] =	stream.indirect.scatter.add.f32 [tilespmem:s21], [sflag:$0x2], $0x20, s28, s20, $0xb8;
	[tilespmem:$0xA740] =	vst v63  }
0x41: {  	_ =	swait.ge [sflag:s18], $0xA00  }
0x42: {  	s29 =	simm.s32 $0x280;
	s28 =	simm.s32 $0x140;
	[sflag:s18] =	ssyncset.done $0x0  }
.LBB2_5:
0x43: {  	s30 =	sshra.s32 s28, $0x2  }
0x44: {  	[sflag:s18] =	ssyncadd.s32 $0xFFFFF600;
	s28 =	smov.u32 s29;
	s31 =	sadd.s32 $0x140, s29  }
0x45: {  	[tilespmem:s21], [sflag:$0x1] =	stream.indirect.gather [hbm4b:s2+s20], $0x20, s30, s20, $0xb8;
	[tilespmem:$0xA740] =	vst v63  }
0x46: {  	p2 =	sne.s32 s29, $0x9B00;
	_ =	swait.ge [sflag:s22], $0xA00  }
.Ltmp5:
0x47: {  	[sflag:s22] =	ssyncset.done $0x0;
	(pc) =	sbr.rel @p2 .LBB2_5-.Ltmp5, $4  }
0x48: {  	s29 =	sadd.s32 $0x2710, s30;
	[sflag:s22] =	ssyncadd.s32 $0xFFFFF600  }
0x49: {  	[spmem:s3] =	stream.indirect.scatter.add.f32 [tilespmem:s21], [sflag:$0x2], $0x20, s29, s20, $0xb8;
	[tilespmem:$0xA740] =	vst v63  }
0x4a: {  	_ =	swait.ge [sflag:s18], $0xA00  }
0x4b: {  	s29 =	smov.u32 s31;
	[sflag:s18] =	ssyncset.done $0x0  }
0x4c: {  	s28 =	sshra.s32 s28, $0x2;
	[sflag:s18] =	ssyncadd.s32 $0xFFFFF600  }
0x4d: {  	[tilespmem:s21], [sflag:$0x1] =	stream.indirect.gather [hbm4b:s2+s20], $0x20, s28, s20, $0xb8;
	[tilespmem:$0xA740] =	vst v63  }
0x4e: {  	_ =	swait.ge [sflag:s22], $0xA00  }
0x4f: {  	[sflag:s22] =	ssyncset.done $0x0  }
0x50: {  	s28 =	sadd.s32 $0x2710, s28;
	[sflag:s22] =	ssyncadd.s32 $0xFFFFF600  }
0x51: {  	[spmem:s3] =	stream.indirect.scatter.add.f32 [tilespmem:s21], [sflag:$0x2], $0x20, s28, s20, $0xb8;
	[tilespmem:$0xA740] =	vst v63  }
0x52: {  	_ =	swait.ge [sflag:s18], $0xA00  }
0x53: {  	[sflag:s18] =	ssyncset.done $0x0  }
0x54: {  	[sflag:s18] =	ssyncadd.s32 $0xFFFFF600  }
0x55: {  	[bflag:$0x0] =	sbarrier.arrive $0xFFFF  }
0x56: {  	[hbm:s15], [sflag:s26] =	dma.local @p0 [spmem:s25], $0x9E0  }
0x57: {  	s25 =	simm.s32 @p0 $0x2  }
0x58: {  	_ =	swait.ge @p0 [sflag:s25], $0x9E0  }
0x59: {  	[sflag:s25] =	ssyncset.done @p0 $0x0  }
0x5a: {  	[sflag:s25] =	ssyncadd.s32 @p0 $0xFFFFF620  }
0x5b: {  	[hbm:s14], [sflag:s24] =	dma.local @!p0 [spmem:s23], $0x9C0  }
.Ltmp6:
0x5c: {  	_ = 	snop;
	(pc) =	sbr.rel .LBB2_10-.Ltmp6, $4  }
0x5d: {  	s23 =	simm.s32 @!p0 $0x2  }
0x5e: {  	_ =	swait.ge @!p0 [sflag:s23], $0x9C0  }
0x5f: {  	[sflag:s23] =	ssyncset.done @!p0 $0x0  }
0x60: {  	[sflag:s23] =	ssyncadd.s32 @!p0 $0xFFFFF640  }
.LBB2_7:
0x61: {  	[tilespmem:s21], [sflag:$0x1] =	stream.indirect.gather [hbm4b:s5+s20], $0x20, s28, s20, $0xb8;
	[tilespmem:$0xA740] =	vst v63  }
0x62: {  	_ =	swait.ge [sflag:s22], $0xA00  }
0x63: {  	[sflag:s22] =	ssyncset.done $0x0  }
0x64: {  	s28 =	simm.s32 $0x2710;
	[sflag:s22] =	ssyncadd.s32 $0xFFFFF600  }
0x65: {  	[spmem:s3] =	stream.indirect.scatter.add.f32 [tilespmem:s21], [sflag:$0x2], $0x20, s28, s20, $0xb8;
	[tilespmem:$0xA740] =	vst v63  }
0x66: {  	_ =	swait.ge [sflag:s18], $0xA00  }
0x67: {  	s29 =	simm.s32 $0x280;
	s28 =	simm.s32 $0x140;
	[sflag:s18] =	ssyncset.done $0x0  }
.LBB2_8:
0x68: {  	s30 =	sshra.s32 s28, $0x2  }
0x69: {  	[sflag:s18] =	ssyncadd.s32 $0xFFFFF600;
	s28 =	smov.u32 s29;
	s31 =	sadd.s32 $0x140, s29  }
0x6a: {  	[tilespmem:s21], [sflag:$0x1] =	stream.indirect.gather [hbm4b:s5+s20], $0x20, s30, s20, $0xb8;
	[tilespmem:$0xA740] =	vst v63  }
0x6b: {  	p2 =	sne.s32 s29, $0x9B00;
	_ =	swait.ge [sflag:s22], $0xA00  }
.Ltmp7:
0x6c: {  	[sflag:s22] =	ssyncset.done $0x0;
	(pc) =	sbr.rel @p2 .LBB2_8-.Ltmp7, $4  }
0x6d: {  	s29 =	sadd.s32 $0x2710, s30;
	[sflag:s22] =	ssyncadd.s32 $0xFFFFF600  }
0x6e: {  	[spmem:s3] =	stream.indirect.scatter.add.f32 [tilespmem:s21], [sflag:$0x2], $0x20, s29, s20, $0xb8;
	[tilespmem:$0xA740] =	vst v63  }
0x6f: {  	_ =	swait.ge [sflag:s18], $0xA00  }
0x70: {  	s29 =	smov.u32 s31;
	[sflag:s18] =	ssyncset.done $0x0  }
0x71: {  	s28 =	sshra.s32 s28, $0x2;
	[sflag:s18] =	ssyncadd.s32 $0xFFFFF600  }
0x72: {  	[tilespmem:s21], [sflag:$0x1] =	stream.indirect.gather [hbm4b:s5+s20], $0x20, s28, s20, $0xb8;
	[tilespmem:$0xA740] =	vst v63  }
0x73: {  	_ =	swait.ge [sflag:s22], $0xA00  }
0x74: {  	[sflag:s22] =	ssyncset.done $0x0  }
0x75: {  	s28 =	sadd.s32 $0x2710, s28;
	[sflag:s22] =	ssyncadd.s32 $0xFFFFF600  }
0x76: {  	[spmem:s3] =	stream.indirect.scatter.add.f32 [tilespmem:s21], [sflag:$0x2], $0x20, s28, s20, $0xb8;
	[tilespmem:$0xA740] =	vst v63  }
0x77: {  	_ =	swait.ge [sflag:s18], $0xA00  }
0x78: {  	[sflag:s18] =	ssyncset.done $0x0  }
0x79: {  	[sflag:s18] =	ssyncadd.s32 $0xFFFFF600  }
0x7a: {  	[bflag:$0x0] =	sbarrier.arrive $0xFFFF  }
0x7b: {  	[hbm:s12], [sflag:s26] =	dma.local @p0 [spmem:s25], $0x9E0  }
0x7c: {  	s25 =	simm.s32 @p0 $0x2  }
0x7d: {  	_ =	swait.ge @p0 [sflag:s25], $0x9E0  }
0x7e: {  	[sflag:s25] =	ssyncset.done @p0 $0x0  }
0x7f: {  	[sflag:s25] =	ssyncadd.s32 @p0 $0xFFFFF620  }
0x80: {  	[hbm:s10], [sflag:s24] =	dma.local @!p0 [spmem:s23], $0x9C0  }
.Ltmp8:
0x81: {  	_ = 	snop;
	(pc) =	sbr.rel .LBB2_10-.Ltmp8, $4  }
0x82: {  	s23 =	simm.s32 @!p0 $0x2  }
0x83: {  	_ =	swait.ge @!p0 [sflag:s23], $0x9C0  }
0x84: {  	[sflag:s23] =	ssyncset.done @!p0 $0x0  }
0x85: {  	[sflag:s23] =	ssyncadd.s32 @!p0 $0xFFFFF640  }
.LBB2_11:
0x86: {  	_ =	sfence.sel $0x180000  }
0x87: {  	[bflag:$0x0] =	sbarrier.arrive $0xFFFF  }
0x88: {  	p0 =	sne.s32 s1, $0x0;
	_ =	strace $0x9000004A  }
0x89: {  	s0 =	sadd.s32 @!p0 $0x100000, s0;
	[bflag:$0x2] =	sbarrier.arrive $0xFFFF  }
0x8a: {  	[sflag:s0] =	ssyncadd.tile.s32 @!p0 $0x1;
	_ =	shalt  }
.Lfunc_end2:
_tile_overlayer_lowered:
.L_overlay_start_2:
0x8b: {  	(tag) =	ssettag $0x2  }
0x8c: {  	s0 =	rddreg [dreg:$0x0];
	s2 =	stileid.u32  }
0x8d: {  	s1 =	rddreg [dreg:$0x1];
	p0 =	sne.s32 s2, $0x0  }
0x8e: {  	s3 =	rddreg [dreg:$0x2];
	[bflag:$0x3] =	sbarrier.arrive $0xFFFF;
	s2 =	simm.s32 @!p0 $0x1C02  }
0x8f: {  	[timem:s3], [sflag:s2] =	dma.local @!p0 [hbm:s0], s1  }
0x90: {  	s0 =	simm.s32 @!p0 $0x2  }
0x91: {  	_ =	swait.ge @!p0 [sflag:s0], s1  }
0x92: {  	s1 =	ssub.s32 @!p0 $0x0, s1;
	[sflag:s0] =	ssyncset.done @!p0 $0x0  }
0x93: {  	[sflag:s0] =	ssyncadd.s32 @!p0 s1  }
0x94: {  	[bflag:$0x3] =	sbarrier.arrive $0xFFFF  }
0x95: {  	_ =	shalt  }

// kernel: kernel.15.cloned.1.call-start
scs
__scs_entry_jumppad:
0x0: {  	(pc) =	sbr.rel $0x88, $3  }
0x1: {  	(tag) =	ssettag $0x0;
	lr =	simm.s32 $0x1  }
0x2: {  	[smem:$0x3F99] =	sst lr;
	_ =	strace $0xD0000000  }
0x3: {  	_ = 	snop  }
0x4: {  	_ = 	snop  }
0x5: {  	_ = 	snop  }
0x6: {  	_ = 	snop  }
0x7: {  	_ = 	snop  }
__scs_overlays_trampoline_lowered:
0x8: {  	[smem:$0x3FA8] =	sst s0  }
0x9: {  	[smem:$0x3FA9] =	sst s1  }
0xa: {  	[smem:$0x3FAA] =	sst s2  }
0xb: {  	[smem:$0x3FAB] =	sst s3  }
0xc: {  	[smem:$0x3FAC] =	sst s4  }
0xd: {  	[smem:$0x3FAD] =	sst s5  }
0xe: {  	[smem:$0x3FAE] =	sst s6  }
0xf: {  	[smem:$0x3FAF] =	sst s7  }
0x10: {  	[smem:$0x3FB0] =	sst s8  }
0x11: {  	[smem:$0x3FB1] =	sst s9;
	s0 =	simm.s32 @!p0 $0x0  }
0x12: {  	s1 =	sld [smem:$0x3F97];
	s0 =	simm.s32 @p0 $0x1  }
0x13: {  	[smem:$0x3FB2] =	sst s0;
	s0 =	simm.s32 @!p1 $0x0  }
0x14: {  	s2 =	sld [smem:$0x3F96];
	s0 =	simm.s32 @p1 $0x1  }
0x15: {  	[smem:$0x3FB3] =	sst s0;
	s0 =	simm.s32 @!p2 $0x0  }
0x16: {  	s3 =	sld [smem:$0x3FDB];
	s0 =	simm.s32 @p2 $0x1  }
0x17: {  	s4 =	simm.s32 $0x1BF5;
	[smem:$0x3FB5] =	sst s0  }
0x18: {  	s0 =	sld [smem:$0x3F98];
	_ =	swait.ge [sflag:s4], $0x0  }
0x19: {  	s7 =	sld [smem:$0x3F99]  }
0x1a: {  	s8 =	sadd.s32 $0xFFFFE003, lr  }
0x1b: {  	s9 =	sadd.s32 $0xFFFFFEF7, lr;
	s5 =	simm.s32 $0xFFFFFFFF;
	p2 =	slt.u32 s8, $0xFFFFF086  }
0x1c: {  	p1 =	slt.u32 s9, $0xF7A;
	s5 =	simm.s32 @!p2 $0x0  }
0x1d: {  	s5 =	simm.s32 @p1 $0x1;
	p0 =	seq.s32 s7, s2  }
0x1e: {  	s7 =	smul.u32 @!p0 $0xF7A, s2;
	p2 =	seq.s32 @!p0 s5, $0x0  }
0x1f: {  	s9 =	smul.u32 $0xF7A, s1;
	s8 =	simm.s32 @!p0 $0x1BF5;
	p2 =	por !p2, p0  }
0x20: {  	[sflag:s8] =	ssyncset.s32 @!p0 $0xFFFFF086;
	s6 =	sadd.s32 @!p0 s3, s7;
	s7 =	simm.s32 @!p0 $0x108  }
0x21: {  	s3 =	sadd.s32 s3, s9;
	s6 =	sadd.s32 @!p0 $0x88, s6;
	s7 =	simm.s32 @p2 $0x1082  }
0x22: {  	[simem:s7], [sflag:s8] =	dma.local @!p0 [hbm:s6], $0xF7A  }
0x23: {  	s9 =	sor.u32 $0xD0000000, s2;
	s6 =	simm.s32 $0x108;
	_ =	swait.ge @!p0 [sflag:s8], $0x0  }
0x24: {  	s3 =	sadd.s32 $0x88, s3;
	s6 =	simm.s32 @!p1 $0x1082;
	[sflag:s4] =	ssyncset.s32 $0xFFFFF086  }
0x25: {  	[simem:s6], [sflag:s4] =	dma.local [hbm:s3], $0xF7A  }
0x26: {  	[smem:$0x3F99] =	sst s1;
	(tag) =	ssettag s2;
	_ =	strace s9  }
0x27: {  	s1 =	sld [smem:$0x3FA9]  }
0x28: {  	s2 =	sld [smem:$0x3FAA]  }
0x29: {  	s4 =	sld [smem:$0x3FAC]  }
0x2a: {  	p0 =	seq.s32 s5, $0x0;
	s5 =	sld [smem:$0x3FAD]  }
0x2b: {  	s6 =	sld [smem:$0x3FAE]  }
0x2c: {  	s7 =	sld [smem:$0x3FAF]  }
0x2d: {  	s3 =	simm.s32 $0x108;
	s8 =	sld [smem:$0x3FB0]  }
0x2e: {  	s3 =	simm.s32 @!p0 $0x1082;
	s9 =	sld [smem:$0x3FB1]  }
0x2f: {  	lr =	sadd.s32 s0, s3;
	s0 =	sld [smem:$0x3FA8]  }
0x30: {  	s3 =	sld [smem:$0x3FAB]  }
0x31: {  	[smem:$0x3FB4] =	sst s10  }
0x32: {  	s10 =	sld [smem:$0x3FB2];
	_ =	sdelay $0x3  }
0x33: {  	p0 =	seq.s32 s10, $0x1;
	s10 =	sld [smem:$0x3FB4];
	_ =	sdelay $0x3  }
0x34: {  	[smem:$0x3FB4] =	sst s10  }
0x35: {  	s10 =	sld [smem:$0x3FB3];
	_ =	sdelay $0x3  }
0x36: {  	p1 =	seq.s32 s10, $0x1;
	s10 =	sld [smem:$0x3FB4];
	_ =	sdelay $0x3  }
0x37: {  	[smem:$0x3FB4] =	sst s10  }
0x38: {  	s10 =	sld [smem:$0x3FB5]  }
0x39: {  	_ = 	snop;
	(pc) =	sbr.ind lr, $3  }
0x3a: {  	_ = 	snop  }
0x3b: {  	_ = 	snop  }
0x3c: {  	p2 =	seq.s32 s10, $0x1;
	s10 =	sld [smem:$0x3FB4]  }
0x3d: {  	_ =	shalt  }
0x3e: {  	_ =	shalt  }
0x3f: {  	_ =	shalt  }
0x40: {  	_ =	shalt  }
0x41: {  	_ =	shalt  }
0x42: {  	_ =	shalt  }
0x43: {  	_ =	shalt  }
0x44: {  	_ =	shalt  }
0x45: {  	_ =	shalt  }
0x46: {  	_ =	shalt  }
0x47: {  	_ =	shalt  }
0x48: {  	_ =	shalt  }
0x49: {  	_ =	shalt  }
0x4a: {  	_ =	shalt  }
0x4b: {  	_ =	shalt  }
0x4c: {  	_ =	shalt  }
0x4d: {  	_ =	shalt  }
0x4e: {  	_ =	shalt  }
0x4f: {  	_ =	shalt  }
0x50: {  	_ =	shalt  }
0x51: {  	_ =	shalt  }
0x52: {  	_ =	shalt  }
0x53: {  	_ =	shalt  }
0x54: {  	_ =	shalt  }
0x55: {  	_ =	shalt  }
0x56: {  	_ =	shalt  }
0x57: {  	_ =	shalt  }
0x58: {  	_ =	shalt  }
0x59: {  	_ =	shalt  }
0x5a: {  	_ =	shalt  }
0x5b: {  	_ =	shalt  }
0x5c: {  	_ =	shalt  }
0x5d: {  	_ =	shalt  }
0x5e: {  	_ =	shalt  }
0x5f: {  	_ =	shalt  }
0x60: {  	_ =	shalt  }
0x61: {  	_ =	shalt  }
0x62: {  	_ =	shalt  }
0x63: {  	_ =	shalt  }
0x64: {  	_ =	shalt  }
0x65: {  	_ =	shalt  }
0x66: {  	_ =	shalt  }
0x67: {  	_ =	shalt  }
0x68: {  	_ =	shalt  }
0x69: {  	_ =	shalt  }
0x6a: {  	_ =	shalt  }
0x6b: {  	_ =	shalt  }
0x6c: {  	_ =	shalt  }
0x6d: {  	_ =	shalt  }
0x6e: {  	_ =	shalt  }
0x6f: {  	_ =	shalt  }
0x70: {  	_ =	shalt  }
0x71: {  	_ =	shalt  }
0x72: {  	_ =	shalt  }
0x73: {  	_ =	shalt  }
0x74: {  	_ =	shalt  }
0x75: {  	_ =	shalt  }
0x76: {  	_ =	shalt  }
0x77: {  	_ =	shalt  }
0x78: {  	_ =	shalt  }
0x79: {  	_ =	shalt  }
0x7a: {  	_ =	shalt  }
0x7b: {  	_ =	shalt  }
0x7c: {  	_ =	shalt  }
0x7d: {  	_ =	shalt  }
0x7e: {  	_ =	shalt  }
0x7f: {  	_ =	shalt  }
0x80: {  	_ =	shalt  }
0x81: {  	_ =	shalt  }
0x82: {  	_ =	shalt  }
0x83: {  	_ =	shalt  }
0x84: {  	_ =	shalt  }
0x85: {  	_ =	shalt  }
0x86: {  	_ =	shalt  }
0x87: {  	_ =	shalt  }
.Lfunc_end0:
.L_simem_size_0:
called_computation.2_lowered:
.L_overlay_start_0:
0x88: {  	s2 =	sld [smem:$0x3FD9]  }
0x89: {  	s3 =	sld [smem:$0x3FFE];
	_ =	sdelay $0x1  }
0x8a: {  	s1 =	srdreg.scid  }
0x8b: {  	s0 =	sand.u32 $0x1, s1  }
0x8c: {  	s17 =	sshll.u32 s0, $0xA;
	s2 =	sadd.s32 s3, s2  }
0x8d: {  	s2 =	sadd.s32 s2, s17  }
0x8e: {  	[smem:$0x3FC0] =	sst s2  }
0x8f: {  	_ = 	snop  }
0x90: {  	s2 =	sld [smem:$0x3FD0];
	(tm) =	ssettm $0x1  }
0x91: {  	s18 =	sld [smem:$0x3FFB];
	_ =	sdelay $0x3  }
0x92: {  	_ =	strace s18  }
0x93: {  	s3 =	sld [smem:$0x3FFC];
	_ =	sdelay $0x3  }
0x94: {  	_ =	strace s3  }
0x95: {  	s3 =	sld [smem:$0x3FFD];
	_ =	sdelay $0x3  }
0x96: {  	_ =	strace s3  }
0x97: {  	_ =	strace $0x8FFFFFFF  }
0x98: {  	s19 =	sld [smem:$0x3FDB];
	_ =	sdelay $0x1  }
0x99: {  	s4 =	simm.s32 $_scs_section_size  }
0x9a: {  	s5 =	simm.s32 $_size__tile_overlayer_lowered;
	s6 =	simm.s32 $_tile_overlayer_lowered  }
0x9b: {  	s22 =	simm.s32 $0x1BFF;
	s21 =	sshll.u32 s6, $0x1;
	s3 =	sadd.s32 s4, s19  }
0x9c: {  	s7 =	simm.s32 $0x0;
	s20 =	sshll.u32 s5, $0x1;
	s5 =	sadd.s32 s21, s3  }
0x9d: {  	[timem:s7], [sflag:s22] =	dma.local [hbm:s5], s20  }
0x9e: {  	_ =	swait.ge [sflag:s22], s20  }
0x9f: {  	s4 =	ssub.s32 $0x0, s20;
	[sflag:s22] =	ssyncset.done $0x0  }
0xa0: {  	[sflag:s22] =	ssyncadd.s32 s4;
	_ =	sdelay $0x1  }
0xa1: {  	s23 =	simm.s32 $0x1B8B  }
0xa2: {  	_ =	swait.ge [sflag:s23], $0x1  }
0xa3: {  	[sflag:s23] =	ssyncset.done $0x0  }
0xa4: {  	s25 =	simm.s32 $0x1B8E;
	s24 =	sld [smem:$0x3FFE];
	[sflag:s23] =	ssyncadd.s32 $0xFFFFFFFF  }
0xa5: {  	s26 =	simm.s32 $execute0_lowered;
	[smem:$0x3FD2] =	sst s25  }
0xa6: {  	s5 =	sshll.u32 s26, $0x1;
	_ =	strace $0x8000004C;
	[dreg:$0x1] =	wrdreg $0xFFFFFFFF  }
0xa7: {  	s28 =	simm.s32 $_size_execute0_lowered;
	s3 =	sadd.s32 s3, s5;
	[dreg:$0x0] =	wrdreg $0x0  }
0xa8: {  	s5 =	sshll.u32 s28, $0x1;
	[dreg:$0x2] =	wrdreg s3  }
0xa9: {  	[dreg:$0x3] =	wrdreg s5  }
0xaa: {  	[dreg:$0x4] =	wrdreg $0xC0  }
0xab: {  	_ =	task [dreg:s7], $0x5FFFF  }
0xac: {  	[dreg:$0x1] =	wrdreg $0xFFFFFFFF  }
0xad: {  	[dreg:$0x0] =	wrdreg $0x60  }
0xae: {  	[dreg:$0x2] =	wrdreg s2  }
0xaf: {  	[dreg:$0x3] =	wrdreg s24  }
0xb0: {  	[dreg:$0x4] =	wrdreg $0x53A00  }
0xb1: {  	[dreg:$0x5] =	wrdreg $0x9  }
0xb2: {  	_ =	task.clear_ibuf [dreg:s7], $0x6FFFF;
	_ =	strace $0x9000004C  }
0xb3: {  	s29 =	simm.s32 $0x9;
	_ =	strace $0x8000004E  }
0xb4: {  	_ =	swait.ge [sflag:s29], $0x1  }
0xb5: {  	[sflag:s29] =	ssyncadd.s32 $0xFFFFFFFF  }
0xb6: {  	_ =	strace $0x9000004E  }
0xb7: {  	_ =	sfence  }
0xb8: {  	s30 =	sld [smem:$0x0];
	_ =	sdelay $0x2  }
0xb9: {  	s31 =	sshll.u32 s1, $0xD;
	s1 =	sshrl.u32 s1, $0x2  }
0xba: {  	s3 =	sand.u32 $0x4000, s31;
	s1 =	sadd.s32 s1, s30  }
0xbb: {  	s0 =	sor.u32 s3, s0;
	s1 =	sshll.u32 s1, $0x11  }
0xbc: {  	s0 =	sor.u32 s1, s0  }
0xbd: {  	s0 =	sadd.s32 $0x8F2B, s0  }
0xbe: {  	[sflag:s0] =	ssyncadd.remote.s32 $0x1  }
0xbf: {  	_ =	sfence.sel $0xFFFF  }
0xc0: {  	[dreg:$0x0] =	wrdreg $0xFFFFFFFF;
	(pc) =	sbr.abs _section_cstart, $3  }
0xc1: {  	[dreg:$0x1] =	wrdreg $0xFFFFFFFF  }
0xc2: {  	_ =	task.clear_ibuf [dreg:s7], $0x2FFFF;
	_ =	strace $0x9FFFFFFF  }
0xc3: {  	(tm) =	ssettm $0x7FFFFFFF  }
tec
execute0_lowered:
.L_overlay_start_1:
0x0: {  	(tag) =	ssettag $0x1  }
0x1: {  	s2 =	rddreg [dreg:$0x0]  }
0x2: {  	s6 =	rddreg [dreg:$0x1]  }
0x3: {  	s3 =	rddreg [dreg:$0x2]  }
0x4: {  	s1 =	stileid.u32;
	s0 =	rddreg [dreg:$0x3]  }
0x5: {  	s4 =	simm.s32 $0x0;
	s29 =	srdreg.scid;
	s18 =	simm.s32 $0x2  }
0x6: {  	s20 =	simm.s32 $0x50;
	s21 =	simm.s32 $0x4E20;
	s7 =	smul.u32 $0x4E2, s1  }
0x7: {  	s22 =	simm.s32 $0x1;
	[smem:$0x7FF] =	sst s4;
	s8 =	smul.u32 $0x270, s1  }
0x8: {  	s5 =	sadd.s32 $0xD600, s6;
	s10 =	smul.u32 $0x278, s1;
	s15 =	sadd.s32 $0x17600, s6  }
0x9: {  	s19 =	sand.u32 $0x1, s29;
	p0 =	slt.u32 s1, $0x2;
	s13 =	smul.u32 $0x9E00, s1  }
0xa: {  	s12 =	sadd.s32 $0x12600, s6;
	s17 =	smul.u32 $0x4F0, s1;
	_ =	strace $0x8000004D  }
0xb: {  	s30 =	ssub.s32 $0x2, s19;
	p1 =	sne.s32 s19, $0x0;
	s19 =	simm.s32 $0x2710  }
0xc: {  	s9 =	sadd.s32 s7, s6;
	s11 =	sadd.s32 $0x10, s8;
	s31 =	sshrl.u32 s30, $0x1  }
0xd: {  	s6 =	simm.s32 $0x4F;
	s13 =	sshrl.u32 s13, $0x2;
	s7 =	smov.u32 s11  }
0xe: {  	s16 =	ssub.s32 s30, s31;
	s6 =	simm.s32 @!p0 $0x4E;
	s8 =	sadd.s32 $0x8600, s9  }
.Ltmp0:
0xf: {  	s9 =	sadd.s32 $0x3600, s9;
	s14 =	sshll.u32 s11, $0x1;
	(pc) =	sbr.rel .LBB2_1-.Ltmp0, $4  }
0x10: {  	s11 =	sshll.u32 s11, $0x4;
	s13 =	sadd.s32 s13, s3;
	s7 =	smov.u32 @p0 s10  }
0x11: {  	s10 =	sadd.s32 s12, s14;
	s11 =	sadd.s32 s11, s3;
	s12 =	sadd.s32 s12, s17  }
0x12: {  	s14 =	sadd.s32 s15, s14;
	s15 =	sadd.s32 s15, s17;
	s7 =	sshll.u32 s7, $0x4  }
0x13: {  	v0 =	vimm.f32 $0.0e+00;
	s16 =	smax.u32 s16, $0x1;
	s17 =	simm.s32 $0x5320;
	s7 =	sadd.s32 s7, s3  }
.LBB2_10:
0x14: {  	s4 =	sadd.s32 $0x1, s4  }
0x15: {  	p2 =	sne.s32 s4, s16  }
.Ltmp1:
0x16: {  	_ = 	snop;
	(pc) =	sbr.rel @!p2 .LBB2_11-.Ltmp1, $1  }
0x17: {  	_ =	sdelay $0x3  }
.LBB2_1:
0x18: {  	[tilespmem:$0x5320] =	vst v0  }
0x19: {  	[tilespmem:$0x5330] =	vst v0  }
0x1a: {  	[tilespmem:$0x5340] =	vst v0  }
0x1b: {  	[tilespmem:$0x5350] =	vst v0  }
0x1c: {  	[tilespmem:$0x5360] =	vst v0  }
0x1d: {  	[tilespmem:$0x5370] =	vst v0;
	p2 =	sne.s32 s6, $0x1  }
.Ltmp2:
0x1e: {  	[tilespmem:$0x5380] =	vst v0;
	(pc) =	sbr.rel @!p2 .LBB2_3-.Ltmp2, $4  }
0x1f: {  	[tilespmem:$0x5390] =	vst v0  }
0x20: {  	[spmem:s7] =	stream.linear.scatter [tilespmem:s17], [sflag:$0x2], $0x80, $0x38;
	[tilespmem:$0x7AB0] =	vst v63  }
0x21: {  	_ =	swait.ge [sflag:s18], $0x80  }
0x22: {  	s23 =	sadd.s32 $0xFFFFFFFF, s6;
	s24 =	smov.u32 s7;
	[sflag:s18] =	ssyncset.done $0x0  }
.LBB2_2:
0x23: {  	p2 =	sne.s32 s23, $0x1;
	[sflag:s18] =	ssyncadd.s32 $0xFFFFFF80;
	s24 =	sadd.s32 $0x80, s24  }
.Ltmp3:
0x24: {  	s23 =	sadd.s32 $0xFFFFFFFF, s23;
	(pc) =	sbr.rel @p2 .LBB2_2-.Ltmp3, $4  }
0x25: {  	_ = 	snop  }
0x26: {  	[spmem:s24] =	stream.linear.scatter [tilespmem:s17], [sflag:$0x2], $0x80, $0x38;
	[tilespmem:$0x7AB0] =	vst v63  }
0x27: {  	_ =	swait.ge [sflag:s18], $0x80  }
0x28: {  	[sflag:s18] =	ssyncset.done $0x0  }
.LBB2_3:
0x29: {  	[sflag:s18] =	ssyncadd.s32 $0xFFFFFF80;
	s23 =	simm.s32 $0x0  }
0x2a: {  	[tilespmem:s23], [sflag:$0x2] =	stream.linear.gather [hbm4b:s8+s23], $0x2710, $0x38;
	[tilespmem:$0x7AB0] =	vst v63  }
0x2b: {  	_ =	swait.ge [sflag:s18], $0x2710  }
0x2c: {  	[sflag:s18] =	ssyncset.done $0x0  }
0x2d: {  	[sflag:s18] =	ssyncadd.s32 $0xFFFFD8F0  }
0x2e: {  	[tilespmem:s19], [sflag:$0x2] =	stream.linear.gather [hbm4b:s9+s23], $0x2710, $0x38;
	[tilespmem:$0x7AB0] =	vst v63  }
.Ltmp4:
0x2f: {  	_ =	swait.ge [sflag:s18], $0x2710;
	(pc) =	sbr.rel @p1 .LBB2_7-.Ltmp4, $4  }
0x30: {  	[sflag:s18] =	ssyncset.done $0x0  }
0x31: {  	s24 =	sshll.u32 @p0 s1, $0x6;
	s25 =	sshrl.u32 @p0 s13, $0x3;
	[sflag:s18] =	ssyncadd.s32 $0xFFFFD8F0  }
0x32: {  	s28 =	sshll.u32 @!p0 s1, $0x6;
	s26 =	sor.u32 @p0 $0x1C02, s24;
	[bflag:$0x0] =	sbarrier.arrive $0xFFFF  }
0x33: {  	s24 =	sor.u32 @!p0 $0x1C02, s28;
	s28 =	simm.s32 $0x0;
	s23 =	sshrl.u32 @!p0 s11, $0x3  }
0x34: {  	[tilespmem:s21], [sflag:$0x1] =	stream.indirect.gather [hbm4b:s2+s20], $0x10, s28, s20, $0xb8;
	[tilespmem:$0x7AB0] =	vst v63  }
0x35: {  	_ =	swait.ge [sflag:s22], $0x500  }
0x36: {  	[sflag:s22] =	ssyncset.done $0x0  }
0x37: {  	s28 =	simm.s32 $0x2710;
	[sflag:s22] =	ssyncadd.s32 $0xFFFFFB00  }
0x38: {  	[spmem:s3] =	stream.indirect.scatter.add.f32 [tilespmem:s21], [sflag:$0x2], $0x10, s28, s20, $0xb8;
	[tilespmem:$0x7AB0] =	vst v63  }
0x39: {  	_ =	swait.ge [sflag:s18], $0x500  }
0x3a: {  	s29 =	simm.s32 $0x280;
	s28 =	simm.s32 $0x140;
	[sflag:s18] =	ssyncset.done $0x0  }
.LBB2_5:
0x3b: {  	s30 =	sshra.s32 s28, $0x2  }
0x3c: {  	[sflag:s18] =	ssyncadd.s32 $0xFFFFFB00;
	s28 =	smov.u32 s29;
	s31 =	sadd.s32 $0x140, s29  }
0x3d: {  	[tilespmem:s21], [sflag:$0x1] =	stream.indirect.gather [hbm4b:s2+s20], $0x10, s30, s20, $0xb8;
	[tilespmem:$0x7AB0] =	vst v63  }
0x3e: {  	p2 =	sne.s32 s29, $0x9B00;
	_ =	swait.ge [sflag:s22], $0x500  }
.Ltmp5:
0x3f: {  	[sflag:s22] =	ssyncset.done $0x0;
	(pc) =	sbr.rel @p2 .LBB2_5-.Ltmp5, $4  }
0x40: {  	s29 =	sadd.s32 $0x2710, s30;
	[sflag:s22] =	ssyncadd.s32 $0xFFFFFB00  }
0x41: {  	[spmem:s3] =	stream.indirect.scatter.add.f32 [tilespmem:s21], [sflag:$0x2], $0x10, s29, s20, $0xb8;
	[tilespmem:$0x7AB0] =	vst v63  }
0x42: {  	_ =	swait.ge [sflag:s18], $0x500  }
0x43: {  	s29 =	smov.u32 s31;
	[sflag:s18] =	ssyncset.done $0x0  }
0x44: {  	s28 =	sshra.s32 s28, $0x2;
	[sflag:s18] =	ssyncadd.s32 $0xFFFFFB00  }
0x45: {  	[tilespmem:s21], [sflag:$0x1] =	stream.indirect.gather [hbm4b:s2+s20], $0x10, s28, s20, $0xb8;
	[tilespmem:$0x7AB0] =	vst v63  }
0x46: {  	_ =	swait.ge [sflag:s22], $0x500  }
0x47: {  	[sflag:s22] =	ssyncset.done $0x0  }
0x48: {  	s28 =	sadd.s32 $0x2710, s28;
	[sflag:s22] =	ssyncadd.s32 $0xFFFFFB00  }
0x49: {  	[spmem:s3] =	stream.indirect.scatter.add.f32 [tilespmem:s21], [sflag:$0x2], $0x10, s28, s20, $0xb8;
	[tilespmem:$0x7AB0] =	vst v63  }
0x4a: {  	_ =	swait.ge [sflag:s18], $0x500  }
0x4b: {  	[sflag:s18] =	ssyncset.done $0x0  }
0x4c: {  	[sflag:s18] =	ssyncadd.s32 $0xFFFFFB00  }
0x4d: {  	[bflag:$0x0] =	sbarrier.arrive $0xFFFF  }
0x4e: {  	[hbm:s15], [sflag:s26] =	dma.local @p0 [spmem:s25], $0x4F0  }
0x4f: {  	s25 =	simm.s32 @p0 $0x2  }
0x50: {  	_ =	swait.ge @p0 [sflag:s25], $0x4F0  }
0x51: {  	[sflag:s25] =	ssyncset.done @p0 $0x0  }
0x52: {  	[sflag:s25] =	ssyncadd.s32 @p0 $0xFFFFFB10  }
0x53: {  	[hbm:s14], [sflag:s24] =	dma.local @!p0 [spmem:s23], $0x4E0  }
.Ltmp6:
0x54: {  	_ = 	snop;
	(pc) =	sbr.rel .LBB2_10-.Ltmp6, $4  }
0x55: {  	s23 =	simm.s32 @!p0 $0x2  }
0x56: {  	_ =	swait.ge @!p0 [sflag:s23], $0x4E0  }
0x57: {  	[sflag:s23] =	ssyncset.done @!p0 $0x0  }
0x58: {  	[sflag:s23] =	ssyncadd.s32 @!p0 $0xFFFFFB20  }
.LBB2_7:
0x59: {  	[tilespmem:s21], [sflag:$0x1] =	stream.indirect.gather [hbm4b:s5+s20], $0x10, s28, s20, $0xb8;
	[tilespmem:$0x7AB0] =	vst v63  }
0x5a: {  	_ =	swait.ge [sflag:s22], $0x500  }
0x5b: {  	[sflag:s22] =	ssyncset.done $0x0  }
0x5c: {  	s28 =	simm.s32 $0x2710;
	[sflag:s22] =	ssyncadd.s32 $0xFFFFFB00  }
0x5d: {  	[spmem:s3] =	stream.indirect.scatter.add.f32 [tilespmem:s21], [sflag:$0x2], $0x10, s28, s20, $0xb8;
	[tilespmem:$0x7AB0] =	vst v63  }
0x5e: {  	_ =	swait.ge [sflag:s18], $0x500  }
0x5f: {  	s29 =	simm.s32 $0x280;
	s28 =	simm.s32 $0x140;
	[sflag:s18] =	ssyncset.done $0x0  }
.LBB2_8:
0x60: {  	s30 =	sshra.s32 s28, $0x2  }
0x61: {  	[sflag:s18] =	ssyncadd.s32 $0xFFFFFB00;
	s28 =	smov.u32 s29;
	s31 =	sadd.s32 $0x140, s29  }
0x62: {  	[tilespmem:s21], [sflag:$0x1] =	stream.indirect.gather [hbm4b:s5+s20], $0x10, s30, s20, $0xb8;
	[tilespmem:$0x7AB0] =	vst v63  }
0x63: {  	p2 =	sne.s32 s29, $0x9B00;
	_ =	swait.ge [sflag:s22], $0x500  }
.Ltmp7:
0x64: {  	[sflag:s22] =	ssyncset.done $0x0;
	(pc) =	sbr.rel @p2 .LBB2_8-.Ltmp7, $4  }
0x65: {  	s29 =	sadd.s32 $0x2710, s30;
	[sflag:s22] =	ssyncadd.s32 $0xFFFFFB00  }
0x66: {  	[spmem:s3] =	stream.indirect.scatter.add.f32 [tilespmem:s21], [sflag:$0x2], $0x10, s29, s20, $0xb8;
	[tilespmem:$0x7AB0] =	vst v63  }
0x67: {  	_ =	swait.ge [sflag:s18], $0x500  }
0x68: {  	s29 =	smov.u32 s31;
	[sflag:s18] =	ssyncset.done $0x0  }
0x69: {  	s28 =	sshra.s32 s28, $0x2;
	[sflag:s18] =	ssyncadd.s32 $0xFFFFFB00  }
0x6a: {  	[tilespmem:s21], [sflag:$0x1] =	stream.indirect.gather [hbm4b:s5+s20], $0x10, s28, s20, $0xb8;
	[tilespmem:$0x7AB0] =	vst v63  }
0x6b: {  	_ =	swait.ge [sflag:s22], $0x500  }
0x6c: {  	[sflag:s22] =	ssyncset.done $0x0  }
0x6d: {  	s28 =	sadd.s32 $0x2710, s28;
	[sflag:s22] =	ssyncadd.s32 $0xFFFFFB00  }
0x6e: {  	[spmem:s3] =	stream.indirect.scatter.add.f32 [tilespmem:s21], [sflag:$0x2], $0x10, s28, s20, $0xb8;
	[tilespmem:$0x7AB0] =	vst v63  }
0x6f: {  	_ =	swait.ge [sflag:s18], $0x500  }
0x70: {  	[sflag:s18] =	ssyncset.done $0x0  }
0x71: {  	[sflag:s18] =	ssyncadd.s32 $0xFFFFFB00  }
0x72: {  	[bflag:$0x0] =	sbarrier.arrive $0xFFFF  }
0x73: {  	[hbm:s12], [sflag:s26] =	dma.local @p0 [spmem:s25], $0x4F0  }
0x74: {  	s25 =	simm.s32 @p0 $0x2  }
0x75: {  	_ =	swait.ge @p0 [sflag:s25], $0x4F0  }
0x76: {  	[sflag:s25] =	ssyncset.done @p0 $0x0  }
0x77: {  	[sflag:s25] =	ssyncadd.s32 @p0 $0xFFFFFB10  }
0x78: {  	[hbm:s10], [sflag:s24] =	dma.local @!p0 [spmem:s23], $0x4E0  }
.Ltmp8:
0x79: {  	_ = 	snop;
	(pc) =	sbr.rel .LBB2_10-.Ltmp8, $4  }
0x7a: {  	s23 =	simm.s32 @!p0 $0x2  }
0x7b: {  	_ =	swait.ge @!p0 [sflag:s23], $0x4E0  }
0x7c: {  	[sflag:s23] =	ssyncset.done @!p0 $0x0  }
0x7d: {  	[sflag:s23] =	ssyncadd.s32 @!p0 $0xFFFFFB20  }
.LBB2_11:
0x7e: {  	_ =	sfence.sel $0x180000  }
0x7f: {  	[bflag:$0x0] =	sbarrier.arrive $0xFFFF  }
0x80: {  	p0 =	sne.s32 s1, $0x0;
	_ =	strace $0x9000004D  }
0x81: {  	s0 =	sadd.s32 @!p0 $0x100000, s0;
	[bflag:$0x2] =	sbarrier.arrive $0xFFFF  }
0x82: {  	[sflag:s0] =	ssyncadd.tile.s32 @!p0 $0x1;
	_ =	shalt  }
.Lfunc_end2:
_tile_overlayer_lowered:
.L_overlay_start_2:
0x83: {  	(tag) =	ssettag $0x2  }
0x84: {  	s0 =	rddreg [dreg:$0x0];
	s2 =	stileid.u32  }
0x85: {  	s1 =	rddreg [dreg:$0x1];
	p0 =	sne.s32 s2, $0x0  }
0x86: {  	s3 =	rddreg [dreg:$0x2];
	[bflag:$0x3] =	sbarrier.arrive $0xFFFF;
	s2 =	simm.s32 @!p0 $0x1C02  }
0x87: {  	[timem:s3], [sflag:s2] =	dma.local @!p0 [hbm:s0], s1  }
0x88: {  	s0 =	simm.s32 @!p0 $0x2  }
0x89: {  	_ =	swait.ge @!p0 [sflag:s0], s1  }
0x8a: {  	s1 =	ssub.s32 @!p0 $0x0, s1;
	[sflag:s0] =	ssyncset.done @!p0 $0x0  }
0x8b: {  	[sflag:s0] =	ssyncadd.s32 @!p0 s1  }
0x8c: {  	[bflag:$0x3] =	sbarrier.arrive $0xFFFF  }
0x8d: {  	_ =	shalt  }

// kernel: kernel.9.cloned.1.call-start
scs
__scs_entry_jumppad:
0x0: {  	(pc) =	sbr.rel $0x88, $3  }
0x1: {  	(tag) =	ssettag $0x0;
	lr =	simm.s32 $0x1  }
0x2: {  	[smem:$0x3F99] =	sst lr;
	_ =	strace $0xD0000000  }
0x3: {  	_ = 	snop  }
0x4: {  	_ = 	snop  }
0x5: {  	_ = 	snop  }
0x6: {  	_ = 	snop  }
0x7: {  	_ = 	snop  }
__scs_overlays_trampoline_lowered:
0x8: {  	[smem:$0x3FA8] =	sst s0  }
0x9: {  	[smem:$0x3FA9] =	sst s1  }
0xa: {  	[smem:$0x3FAA] =	sst s2  }
0xb: {  	[smem:$0x3FAB] =	sst s3  }
0xc: {  	[smem:$0x3FAC] =	sst s4  }
0xd: {  	[smem:$0x3FAD] =	sst s5  }
0xe: {  	[smem:$0x3FAE] =	sst s6  }
0xf: {  	[smem:$0x3FAF] =	sst s7  }
0x10: {  	[smem:$0x3FB0] =	sst s8  }
0x11: {  	[smem:$0x3FB1] =	sst s9;
	s0 =	simm.s32 @!p0 $0x0  }
0x12: {  	s1 =	sld [smem:$0x3F97];
	s0 =	simm.s32 @p0 $0x1  }
0x13: {  	[smem:$0x3FB2] =	sst s0;
	s0 =	simm.s32 @!p1 $0x0  }
0x14: {  	s2 =	sld [smem:$0x3F96];
	s0 =	simm.s32 @p1 $0x1  }
0x15: {  	[smem:$0x3FB3] =	sst s0;
	s0 =	simm.s32 @!p2 $0x0  }
0x16: {  	s3 =	sld [smem:$0x3FDB];
	s0 =	simm.s32 @p2 $0x1  }
0x17: {  	s4 =	simm.s32 $0x1BF5;
	[smem:$0x3FB5] =	sst s0  }
0x18: {  	s0 =	sld [smem:$0x3F98];
	_ =	swait.ge [sflag:s4], $0x0  }
0x19: {  	s7 =	sld [smem:$0x3F99]  }
0x1a: {  	s8 =	sadd.s32 $0xFFFFE003, lr  }
0x1b: {  	s9 =	sadd.s32 $0xFFFFFEF7, lr;
	s5 =	simm.s32 $0xFFFFFFFF;
	p2 =	slt.u32 s8, $0xFFFFF086  }
0x1c: {  	p1 =	slt.u32 s9, $0xF7A;
	s5 =	simm.s32 @!p2 $0x0  }
0x1d: {  	s5 =	simm.s32 @p1 $0x1;
	p0 =	seq.s32 s7, s2  }
0x1e: {  	s7 =	smul.u32 @!p0 $0xF7A, s2;
	p2 =	seq.s32 @!p0 s5, $0x0  }
0x1f: {  	s9 =	smul.u32 $0xF7A, s1;
	s8 =	simm.s32 @!p0 $0x1BF5;
	p2 =	por !p2, p0  }
0x20: {  	[sflag:s8] =	ssyncset.s32 @!p0 $0xFFFFF086;
	s6 =	sadd.s32 @!p0 s3, s7;
	s7 =	simm.s32 @!p0 $0x108  }
0x21: {  	s3 =	sadd.s32 s3, s9;
	s6 =	sadd.s32 @!p0 $0x88, s6;
	s7 =	simm.s32 @p2 $0x1082  }
0x22: {  	[simem:s7], [sflag:s8] =	dma.local @!p0 [hbm:s6], $0xF7A  }
0x23: {  	s9 =	sor.u32 $0xD0000000, s2;
	s6 =	simm.s32 $0x108;
	_ =	swait.ge @!p0 [sflag:s8], $0x0  }
0x24: {  	s3 =	sadd.s32 $0x88, s3;
	s6 =	simm.s32 @!p1 $0x1082;
	[sflag:s4] =	ssyncset.s32 $0xFFFFF086  }
0x25: {  	[simem:s6], [sflag:s4] =	dma.local [hbm:s3], $0xF7A  }
0x26: {  	[smem:$0x3F99] =	sst s1;
	(tag) =	ssettag s2;
	_ =	strace s9  }
0x27: {  	s1 =	sld [smem:$0x3FA9]  }
0x28: {  	s2 =	sld [smem:$0x3FAA]  }
0x29: {  	s4 =	sld [smem:$0x3FAC]  }
0x2a: {  	p0 =	seq.s32 s5, $0x0;
	s5 =	sld [smem:$0x3FAD]  }
0x2b: {  	s6 =	sld [smem:$0x3FAE]  }
0x2c: {  	s7 =	sld [smem:$0x3FAF]  }
0x2d: {  	s3 =	simm.s32 $0x108;
	s8 =	sld [smem:$0x3FB0]  }
0x2e: {  	s3 =	simm.s32 @!p0 $0x1082;
	s9 =	sld [smem:$0x3FB1]  }
0x2f: {  	lr =	sadd.s32 s0, s3;
	s0 =	sld [smem:$0x3FA8]  }
0x30: {  	s3 =	sld [smem:$0x3FAB]  }
0x31: {  	[smem:$0x3FB4] =	sst s10  }
0x32: {  	s10 =	sld [smem:$0x3FB2];
	_ =	sdelay $0x3  }
0x33: {  	p0 =	seq.s32 s10, $0x1;
	s10 =	sld [smem:$0x3FB4];
	_ =	sdelay $0x3  }
0x34: {  	[smem:$0x3FB4] =	sst s10  }
0x35: {  	s10 =	sld [smem:$0x3FB3];
	_ =	sdelay $0x3  }
0x36: {  	p1 =	seq.s32 s10, $0x1;
	s10 =	sld [smem:$0x3FB4];
	_ =	sdelay $0x3  }
0x37: {  	[smem:$0x3FB4] =	sst s10  }
0x38: {  	s10 =	sld [smem:$0x3FB5]  }
0x39: {  	_ = 	snop;
	(pc) =	sbr.ind lr, $3  }
0x3a: {  	_ = 	snop  }
0x3b: {  	_ = 	snop  }
0x3c: {  	p2 =	seq.s32 s10, $0x1;
	s10 =	sld [smem:$0x3FB4]  }
0x3d: {  	_ =	shalt  }
0x3e: {  	_ =	shalt  }
0x3f: {  	_ =	shalt  }
0x40: {  	_ =	shalt  }
0x41: {  	_ =	shalt  }
0x42: {  	_ =	shalt  }
0x43: {  	_ =	shalt  }
0x44: {  	_ =	shalt  }
0x45: {  	_ =	shalt  }
0x46: {  	_ =	shalt  }
0x47: {  	_ =	shalt  }
0x48: {  	_ =	shalt  }
0x49: {  	_ =	shalt  }
0x4a: {  	_ =	shalt  }
0x4b: {  	_ =	shalt  }
0x4c: {  	_ =	shalt  }
0x4d: {  	_ =	shalt  }
0x4e: {  	_ =	shalt  }
0x4f: {  	_ =	shalt  }
0x50: {  	_ =	shalt  }
0x51: {  	_ =	shalt  }
0x52: {  	_ =	shalt  }
0x53: {  	_ =	shalt  }
0x54: {  	_ =	shalt  }
0x55: {  	_ =	shalt  }
0x56: {  	_ =	shalt  }
0x57: {  	_ =	shalt  }
0x58: {  	_ =	shalt  }
0x59: {  	_ =	shalt  }
0x5a: {  	_ =	shalt  }
0x5b: {  	_ =	shalt  }
0x5c: {  	_ =	shalt  }
0x5d: {  	_ =	shalt  }
0x5e: {  	_ =	shalt  }
0x5f: {  	_ =	shalt  }
0x60: {  	_ =	shalt  }
0x61: {  	_ =	shalt  }
0x62: {  	_ =	shalt  }
0x63: {  	_ =	shalt  }
0x64: {  	_ =	shalt  }
0x65: {  	_ =	shalt  }
0x66: {  	_ =	shalt  }
0x67: {  	_ =	shalt  }
0x68: {  	_ =	shalt  }
0x69: {  	_ =	shalt  }
0x6a: {  	_ =	shalt  }
0x6b: {  	_ =	shalt  }
0x6c: {  	_ =	shalt  }
0x6d: {  	_ =	shalt  }
0x6e: {  	_ =	shalt  }
0x6f: {  	_ =	shalt  }
0x70: {  	_ =	shalt  }
0x71: {  	_ =	shalt  }
0x72: {  	_ =	shalt  }
0x73: {  	_ =	shalt  }
0x74: {  	_ =	shalt  }
0x75: {  	_ =	shalt  }
0x76: {  	_ =	shalt  }
0x77: {  	_ =	shalt  }
0x78: {  	_ =	shalt  }
0x79: {  	_ =	shalt  }
0x7a: {  	_ =	shalt  }
0x7b: {  	_ =	shalt  }
0x7c: {  	_ =	shalt  }
0x7d: {  	_ =	shalt  }
0x7e: {  	_ =	shalt  }
0x7f: {  	_ =	shalt  }
0x80: {  	_ =	shalt  }
0x81: {  	_ =	shalt  }
0x82: {  	_ =	shalt  }
0x83: {  	_ =	shalt  }
0x84: {  	_ =	shalt  }
0x85: {  	_ =	shalt  }
0x86: {  	_ =	shalt  }
0x87: {  	_ =	shalt  }
.Lfunc_end0:
.L_simem_size_0:
called_computation_lowered:
.L_overlay_start_0:
0x88: {  	s2 =	sld [smem:$0x3FD9]  }
0x89: {  	s3 =	sld [smem:$0x3FFE];
	_ =	sdelay $0x1  }
0x8a: {  	s1 =	srdreg.scid  }
0x8b: {  	s0 =	sand.u32 $0x1, s1  }
0x8c: {  	s17 =	sshll.u32 s0, $0xA;
	s2 =	sadd.s32 s3, s2  }
0x8d: {  	s2 =	sadd.s32 s2, s17  }
0x8e: {  	[smem:$0x3FC0] =	sst s2  }
0x8f: {  	_ = 	snop  }
0x90: {  	s2 =	sld [smem:$0x3FD0];
	(tm) =	ssettm $0x1  }
0x91: {  	s18 =	sld [smem:$0x3FFB];
	_ =	sdelay $0x3  }
0x92: {  	_ =	strace s18  }
0x93: {  	s3 =	sld [smem:$0x3FFC];
	_ =	sdelay $0x3  }
0x94: {  	_ =	strace s3  }
0x95: {  	s3 =	sld [smem:$0x3FFD];
	_ =	sdelay $0x3  }
0x96: {  	_ =	strace s3  }
0x97: {  	_ =	strace $0x8FFFFFFF  }
0x98: {  	s19 =	sld [smem:$0x3FDB];
	_ =	sdelay $0x1  }
0x99: {  	s4 =	simm.s32 $_scs_section_size  }
0x9a: {  	s5 =	simm.s32 $_size__tile_overlayer_lowered;
	s6 =	simm.s32 $_tile_overlayer_lowered  }
0x9b: {  	s22 =	simm.s32 $0x1BFF;
	s21 =	sshll.u32 s6, $0x1;
	s3 =	sadd.s32 s4, s19  }
0x9c: {  	s7 =	simm.s32 $0x0;
	s20 =	sshll.u32 s5, $0x1;
	s5 =	sadd.s32 s21, s3  }
0x9d: {  	[timem:s7], [sflag:s22] =	dma.local [hbm:s5], s20  }
0x9e: {  	_ =	swait.ge [sflag:s22], s20  }
0x9f: {  	s4 =	ssub.s32 $0x0, s20;
	[sflag:s22] =	ssyncset.done $0x0  }
0xa0: {  	[sflag:s22] =	ssyncadd.s32 s4;
	_ =	sdelay $0x1  }
0xa1: {  	s23 =	simm.s32 $0x1B8B  }
0xa2: {  	_ =	swait.ge [sflag:s23], $0x1  }
0xa3: {  	[sflag:s23] =	ssyncset.done $0x0  }
0xa4: {  	s25 =	simm.s32 $0x1B8E;
	s24 =	sld [smem:$0x3FFE];
	[sflag:s23] =	ssyncadd.s32 $0xFFFFFFFF  }
0xa5: {  	s26 =	simm.s32 $execute0_lowered;
	[smem:$0x3FD2] =	sst s25  }
0xa6: {  	s5 =	sshll.u32 s26, $0x1;
	_ =	strace $0x80000046;
	[dreg:$0x1] =	wrdreg $0xFFFFFFFF  }
0xa7: {  	s28 =	simm.s32 $_size_execute0_lowered;
	s3 =	sadd.s32 s3, s5;
	[dreg:$0x0] =	wrdreg $0x0  }
0xa8: {  	s5 =	sshll.u32 s28, $0x1;
	[dreg:$0x2] =	wrdreg s3  }
0xa9: {  	[dreg:$0x3] =	wrdreg s5  }
0xaa: {  	[dreg:$0x4] =	wrdreg $0xC0  }
0xab: {  	_ =	task [dreg:s7], $0x5FFFF  }
0xac: {  	[dreg:$0x1] =	wrdreg $0xFFFFFFFF  }
0xad: {  	[dreg:$0x0] =	wrdreg $0x60  }
0xae: {  	[dreg:$0x2] =	wrdreg s24  }
0xaf: {  	[dreg:$0x3] =	wrdreg s2  }
0xb0: {  	[dreg:$0x4] =	wrdreg $0x7A200  }
0xb1: {  	[dreg:$0x5] =	wrdreg $0x1BAC00  }
0xb2: {  	[dreg:$0x6] =	wrdreg $0x9  }
0xb3: {  	_ =	task.clear_ibuf [dreg:s7], $0x7FFFF;
	_ =	strace $0x90000046  }
0xb4: {  	s29 =	simm.s32 $0x9;
	_ =	strace $0x80000048  }
0xb5: {  	_ =	swait.ge [sflag:s29], $0x1  }
0xb6: {  	[sflag:s29] =	ssyncadd.s32 $0xFFFFFFFF  }
0xb7: {  	_ =	strace $0x90000048  }
0xb8: {  	_ =	sfence  }
0xb9: {  	s30 =	sld [smem:$0x0];
	_ =	sdelay $0x2  }
0xba: {  	s31 =	sshll.u32 s1, $0xD;
	s1 =	sshrl.u32 s1, $0x2  }
0xbb: {  	s3 =	sand.u32 $0x4000, s31;
	s1 =	sadd.s32 s1, s30  }
0xbc: {  	s0 =	sor.u32 s3, s0;
	s1 =	sshll.u32 s1, $0x11  }
0xbd: {  	s0 =	sor.u32 s1, s0  }
0xbe: {  	s0 =	sadd.s32 $0x8F2B, s0  }
0xbf: {  	[sflag:s0] =	ssyncadd.remote.s32 $0x1  }
0xc0: {  	_ =	sfence.sel $0xFFFF  }
0xc1: {  	[dreg:$0x0] =	wrdreg $0xFFFFFFFF;
	(pc) =	sbr.abs _section_cstart, $3  }
0xc2: {  	[dreg:$0x1] =	wrdreg $0xFFFFFFFF  }
0xc3: {  	_ =	task.clear_ibuf [dreg:s7], $0x2FFFF;
	_ =	strace $0x9FFFFFFF  }
0xc4: {  	(tm) =	ssettm $0x7FFFFFFF  }
0xc5: {  	_ =	shalt  }
tec
execute0_lowered:
.L_overlay_start_1:
0x0: {  	(tag) =	ssettag $0x1  }
0x1: {  	s0 =	rddreg [dreg:$0x0]  }
0x2: {  	s3 =	rddreg [dreg:$0x2]  }
0x3: {  	s4 =	rddreg [dreg:$0x3];
	s5 =	simm.s32 $0x0  }
0x4: {  	s2 =	stileid.u32;
	s9 =	srdreg.scid;
	s28 =	simm.s32 $0x50  }
0x5: {  	s29 =	simm.s32 $0x4E20;
	s30 =	simm.s32 $0x1;
	s1 =	smul.u32 $0x4E2, s2  }
0x6: {  	s31 =	simm.s32 $0x1B2A0;
	[smem:$0x7FF] =	sst s5;
	s8 =	smul.u32 $0x270, s2  }
0x7: {  	s6 =	sadd.s32 $0xD600, s0;
	s12 =	sand.u32 $0x1, s9;
	s9 =	smul.u32 $0x278, s2  }
0x8: {  	s7 =	sadd.s32 $0x34800, s0;
	s14 =	sadd.s32 $0x5BA00, s0;
	s21 =	smul.u32 $0x4F000, s2  }
0x9: {  	p0 =	slt.u32 s2, $0x2;
	s17 =	smul.u32 $0x2780, s2;
	s23 =	sadd.s32 $0x7D0, s4  }
0xa: {  	s24 =	sadd.s32 $0xFA0, s4;
	_ =	strace $0x80000047;
	[dreg:$0x8] =	wrdreg s23  }
0xb: {  	s25 =	sadd.s32 $0x1770, s4;
	s26 =	sadd.s32 $0x1F40, s4;
	[dreg:$0x9] =	wrdreg s24  }
0xc: {  	p3 =	sgt.u32 s2, $0x1;
	s20 =	ssub.s32 $0x2, s12;
	[dreg:$0xa] =	wrdreg s25  }
0xd: {  	s19 =	sor.u32 s2, s12;
	[dreg:$0xb] =	wrdreg s26;
	s23 =	simm.s32 $0x7620  }
0xe: {  	s24 =	simm.s32 $0x2;
	s25 =	simm.s32 $0x1B2F0;
	s26 =	simm.s32 $0x2710  }
0xf: {  	s1 =	sadd.s32 s1, s0;
	s13 =	sadd.s32 $0x10, s8;
	s0 =	sadd.s32 $0x82C00, s0  }
0x10: {  	s11 =	sshrl.u32 s20, $0x1;
	s8 =	simm.s32 $0x4F;
	p1 =	seq.s32 s19, $0x0  }
0x11: {  	p2 =	sne.s32 s19, $0x0;
	s10 =	smov.u32 s13;
	s18 =	ssub.s32 s20, s11  }
0x12: {  	s8 =	simm.s32 @!p0 $0x4E;
	s11 =	sadd.s32 $0x3600, s1;
	s16 =	sshll.u32 s13, $0x4  }
0x13: {  	s13 =	sshll.u32 s13, $0x7;
	s10 =	smov.u32 @p0 s9;
	s15 =	sadd.s32 s14, s16  }
.Ltmp0:
0x14: {  	s13 =	sadd.s32 s13, s3;
	s14 =	sadd.s32 s14, s17;
	(pc) =	sbr.rel .LBB2_1-.Ltmp0, $4  }
0x15: {  	s22 =	sadd.s32 s0, s16;
	s17 =	sadd.s32 s0, s17;
	s18 =	smax.u32 s18, $0x1  }
0x16: {  	p0 =	sne.s32 s12, $0x0;
	s9 =	sshll.u32 s10, $0x7;
	[dreg:$0x5] =	wrdreg s15  }
0x17: {  	s10 =	sadd.s32 $0x8600, s1;
	s1 =	sshrl.u32 s21, $0x2;
	[dreg:$0x6] =	wrdreg s14  }
0x18: {  	v0 =	vimm.f32 $0.0e+00;
	[dreg:$0x7] =	wrdreg s22;
	s9 =	sadd.s32 s9, s3;
	s15 =	sadd.s32 s1, s3  }
.LBB2_16:
0x19: {  	s0 =	sshll.u32 @!p2 s2, $0x6;
	s1 =	sshrl.u32 @!p2 s4, $0x3;
	s5 =	sadd.s32 $0x1, s5  }
0x1a: {  	s12 =	rddreg [dreg:$0x1];
	s0 =	sor.u32 @!p2 $0x1C02, s0;
	p4 =	sne.s32 s5, s18  }
0x1b: {  	[hbm:s12], [sflag:s0] =	dma.local @!p2 [spmem:s1], $0x4E2  }
.Ltmp1:
0x1c: {  	_ = 	snop;
	(pc) =	sbr.rel @!p4 .LBB2_17-.Ltmp1, $4  }
0x1d: {  	s0 =	simm.s32 @!p2 $0x2  }
0x1e: {  	_ =	swait.ge @!p2 [sflag:s0], $0x4E2  }
0x1f: {  	[sflag:s0] =	ssyncset.done @!p2 $0x0  }
0x20: {  	[sflag:s0] =	ssyncadd.s32 @!p2 $0xFFFFFB1E  }
.LBB2_1:
0x21: {  	[tilespmem:$0x7620] =	vst v0  }
0x22: {  	[tilespmem:$0x7630] =	vst v0  }
0x23: {  	[tilespmem:$0x7640] =	vst v0  }
0x24: {  	[tilespmem:$0x7650] =	vst v0  }
0x25: {  	[tilespmem:$0x7660] =	vst v0  }
0x26: {  	[tilespmem:$0x7670] =	vst v0  }
0x27: {  	[tilespmem:$0x7680] =	vst v0  }
0x28: {  	[tilespmem:$0x7690] =	vst v0  }
0x29: {  	[tilespmem:$0x76A0] =	vst v0  }
0x2a: {  	[tilespmem:$0x76B0] =	vst v0  }
0x2b: {  	[tilespmem:$0x76C0] =	vst v0  }
0x2c: {  	[tilespmem:$0x76D0] =	vst v0  }
0x2d: {  	[tilespmem:$0x76E0] =	vst v0  }
0x2e: {  	[tilespmem:$0x76F0] =	vst v0  }
0x2f: {  	[tilespmem:$0x7700] =	vst v0  }
0x30: {  	[tilespmem:$0x7710] =	vst v0  }
0x31: {  	[tilespmem:$0x7720] =	vst v0  }
0x32: {  	[tilespmem:$0x7730] =	vst v0  }
0x33: {  	[tilespmem:$0x7740] =	vst v0  }
0x34: {  	[tilespmem:$0x7750] =	vst v0  }
0x35: {  	[tilespmem:$0x7760] =	vst v0  }
0x36: {  	[tilespmem:$0x7770] =	vst v0  }
0x37: {  	[tilespmem:$0x7780] =	vst v0  }
0x38: {  	[tilespmem:$0x7790] =	vst v0  }
0x39: {  	[tilespmem:$0x77A0] =	vst v0  }
0x3a: {  	[tilespmem:$0x77B0] =	vst v0  }
0x3b: {  	[tilespmem:$0x77C0] =	vst v0  }
0x3c: {  	[tilespmem:$0x77D0] =	vst v0  }
0x3d: {  	[tilespmem:$0x77E0] =	vst v0  }
0x3e: {  	[tilespmem:$0x77F0] =	vst v0  }
0x3f: {  	[tilespmem:$0x7800] =	vst v0  }
0x40: {  	[tilespmem:$0x7810] =	vst v0  }
0x41: {  	[tilespmem:$0x7820] =	vst v0  }
0x42: {  	[tilespmem:$0x7830] =	vst v0  }
0x43: {  	[tilespmem:$0x7840] =	vst v0  }
0x44: {  	[tilespmem:$0x7850] =	vst v0  }
0x45: {  	[tilespmem:$0x7860] =	vst v0  }
0x46: {  	[tilespmem:$0x7870] =	vst v0  }
0x47: {  	[tilespmem:$0x7880] =	vst v0  }
0x48: {  	[tilespmem:$0x7890] =	vst v0  }
0x49: {  	[tilespmem:$0x78A0] =	vst v0  }
0x4a: {  	[tilespmem:$0x78B0] =	vst v0  }
0x4b: {  	[tilespmem:$0x78C0] =	vst v0  }
0x4c: {  	[tilespmem:$0x78D0] =	vst v0  }
0x4d: {  	[tilespmem:$0x78E0] =	vst v0  }
0x4e: {  	[tilespmem:$0x78F0] =	vst v0  }
0x4f: {  	[tilespmem:$0x7900] =	vst v0  }
0x50: {  	[tilespmem:$0x7910] =	vst v0  }
0x51: {  	[tilespmem:$0x7920] =	vst v0  }
0x52: {  	[tilespmem:$0x7930] =	vst v0  }
0x53: {  	[tilespmem:$0x7940] =	vst v0  }
0x54: {  	[tilespmem:$0x7950] =	vst v0  }
0x55: {  	[tilespmem:$0x7960] =	vst v0  }
0x56: {  	[tilespmem:$0x7970] =	vst v0  }
0x57: {  	[tilespmem:$0x7980] =	vst v0  }
0x58: {  	[tilespmem:$0x7990] =	vst v0  }
0x59: {  	[tilespmem:$0x79A0] =	vst v0  }
0x5a: {  	[tilespmem:$0x79B0] =	vst v0  }
0x5b: {  	[tilespmem:$0x79C0] =	vst v0  }
0x5c: {  	[tilespmem:$0x79D0] =	vst v0  }
0x5d: {  	[tilespmem:$0x79E0] =	vst v0  }
0x5e: {  	[tilespmem:$0x79F0] =	vst v0;
	p4 =	sne.s32 s8, $0x1  }
.Ltmp2:
0x5f: {  	[tilespmem:$0x7A00] =	vst v0;
	(pc) =	sbr.rel @!p4 .LBB2_3-.Ltmp2, $4  }
0x60: {  	[tilespmem:$0x7A10] =	vst v0  }
0x61: {  	[spmem:s9] =	stream.linear.scatter [tilespmem:s23], [sflag:$0x2], $0x400, $0x38;
	[tilespmem:$0x1BD38] =	vst v63  }
0x62: {  	_ =	swait.ge [sflag:s24], $0x400  }
0x63: {  	s0 =	sadd.s32 $0xFFFFFFFF, s8;
	s1 =	smov.u32 s9;
	[sflag:s24] =	ssyncset.done $0x0  }
.LBB2_2:
0x64: {  	p4 =	sne.s32 s0, $0x1;
	[sflag:s24] =	ssyncadd.s32 $0xFFFFFC00;
	s1 =	sadd.s32 $0x400, s1  }
.Ltmp3:
0x65: {  	s0 =	sadd.s32 $0xFFFFFFFF, s0;
	(pc) =	sbr.rel @p4 .LBB2_2-.Ltmp3, $4  }
0x66: {  	_ = 	snop  }
0x67: {  	[spmem:s1] =	stream.linear.scatter [tilespmem:s23], [sflag:$0x2], $0x400, $0x38;
	[tilespmem:$0x1BD38] =	vst v63  }
0x68: {  	_ =	swait.ge [sflag:s24], $0x400  }
0x69: {  	[sflag:s24] =	ssyncset.done $0x0  }
.LBB2_3:
.Ltmp4:
0x6a: {  	(pc) =	sbr.rel @!p1 .LBB2_7-.Ltmp4, $2  }
0x6b: {  	_ =	sdelay $0x2  }
0x6c: {  	[sflag:s24] =	ssyncadd.s32 $0xFFFFFC00  }
0x6d: {  	s0 =	simm.s32 $0x40;
	s1 =	simm.s32 $0x0  }
.LBB2_5:
0x6e: {  	p4 =	seq.s32 s0, $0x1F00;
	[tilespmem:s1+$0x1B2F0] =	vst v0;
	s1 =	smov.u32 s0;
	s0 =	sadd.s32 $0x40, s0  }
.Ltmp5:
0x6f: {  	(pc) =	sbr.rel @!p4 .LBB2_5-.Ltmp5, $2  }
0x70: {  	_ =	sdelay $0x2  }
0x71: {  	s1 =	sshra.s32 s1, $0x2  }
0x72: {  	[tilespmem:s1+$0x1B2F0] =	vst v0  }
0x73: {  	[spmem:s4] =	stream.linear.scatter [tilespmem:s25], [sflag:$0x2], $0x7D0, $0x38;
	[tilespmem:$0x1BD38] =	vst v63  }
0x74: {  	_ =	swait.ge [sflag:s24], $0x7D0  }
0x75: {  	[sflag:s24] =	ssyncset.done $0x0  }
0x76: {  	s0 =	rddreg [dreg:$0x8];
	[sflag:s24] =	ssyncadd.s32 $0xFFFFF830  }
0x77: {  	[spmem:s0] =	stream.linear.scatter [tilespmem:s25], [sflag:$0x2], $0x7D0, $0x38;
	[tilespmem:$0x1BD38] =	vst v63  }
0x78: {  	_ =	swait.ge [sflag:s24], $0x7D0  }
0x79: {  	[sflag:s24] =	ssyncset.done $0x0  }
0x7a: {  	s20 =	rddreg [dreg:$0x9];
	[sflag:s24] =	ssyncadd.s32 $0xFFFFF830  }
0x7b: {  	[spmem:s20] =	stream.linear.scatter [tilespmem:s25], [sflag:$0x2], $0x7D0, $0x38;
	[tilespmem:$0x1BD38] =	vst v63  }
0x7c: {  	_ =	swait.ge [sflag:s24], $0x7D0  }
0x7d: {  	[sflag:s24] =	ssyncset.done $0x0  }
0x7e: {  	s21 =	rddreg [dreg:$0xa];
	[sflag:s24] =	ssyncadd.s32 $0xFFFFF830  }
0x7f: {  	[spmem:s21] =	stream.linear.scatter [tilespmem:s25], [sflag:$0x2], $0x7D0, $0x38;
	[tilespmem:$0x1BD38] =	vst v63  }
0x80: {  	_ =	swait.ge [sflag:s24], $0x7D0  }
0x81: {  	[sflag:s24] =	ssyncset.done $0x0  }
0x82: {  	s22 =	rddreg [dreg:$0xb];
	[sflag:s24] =	ssyncadd.s32 $0xFFFFF830  }
0x83: {  	[spmem:s22] =	stream.linear.scatter [tilespmem:s25], [sflag:$0x2], $0x7D0, $0x38;
	[tilespmem:$0x1BD38] =	vst v63  }
0x84: {  	_ =	swait.ge [sflag:s24], $0x7D0  }
0x85: {  	[sflag:s24] =	ssyncset.done $0x0  }
0x86: {  	[sflag:s24] =	ssyncadd.s32 $0xFFFFF830  }
.LBB2_7:
0x87: {  	v1 =	vimm.f32 @!p0 $1.000000000e+00  }
0x88: {  	[tilespmem:$0x1B2A0] =	vst @!p0 v1  }
0x89: {  	[tilespmem:$0x1B2B0] =	vst @!p0 v1  }
0x8a: {  	[tilespmem:$0x1B2C0] =	vst @!p0 v1  }
0x8b: {  	[tilespmem:$0x1B2D0] =	vst @!p0 v1  }
0x8c: {  	s0 =	simm.s32 $0x0;
	[tilespmem:$0x1B2E0] =	vst @!p0 v1  }
0x8d: {  	[tilespmem:s0], [sflag:$0x2] =	stream.linear.gather [hbm4b:s10+s0], $0x2710, $0x38;
	[tilespmem:$0x1BD38] =	vst v63  }
0x8e: {  	_ =	swait.ge [sflag:s24], $0x2710  }
0x8f: {  	[sflag:s24] =	ssyncset.done $0x0  }
0x90: {  	[sflag:s24] =	ssyncadd.s32 $0xFFFFD8F0  }
0x91: {  	[tilespmem:s26], [sflag:$0x2] =	stream.linear.gather [hbm4b:s11+s0], $0x2710, $0x38;
	[tilespmem:$0x1BD38] =	vst v63  }
.Ltmp6:
0x92: {  	_ =	swait.ge [sflag:s24], $0x2710;
	(pc) =	sbr.rel @p0 .LBB2_13-.Ltmp6, $4  }
0x93: {  	[sflag:s24] =	ssyncset.done $0x0  }
0x94: {  	s1 =	sshll.u32 @p3 s2, $0x6;
	s20 =	sshrl.u32 @p3 s13, $0x3;
	[sflag:s24] =	ssyncadd.s32 $0xFFFFD8F0  }
0x95: {  	s12 =	sshll.u32 @!p3 s2, $0x6;
	s21 =	sor.u32 @p3 $0x1C02, s1;
	[bflag:$0x0] =	sbarrier.arrive $0xFFFF  }
0x96: {  	s19 =	sor.u32 @!p3 $0x1C02, s12;
	s1 =	simm.s32 $0x0;
	s0 =	sshrl.u32 @!p3 s15, $0x3  }
0x97: {  	[tilespmem:s29], [sflag:$0x1] =	stream.indirect.gather [hbm4b:s6+s28], $0x80, s1, s28, $0xb8;
	[tilespmem:$0x1BD38] =	vst v63  }
0x98: {  	_ =	swait.ge [sflag:s30], $0x2800  }
0x99: {  	[sflag:s30] =	ssyncset.done $0x0  }
0x9a: {  	s22 =	simm.s32 $0x2710;
	[sflag:s30] =	ssyncadd.s32 $0xFFFFD800  }
0x9b: {  	[spmem:s3] =	stream.indirect.scatter.add.f32 [tilespmem:s29], [sflag:$0x2], $0x80, s22, s28, $0xb8;
	[tilespmem:$0x1BD38] =	vst v63  }
0x9c: {  	s12 =	simm.s32 $0x280;
	_ =	swait.ge [sflag:s24], $0x2800  }
0x9d: {  	s1 =	simm.s32 $0x140;
	s22 =	simm.s32 $0x140;
	[sflag:s24] =	ssyncset.done $0x0  }
.LBB2_9:
0x9e: {  	s14 =	sshra.s32 s1, $0x2  }
0x9f: {  	[sflag:s24] =	ssyncadd.s32 $0xFFFFD800;
	s1 =	smov.u32 s12;
	s16 =	sadd.s32 $0x140, s12  }
0xa0: {  	[tilespmem:s29], [sflag:$0x1] =	stream.indirect.gather [hbm4b:s6+s28], $0x80, s14, s28, $0xb8;
	[tilespmem:$0x1BD38] =	vst v63  }
0xa1: {  	p4 =	seq.s32 s12, $0x9B00;
	_ =	swait.ge [sflag:s30], $0x2800  }
.Ltmp7:
0xa2: {  	[sflag:s30] =	ssyncset.done $0x0;
	(pc) =	sbr.rel @!p4 .LBB2_9-.Ltmp7, $4  }
0xa3: {  	s12 =	sadd.s32 $0x2710, s14;
	[sflag:s30] =	ssyncadd.s32 $0xFFFFD800  }
0xa4: {  	[spmem:s3] =	stream.indirect.scatter.add.f32 [tilespmem:s29], [sflag:$0x2], $0x80, s12, s28, $0xb8;
	[tilespmem:$0x1BD38] =	vst v63  }
0xa5: {  	_ =	swait.ge [sflag:s24], $0x2800  }
0xa6: {  	s12 =	smov.u32 s16;
	[sflag:s24] =	ssyncset.done $0x0  }
0xa7: {  	s1 =	sshra.s32 s1, $0x2;
	[sflag:s24] =	ssyncadd.s32 $0xFFFFD800  }
0xa8: {  	[tilespmem:s29], [sflag:$0x1] =	stream.indirect.gather [hbm4b:s6+s28], $0x80, s1, s28, $0xb8;
	[tilespmem:$0x1BD38] =	vst v63  }
0xa9: {  	_ =	swait.ge [sflag:s30], $0x2800  }
0xaa: {  	[sflag:s30] =	ssyncset.done $0x0  }
0xab: {  	s1 =	sadd.s32 $0x2710, s1;
	[sflag:s30] =	ssyncadd.s32 $0xFFFFD800  }
0xac: {  	[spmem:s3] =	stream.indirect.scatter.add.f32 [tilespmem:s29], [sflag:$0x2], $0x80, s1, s28, $0xb8;
	[tilespmem:$0x1BD38] =	vst v63  }
0xad: {  	_ =	swait.ge [sflag:s24], $0x2800  }
0xae: {  	[sflag:s24] =	ssyncset.done $0x0  }
0xaf: {  	s16 =	simm.s32 $0x2710;
	[sflag:s24] =	ssyncadd.s32 $0xFFFFD800  }
0xb0: {  	[spmem:s4] =	stream.indirect.scatter.add.f32 [tilespmem:s31], [sflag:$0x2], $0x1, s16, s28, $0xb8;
	[tilespmem:$0x1BD38] =	vst v63  }
0xb1: {  	_ =	swait.ge [sflag:s24], $0x50  }
.LBB2_11:
0xb2: {  	s1 =	sshra.s32 s22, $0x2;
	[sflag:s24] =	ssyncset.done $0x0;
	p4 =	sne.s32 s22, $0x9B00  }
.Ltmp8:
0xb3: {  	s1 =	sadd.s32 $0x2710, s1;
	[sflag:s24] =	ssyncadd.s32 $0xFFFFFFB0;
	(pc) =	sbr.rel @p4 .LBB2_11-.Ltmp8, $3  }
0xb4: {  	[spmem:s4] =	stream.indirect.scatter.add.f32 [tilespmem:s31], [sflag:$0x2], $0x1, s1, s28, $0xb8;
	[tilespmem:$0x1BD38] =	vst v63  }
0xb5: {  	s22 =	sadd.s32 $0x140, s22;
	_ =	sdelay $0x1  }
0xb6: {  	_ =	swait.ge [sflag:s24], $0x50  }
0xb7: {  	[sflag:s24] =	ssyncset.done $0x0  }
0xb8: {  	[sflag:s24] =	ssyncadd.s32 $0xFFFFFFB0  }
0xb9: {  	[bflag:$0x0] =	sbarrier.arrive $0xFFFF  }
0xba: {  	s1 =	rddreg [dreg:$0x5]  }
0xbb: {  	[hbm:s1], [sflag:s21] =	dma.local @p3 [spmem:s20], $0x2700  }
0xbc: {  	s1 =	simm.s32 @p3 $0x2  }
0xbd: {  	_ =	swait.ge @p3 [sflag:s1], $0x2700  }
0xbe: {  	[sflag:s1] =	ssyncset.done @p3 $0x0  }
0xbf: {  	[sflag:s1] =	ssyncadd.s32 @p3 $0xFFFFD900;
	s1 =	rddreg [dreg:$0x6]  }
0xc0: {  	[hbm:s1], [sflag:s19] =	dma.local @!p3 [spmem:s0], $0x2780  }
.Ltmp9:
0xc1: {  	_ = 	snop;
	(pc) =	sbr.rel .LBB2_16-.Ltmp9, $4  }
0xc2: {  	s0 =	simm.s32 @!p3 $0x2  }
0xc3: {  	_ =	swait.ge @!p3 [sflag:s0], $0x2780  }
0xc4: {  	[sflag:s0] =	ssyncset.done @!p3 $0x0  }
0xc5: {  	[sflag:s0] =	ssyncadd.s32 @!p3 $0xFFFFD880  }
.LBB2_13:
0xc6: {  	[tilespmem:s29], [sflag:$0x1] =	stream.indirect.gather [hbm4b:s7+s28], $0x80, s1, s28, $0xb8;
	[tilespmem:$0x1BD38] =	vst v63  }
0xc7: {  	_ =	swait.ge [sflag:s30], $0x2800  }
0xc8: {  	[sflag:s30] =	ssyncset.done $0x0  }
0xc9: {  	s22 =	simm.s32 $0x2710;
	[sflag:s30] =	ssyncadd.s32 $0xFFFFD800  }
0xca: {  	[spmem:s3] =	stream.indirect.scatter.add.f32 [tilespmem:s29], [sflag:$0x2], $0x80, s22, s28, $0xb8;
	[tilespmem:$0x1BD38] =	vst v63  }
0xcb: {  	_ =	swait.ge [sflag:s24], $0x2800  }
0xcc: {  	s1 =	simm.s32 $0x280;
	s22 =	simm.s32 $0x140;
	[sflag:s24] =	ssyncset.done $0x0  }
.LBB2_14:
0xcd: {  	s12 =	sshra.s32 s22, $0x2  }
0xce: {  	[sflag:s24] =	ssyncadd.s32 $0xFFFFD800;
	s22 =	smov.u32 s1;
	s14 =	sadd.s32 $0x140, s1  }
0xcf: {  	[tilespmem:s29], [sflag:$0x1] =	stream.indirect.gather [hbm4b:s7+s28], $0x80, s12, s28, $0xb8;
	[tilespmem:$0x1BD38] =	vst v63  }
0xd0: {  	p4 =	seq.s32 s1, $0x9B00;
	_ =	swait.ge [sflag:s30], $0x2800  }
.Ltmp10:
0xd1: {  	[sflag:s30] =	ssyncset.done $0x0;
	(pc) =	sbr.rel @!p4 .LBB2_14-.Ltmp10, $4  }
0xd2: {  	s1 =	sadd.s32 $0x2710, s12;
	[sflag:s30] =	ssyncadd.s32 $0xFFFFD800  }
0xd3: {  	[spmem:s3] =	stream.indirect.scatter.add.f32 [tilespmem:s29], [sflag:$0x2], $0x80, s1, s28, $0xb8;
	[tilespmem:$0x1BD38] =	vst v63  }
0xd4: {  	_ =	swait.ge [sflag:s24], $0x2800  }
0xd5: {  	s1 =	smov.u32 s14;
	[sflag:s24] =	ssyncset.done $0x0  }
0xd6: {  	s1 =	sshra.s32 s22, $0x2;
	[sflag:s24] =	ssyncadd.s32 $0xFFFFD800  }
0xd7: {  	[tilespmem:s29], [sflag:$0x1] =	stream.indirect.gather [hbm4b:s7+s28], $0x80, s1, s28, $0xb8;
	[tilespmem:$0x1BD38] =	vst v63  }
0xd8: {  	_ =	swait.ge [sflag:s30], $0x2800  }
0xd9: {  	[sflag:s30] =	ssyncset.done $0x0  }
0xda: {  	s1 =	sadd.s32 $0x2710, s1;
	[sflag:s30] =	ssyncadd.s32 $0xFFFFD800  }
0xdb: {  	[spmem:s3] =	stream.indirect.scatter.add.f32 [tilespmem:s29], [sflag:$0x2], $0x80, s1, s28, $0xb8;
	[tilespmem:$0x1BD38] =	vst v63  }
0xdc: {  	_ =	swait.ge [sflag:s24], $0x2800  }
0xdd: {  	[sflag:s24] =	ssyncset.done $0x0  }
0xde: {  	[sflag:s24] =	ssyncadd.s32 $0xFFFFD800  }
0xdf: {  	[bflag:$0x0] =	sbarrier.arrive $0xFFFF  }
0xe0: {  	s1 =	rddreg [dreg:$0x7]  }
0xe1: {  	[hbm:s1], [sflag:s21] =	dma.local @p3 [spmem:s20], $0x2700  }
0xe2: {  	s1 =	simm.s32 @p3 $0x2  }
0xe3: {  	_ =	swait.ge @p3 [sflag:s1], $0x2700  }
0xe4: {  	[sflag:s1] =	ssyncset.done @p3 $0x0  }
0xe5: {  	[sflag:s1] =	ssyncadd.s32 @p3 $0xFFFFD900  }
0xe6: {  	[hbm:s17], [sflag:s19] =	dma.local @!p3 [spmem:s0], $0x2780  }
.Ltmp11:
0xe7: {  	_ = 	snop;
	(pc) =	sbr.rel .LBB2_16-.Ltmp11, $4  }
0xe8: {  	s0 =	simm.s32 @!p3 $0x2  }
0xe9: {  	_ =	swait.ge @!p3 [sflag:s0], $0x2780  }
0xea: {  	[sflag:s0] =	ssyncset.done @!p3 $0x0  }
0xeb: {  	[sflag:s0] =	ssyncadd.s32 @!p3 $0xFFFFD880  }
.LBB2_17:
0xec: {  	_ =	sfence.sel $0x180000  }
0xed: {  	[bflag:$0x0] =	sbarrier.arrive $0xFFFF  }
0xee: {  	_ =	strace $0x90000047  }
0xef: {  	[bflag:$0x2] =	sbarrier.arrive $0xFFFF  }
0xf0: {  	p0 =	sne.s32 s2, $0x0;
	s0 =	rddreg [dreg:$0x4]  }
0xf1: {  	s0 =	sadd.s32 @!p0 $0x100000, s0  }
0xf2: {  	[sflag:s0] =	ssyncadd.tile.s32 @!p0 $0x1;
	_ =	shalt  }
.Lfunc_end2:
_tile_overlayer_lowered:
.L_overlay_start_2:
0xf3: {  	(tag) =	ssettag $0x2  }
0xf4: {  	s0 =	rddreg [dreg:$0x0];
	s2 =	stileid.u32  }
0xf5: {  	s1 =	rddreg [dreg:$0x1];
	p0 =	sne.s32 s2, $0x0  }
0xf6: {  	s3 =	rddreg [dreg:$0x2];
	[bflag:$0x3] =	sbarrier.arrive $0xFFFF;
	s2 =	simm.s32 @!p0 $0x1C02  }
0xf7: {  	[timem:s3], [sflag:s2] =	dma.local @!p0 [hbm:s0], s1  }
0xf8: {  	s0 =	simm.s32 @!p0 $0x2  }
0xf9: {  	_ =	swait.ge @!p0 [sflag:s0], s1  }
0xfa: {  	s1 =	ssub.s32 @!p0 $0x0, s1;
	[sflag:s0] =	ssyncset.done @!p0 $0x0  }
0xfb: {  	[sflag:s0] =	ssyncadd.s32 @!p0 s1  }
0xfc: {  	[bflag:$0x3] =	sbarrier.arrive $0xFFFF  }
0xfd: {  	_ =	shalt  }

</sc_bundles>
